<compile_context>
chip_gen: v7x
topology: tpu7x:2x2x1
jax: 0.10.2.dev20260603
libtpu: 0.0.44.dev20260713+nightly
codegen_flags: <defaults>
</compile_context>

<pallas_src>
import functools

import jax
import jax.numpy as jnp
from jax import lax
from jax.experimental import pallas as pl
from jax.experimental.pallas import tpu as pltpu
from jax.experimental.pallas import tpu_sc as plsc

N = 10000
E = 320000
F = 128
NR = 16
ALPHA = 0.2

NC = 2
NS = 16
NW = NC * NS
EPW = E // NW
B = 80
NB = EPW // B
WEE = 32
RPT = 624
NTAIL = N - RPT * NS


def _sc_body(e0_hbm, e1_hbm, ee_hbm, sp_hbm, v_hbm, su_hbm, sv_hbm,
             outV_hbm, outE_hbm,
             e0_b4, e1_b4, sp_b4, ee_b2, sug_b2, svg_b2, w_b, rows_b2, wee_b2,
             accV, accEW, sem_sl, sem_ee, sem_g, sem_sc):
    c = lax.axis_index("c")
    s = lax.axis_index("s")
    wid = c * NS + s
    base = wid * EPW

    zv = jnp.zeros((16,), jnp.float32)

    def _zrow(e, _):
        for j in range(F // 16):
            rows_b2[0, e, pl.ds(j * 16, 16)] = zv
        for j in range(WEE // 16):
            wee_b2[0, e, pl.ds(j * 16, 16)] = zv
            wee_b2[1, e, pl.ds(j * 16, 16)] = zv
        return 0
    lax.fori_loop(0, B, _zrow, 0)

    for k in range(RPT // B):
        r0 = s * RPT + k * B
        pltpu.sync_copy(rows_b2.at[0], accV.at[pl.ds(r0, B), :])
        pltpu.sync_copy(wee_b2.at[0], accEW.at[pl.ds(r0, B), :])
    r0 = s * RPT + (RPT // B) * B
    rem = RPT - (RPT // B) * B
    if rem:
        pltpu.sync_copy(rows_b2.at[0, pl.ds(0, rem), :],
                        accV.at[pl.ds(r0, rem), :])
        pltpu.sync_copy(wee_b2.at[0, pl.ds(0, rem), :],
                        accEW.at[pl.ds(r0, rem), :])

    @pl.when(s == NS - 1)
    def _ztail():
        pltpu.sync_copy(rows_b2.at[0, pl.ds(0, NTAIL), :],
                        accV.at[pl.ds(RPT * NS, NTAIL), :])
        pltpu.sync_copy(wee_b2.at[0, pl.ds(0, NTAIL), :],
                        accEW.at[pl.ds(RPT * NS, NTAIL), :])

    plsc.subcore_barrier()


    def _sl_descs(bi):
        sp = bi & 3
        off = pl.multiple_of(base + bi * B, B)
        return (
            pltpu.make_async_copy(e0_hbm.at[pl.ds(off, B)], e0_b4.at[sp], sem_sl),
            pltpu.make_async_copy(e1_hbm.at[pl.ds(off, B)], e1_b4.at[sp], sem_sl),
        )

    def _g_descs(bi):
        sp = bi & 3
        p = bi & 1
        return (
            pltpu.make_async_copy(v_hbm.at[e1_b4.at[sp]], rows_b2.at[p], sem_g),
            pltpu.make_async_copy(su_hbm.at[e0_b4.at[sp]], sug_b2.at[p], sem_g),
            pltpu.make_async_copy(sv_hbm.at[e1_b4.at[sp]], svg_b2.at[p], sem_g),
        )

    def _ee_descs(bi):
        p = bi & 1
        off = pl.multiple_of(base + bi * B, B)
        off8 = pl.multiple_of((base + bi * B) // 8, 2)
        return (
            pltpu.make_async_copy(ee_hbm.at[pl.ds(off, B), :],
                                  ee_b2.at[p], sem_ee),
            pltpu.make_async_copy(sp_hbm.at[pl.ds(off8, B // 8), pl.ds(0, 64)],
                                  sp_b4.at[pl.ds(p * (B // 8), B // 8), :],
                                  sem_ee),
        )

    def _issue_gathers(bi):
        for d in _ee_descs(bi):
            d.start()
        for d in _g_descs(bi):
            d.start()

    def _sc_descs(bi):
        sp = bi & 3
        p = bi & 1
        return (
            pltpu.make_async_copy(rows_b2.at[p], accV.at[e0_b4.at[sp]], sem_sc),
            pltpu.make_async_copy(wee_b2.at[p], accEW.at[e0_b4.at[sp]], sem_sc),
        )

    for d in _sl_descs(0):
        d.start()
    for d in _sl_descs(1):
        d.start()
    for d in _sl_descs(0):
        d.wait()
    _issue_gathers(0)

    def _batch(i, _):
        p = i & 1

        @pl.when(i + 1 < NB)
        def _():
            for d in _sl_descs(i + 1):
                d.wait()

        @pl.when(i >= 1)
        def _():
            for d in _sc_descs(i - 1):
                d.wait()

        @pl.when(i + 1 < NB)
        def _():
            _issue_gathers(i + 1)

        for d in _ee_descs(i):
            d.wait()
        for d in _g_descs(i):
            d.wait()

        lanes = lax.iota(jnp.int32, 16)
        wcol = jnp.full((16,), NR, jnp.int32)
        pfull = jnp.full((16,), p, jnp.int32)
        sprow0 = p * (B // 8)
        for j in range(B // 16):
            sl = pl.ds(j * 16, 16)
            rows16 = lanes + j * 16
            sev = plsc.load_gather(
                sp_b4,
                [(lanes >> 3) + (sprow0 + 2 * j), lanes & 7])
            z = sug_b2[p, sl] + svg_b2[p, sl] + sev
            w = jnp.exp(jnp.minimum(-z, (-ALPHA) * z))
            w_b[sl] = w
            plsc.store_scatter(wee_b2, [pfull, rows16, wcol], w)

        def _edge(e, _):
            wv = plsc.load_gather(w_b, [jnp.full((16,), e, jnp.int32)])
            for j in range(F // 16):
                sl = pl.ds(j * 16, 16)
                rows_b2[p, e, sl] = wv * rows_b2[p, e, sl]
            wee_b2[p, e, pl.ds(0, 16)] = wv * ee_b2[p, e, :]
            return 0
        lax.fori_loop(0, B, _edge, 0)

        for d in _sc_descs(i):
            d.start(add=True)

        @pl.when(i + 2 < NB)
        def _():
            for d in _sl_descs(i + 2):
                d.start()
        return 0

    lax.fori_loop(0, NB, _batch, 0)
    for d in _sc_descs(NB - 1):
        d.wait()

    plsc.subcore_barrier()

    for k in range(RPT // B):
        r0 = s * RPT + k * B
        pltpu.sync_copy(accV.at[pl.ds(r0, B), :], outV_hbm.at[c, pl.ds(r0, B), :])
        pltpu.sync_copy(accEW.at[pl.ds(r0, B), :], outE_hbm.at[c, pl.ds(r0, B), :])
    r0 = s * RPT + (RPT // B) * B
    if rem:
        pltpu.sync_copy(accV.at[pl.ds(r0, rem), :],
                        outV_hbm.at[c, pl.ds(r0, rem), :])
        pltpu.sync_copy(accEW.at[pl.ds(r0, rem), :],
                        outE_hbm.at[c, pl.ds(r0, rem), :])

    @pl.when(s == NS - 1)
    def _ctail():
        pltpu.sync_copy(accV.at[pl.ds(RPT * NS, NTAIL), :],
                        outV_hbm.at[c, pl.ds(RPT * NS, NTAIL), :])
        pltpu.sync_copy(accEW.at[pl.ds(RPT * NS, NTAIL), :],
                        outE_hbm.at[c, pl.ds(RPT * NS, NTAIL), :])


def _sc_call(e0, e1, ee, se_pack, v, su, sv):
    mesh = plsc.VectorSubcoreMesh(core_axis_name="c", subcore_axis_name="s")
    kern = functools.partial(
        pl.kernel,
        mesh=mesh,
        out_type=(jax.ShapeDtypeStruct((NC, N, F), jnp.float32),
                  jax.ShapeDtypeStruct((NC, N, WEE), jnp.float32)),
        compiler_params=pltpu.CompilerParams(use_tc_tiling_on_sc=False,
                                             needs_layout_passes=False),
        scratch_types=[
            pltpu.VMEM((4, B), jnp.int32),
            pltpu.VMEM((4, B), jnp.int32),
            pltpu.VMEM((2 * (B // 8), 64), jnp.float32),
            pltpu.VMEM((2, B, NR), jnp.float32),
            pltpu.VMEM((2, B), jnp.float32),
            pltpu.VMEM((2, B), jnp.float32),
            pltpu.VMEM((B,), jnp.float32),
            pltpu.VMEM((2, B, F), jnp.float32),
            pltpu.VMEM((2, B, WEE), jnp.float32),
            pltpu.VMEM_SHARED((N, F), jnp.float32),
            pltpu.VMEM_SHARED((N, WEE), jnp.float32),
            pltpu.SemaphoreType.DMA,
            pltpu.SemaphoreType.DMA,
            pltpu.SemaphoreType.DMA,
            pltpu.SemaphoreType.DMA,
        ],
    )(_sc_body)
    return kern(e0, e1, ee, se_pack, v, su, sv)


E8 = E // 8


def _pre_body(x_ref, wu_ref, wv_ref, cs_ref, eel_ref, d_ref,
              u_ref, v_ref, suv_ref, sp_ref):
    xb = x_ref[...]
    u_ref[...] = jnp.dot(xb, wu_ref[...], preferred_element_type=jnp.float32)
    v_ref[...] = jnp.dot(xb, wv_ref[...], preferred_element_type=jnp.float32)
    suv_ref[...] = jnp.dot(xb, cs_ref[...], preferred_element_type=jnp.float32)
    sp_ref[...] = jnp.dot(eel_ref[...], d_ref[...],
                          preferred_element_type=jnp.float32)


def _pre_call(x, wu, wv, cs, eel, d):
    blk = 1000
    return pl.pallas_call(
        _pre_body,
        grid=(N // blk,),
        in_specs=[
            pl.BlockSpec((blk, F), lambda i: (i, 0)),
            pl.BlockSpec((F, F), lambda i: (0, 0)),
            pl.BlockSpec((F, F), lambda i: (0, 0)),
            pl.BlockSpec((F, F), lambda i: (0, 0)),
            pl.BlockSpec((E8 // 10, F), lambda i: (i, 0)),
            pl.BlockSpec((F, F), lambda i: (0, 0)),
        ],
        out_specs=[
            pl.BlockSpec((blk, F), lambda i: (i, 0)),
            pl.BlockSpec((blk, F), lambda i: (i, 0)),
            pl.BlockSpec((blk, F), lambda i: (i, 0)),
            pl.BlockSpec((E8 // 10, F), lambda i: (i, 0)),
        ],
        out_shape=[
            jax.ShapeDtypeStruct((N, F), jnp.float32),
            jax.ShapeDtypeStruct((N, F), jnp.float32),
            jax.ShapeDtypeStruct((N, F), jnp.float32),
            jax.ShapeDtypeStruct((E8, F), jnp.float32),
        ],
    )(x, wu, wv, cs, eel, d)


def _post_body(accv_ref, acce_ref, u_ref, a2t_ref, o_ref):
    accv = accv_ref[0] + accv_ref[1]
    accew = acce_ref[0] + acce_ref[1]
    acce = accew[:, :NR]
    rs = accew[:, NR:NR + 1]
    denom = jnp.where(rs == 0.0, 1e-12, rs)
    ind = jnp.where(rs > 0.0, 1.0, 0.0)
    h = u_ref[...] * ind + (accv + jnp.dot(acce, a2t_ref[...],
                                           preferred_element_type=jnp.float32)) / denom
    o_ref[...] = jnp.where(h > 0.0, h, jnp.exp(h) - 1.0)


def _post_call(accv, accew, u, a2t):
    blk = 1000
    return pl.pallas_call(
        _post_body,
        grid=(N // blk,),
        in_specs=[
            pl.BlockSpec((NC, blk, F), lambda i: (0, i, 0)),
            pl.BlockSpec((NC, blk, WEE), lambda i: (0, i, 0)),
            pl.BlockSpec((blk, F), lambda i: (i, 0)),
            pl.BlockSpec((NR, F), lambda i: (0, 0)),
        ],
        out_specs=pl.BlockSpec((blk, F), lambda i: (i, 0)),
        out_shape=jax.ShapeDtypeStruct((N, F), jnp.float32),
    )(accv, accew, u, a2t)


def kernel(input, edge, edge_embed, a, a_2):
    x = input
    a0t = a[:, :F].T
    a1t = a[:, F:2 * F].T
    a2t = a[:, 2 * F:].T
    c = (a_2 @ a)[0]
    cs = jnp.zeros((F, F), jnp.float32)
    cs = cs.at[:, 0].set(c[:F]).at[:, 1].set(c[F:2 * F])
    c2 = c[2 * F:]
    d = jnp.zeros((F, F), jnp.float32)
    d = d.at[jnp.arange(F), jnp.arange(F) // NR].set(jnp.tile(c2, 8))
    eel = edge_embed.reshape(E8, F)

    u, v, suv, se_pack = _pre_call(x, a0t, a1t, cs, eel, d)
    su = suv[:, 0]
    sv = suv[:, 1]

    e0 = edge[0]
    e1 = edge[1]

    accv, accew = _sc_call(e0, e1, edge_embed, se_pack, v, su, sv)
    return _post_call(accv, accew, u, a2t)

# --- scband reference (transcript-rebuilt; emitter-appended) ---
"""Pipeline reference for scband-sp-graph-attention-layer-36627481101221 (READ-ONLY COPY).

The authoritative reference and input builder live on the scoring server;
editing this copy changes nothing except your own understanding.
"""

import jax, jax.numpy as jnp
import numpy as np

N = 10000
E = 320000
IN_FEAT = 128
OUT_FEAT = 128
NRELA = 16
ALPHA = 0.2


def setup_inputs(seed: int = 0) -> dict:
    key = jax.random.key(seed)
    k1, k2, k3, k4, k5 = jax.random.split(key, 5)
    x = jax.random.normal(k1, (N, IN_FEAT), dtype=jnp.float32)
    edge = jax.random.randint(k2, (2, E), 0, N, dtype=jnp.int32)
    edge_embed = jax.random.normal(k3, (E, NRELA), dtype=jnp.float32)
    # xavier_normal_ with gain=1.414
    fan_in_a = 2 * IN_FEAT + NRELA
    std_a = 1.414 * np.sqrt(2.0 / (fan_in_a + OUT_FEAT))
    a = jax.random.normal(k4, (OUT_FEAT, 2 * IN_FEAT + NRELA), dtype=jnp.float32) * std_a
    std_a2 = 1.414 * np.sqrt(2.0 / (1 + OUT_FEAT))
    a_2 = jax.random.normal(k5, (1, OUT_FEAT), dtype=jnp.float32) * std_a2
    return {"input": x, "edge": edge, "edge_embed": edge_embed, "a": a, "a_2": a_2}


def reference(input, edge, edge_embed, a, a_2):
    n = input.shape[0]
    edge0 = edge[0, :]
    edge1 = edge[1, :]
    # edge_h: (2*in + nrela, E)
    edge_h = jnp.concatenate([input[edge0, :], input[edge1, :], edge_embed], axis=1).T
    # edge_m: (out, E)
    edge_m = a @ edge_h
    # powers: (E,)
    powers = -jax.nn.leaky_relu((a_2 @ edge_m).squeeze(), negative_slope=ALPHA)
    edge_e = jnp.exp(powers)  # (E,)
    # rowsum over dst nodes (edge[0]) of exp weights -> (N, 1)
    e_rowsum = jax.ops.segment_sum(edge_e[:, None], edge0, num_segments=n)
    e_rowsum = jnp.where(e_rowsum == 0.0, 1e-12, e_rowsum)
    # dropout p=0.0 -> identity
    edge_w = (edge_e * edge_m).T  # (E, out)
    h_prime = jax.ops.segment_sum(edge_w, edge0, num_segments=n)
    h_prime = h_prime / e_rowsum
    return jax.nn.elu(h_prime)

if __name__ == "__main__":
    import jax
    _d = setup_inputs()
    print(jax.jit(kernel)(*tuple(_d.values())))

</pallas_src>

<mosaic_0001>
#map = affine_map<(d0, d1) -> (0)>
#map1 = affine_map<(d0, d1) -> (0, 0)>
#map2 = affine_map<(d0, d1) -> (0, 0, 0)>
module attributes {stable_mosaic.version = 14 : i64} {
  func.func @_sc_body(%arg0: i32, %arg1: i32, %arg2: memref<320000xi32, #tpu.memory_space<hbm>>, %arg3: memref<320000xi32, #tpu.memory_space<hbm>>, %arg4: memref<320000x16xf32, #tpu.memory_space<hbm>>, %arg5: memref<40000x128xf32, #tpu.memory_space<hbm>>, %arg6: memref<10000x128xf32, #tpu.memory_space<hbm>>, %arg7: memref<10000xf32, #tpu.memory_space<hbm>>, %arg8: memref<10000xf32, #tpu.memory_space<hbm>>, %arg9: memref<2x10000x128xf32, #tpu.memory_space<hbm>>, %arg10: memref<2x10000x32xf32, #tpu.memory_space<hbm>>, %arg11: memref<4x80xi32, #tpu.memory_space<vmem>>, %arg12: memref<4x80xi32, #tpu.memory_space<vmem>>, %arg13: memref<20x64xf32, #tpu.memory_space<vmem>>, %arg14: memref<2x80x16xf32, #tpu.memory_space<vmem>>, %arg15: memref<2x80xf32, #tpu.memory_space<vmem>>, %arg16: memref<2x80xf32, #tpu.memory_space<vmem>>, %arg17: memref<80xf32, #tpu.memory_space<vmem>>, %arg18: memref<2x80x128xf32, #tpu.memory_space<vmem>>, %arg19: memref<2x80x32xf32, #tpu.memory_space<vmem>>, %arg20: memref<10000x128xf32, #tpu.memory_space<vmem_shared>>, %arg21: memref<10000x32xf32, #tpu.memory_space<vmem_shared>>, %arg22: memref<!tpu.dma_semaphore, #tpu.memory_space<semaphore_mem>>, %arg23: memref<!tpu.dma_semaphore, #tpu.memory_space<semaphore_mem>>, %arg24: memref<!tpu.dma_semaphore, #tpu.memory_space<semaphore_mem>>, %arg25: memref<!tpu.dma_semaphore, #tpu.memory_space<semaphore_mem>>) attributes {dimension_semantics = [#tpu.dimension_semantics<core_parallel>, #tpu.dimension_semantics<subcore_parallel>], iteration_bounds = array<i64: 2, 16>, scalar_prefetch = 0 : i64, scratch_operands = 15 : i64, tpu.core_type = #tpu.core_type<sc_vector_subcore>, window_params = [{transform_indices = #map}, {transform_indices = #map}, {transform_indices = #map1}, {transform_indices = #map1}, {transform_indices = #map1}, {transform_indices = #map}, {transform_indices = #map}, {transform_indices = #map2}, {transform_indices = #map2}]} {
    %mul3A = arith.constant 16 : i32
    %mul3A_0 = arith.muli %arg0, %mul3A : i32
    %add3A = arith.addi %mul3A_0, %arg1 : i32
    %mul3A_1 = arith.constant 10000 : i32
    %mul3A_2 = arith.muli %add3A, %mul3A_1 : i32
    %broadcast_in_dim3A = arith.constant 0.000000e+00 : f32
    %broadcast_in_dim3A_3 = vector.broadcast %broadcast_in_dim3A : f32 to vector<16xf32>
    %scan3A = arith.constant 0 : i32
    %scan3A_4 = arith.constant 0 : i32
    %scan3A_5 = arith.constant 80 : i32
    %scan3A_6 = arith.addi %scan3A_4, %scan3A_5 : i32
    %scan3A_7 = arith.constant 1 : i32
    %scan3A_8 = scf.for %scan3A_265 = %scan3A_4 to %scan3A_6 step %scan3A_7 iter_args(%scan3A_266 = %scan3A) -> (i32)  : i32 {
      %swap3A = arith.constant 0 : i32
      %swap3A_267 = arith.index_cast %swap3A : i32 to index
      %swap3A_268 = arith.index_cast %scan3A_265 : i32 to index
      %swap3A_269 = arith.constant 0 : index
      %swap3A_270 = tpu.vector_load %arg18[%swap3A_267, %swap3A_268, %swap3A_269] {strides = array<i32>} : memref<2x80x128xf32, #tpu.memory_space<vmem>>, vector<16xf32>,
      tpu.vector_store %arg18[%swap3A_267, %swap3A_268, %swap3A_269], %broadcast_in_dim3A_3 {strides = array<i32>} : memref<2x80x128xf32, #tpu.memory_space<vmem>>, vector<16xf32>,
      %swap3A_271 = arith.constant 0 : i32
      %swap3A_272 = arith.index_cast %swap3A_271 : i32 to index
      %swap3A_273 = arith.index_cast %scan3A_265 : i32 to index
      %swap3A_274 = arith.constant 16 : index
      %swap3A_275 = tpu.vector_load %arg18[%swap3A_272, %swap3A_273, %swap3A_274] {strides = array<i32>} : memref<2x80x128xf32, #tpu.memory_space<vmem>>, vector<16xf32>,
      tpu.vector_store %arg18[%swap3A_272, %swap3A_273, %swap3A_274], %broadcast_in_dim3A_3 {strides = array<i32>} : memref<2x80x128xf32, #tpu.memory_space<vmem>>, vector<16xf32>,
      %swap3A_276 = arith.constant 0 : i32
      %swap3A_277 = arith.index_cast %swap3A_276 : i32 to index
      %swap3A_278 = arith.index_cast %scan3A_265 : i32 to index
      %swap3A_279 = arith.constant 32 : index
      %swap3A_280 = tpu.vector_load %arg18[%swap3A_277, %swap3A_278, %swap3A_279] {strides = array<i32>} : memref<2x80x128xf32, #tpu.memory_space<vmem>>, vector<16xf32>,
      tpu.vector_store %arg18[%swap3A_277, %swap3A_278, %swap3A_279], %broadcast_in_dim3A_3 {strides = array<i32>} : memref<2x80x128xf32, #tpu.memory_space<vmem>>, vector<16xf32>,
      %swap3A_281 = arith.constant 0 : i32
      %swap3A_282 = arith.index_cast %swap3A_281 : i32 to index
      %swap3A_283 = arith.index_cast %scan3A_265 : i32 to index
      %swap3A_284 = arith.constant 48 : index
      %swap3A_285 = tpu.vector_load %arg18[%swap3A_282, %swap3A_283, %swap3A_284] {strides = array<i32>} : memref<2x80x128xf32, #tpu.memory_space<vmem>>, vector<16xf32>,
      tpu.vector_store %arg18[%swap3A_282, %swap3A_283, %swap3A_284], %broadcast_in_dim3A_3 {strides = array<i32>} : memref<2x80x128xf32, #tpu.memory_space<vmem>>, vector<16xf32>,
      %swap3A_286 = arith.constant 0 : i32
      %swap3A_287 = arith.index_cast %swap3A_286 : i32 to index
      %swap3A_288 = arith.index_cast %scan3A_265 : i32 to index
      %swap3A_289 = arith.constant 64 : index
      %swap3A_290 = tpu.vector_load %arg18[%swap3A_287, %swap3A_288, %swap3A_289] {strides = array<i32>} : memref<2x80x128xf32, #tpu.memory_space<vmem>>, vector<16xf32>,
      tpu.vector_store %arg18[%swap3A_287, %swap3A_288, %swap3A_289], %broadcast_in_dim3A_3 {strides = array<i32>} : memref<2x80x128xf32, #tpu.memory_space<vmem>>, vector<16xf32>,
      %swap3A_291 = arith.constant 0 : i32
      %swap3A_292 = arith.index_cast %swap3A_291 : i32 to index
      %swap3A_293 = arith.index_cast %scan3A_265 : i32 to index
      %swap3A_294 = arith.constant 80 : index
      %swap3A_295 = tpu.vector_load %arg18[%swap3A_292, %swap3A_293, %swap3A_294] {strides = array<i32>} : memref<2x80x128xf32, #tpu.memory_space<vmem>>, vector<16xf32>,
      tpu.vector_store %arg18[%swap3A_292, %swap3A_293, %swap3A_294], %broadcast_in_dim3A_3 {strides = array<i32>} : memref<2x80x128xf32, #tpu.memory_space<vmem>>, vector<16xf32>,
      %swap3A_296 = arith.constant 0 : i32
      %swap3A_297 = arith.index_cast %swap3A_296 : i32 to index
      %swap3A_298 = arith.index_cast %scan3A_265 : i32 to index
      %swap3A_299 = arith.constant 96 : index
      %swap3A_300 = tpu.vector_load %arg18[%swap3A_297, %swap3A_298, %swap3A_299] {strides = array<i32>} : memref<2x80x128xf32, #tpu.memory_space<vmem>>, vector<16xf32>,
      tpu.vector_store %arg18[%swap3A_297, %swap3A_298, %swap3A_299], %broadcast_in_dim3A_3 {strides = array<i32>} : memref<2x80x128xf32, #tpu.memory_space<vmem>>, vector<16xf32>,
      %swap3A_301 = arith.constant 0 : i32
      %swap3A_302 = arith.index_cast %swap3A_301 : i32 to index
      %swap3A_303 = arith.index_cast %scan3A_265 : i32 to index
      %swap3A_304 = arith.constant 112 : index
      %swap3A_305 = tpu.vector_load %arg18[%swap3A_302, %swap3A_303, %swap3A_304] {strides = array<i32>} : memref<2x80x128xf32, #tpu.memory_space<vmem>>, vector<16xf32>,
      tpu.vector_store %arg18[%swap3A_302, %swap3A_303, %swap3A_304], %broadcast_in_dim3A_3 {strides = array<i32>} : memref<2x80x128xf32, #tpu.memory_space<vmem>>, vector<16xf32>,
      %swap3A_306 = arith.constant 0 : i32
      %swap3A_307 = arith.index_cast %swap3A_306 : i32 to index
      %swap3A_308 = arith.index_cast %scan3A_265 : i32 to index
      %swap3A_309 = arith.constant 0 : index
      %swap3A_310 = tpu.vector_load %arg19[%swap3A_307, %swap3A_308, %swap3A_309] {strides = array<i32>} : memref<2x80x32xf32, #tpu.memory_space<vmem>>, vector<16xf32>,
      tpu.vector_store %arg19[%swap3A_307, %swap3A_308, %swap3A_309], %broadcast_in_dim3A_3 {strides = array<i32>} : memref<2x80x32xf32, #tpu.memory_space<vmem>>, vector<16xf32>,
      %swap3A_311 = arith.constant 1 : i32
      %swap3A_312 = arith.index_cast %swap3A_311 : i32 to index
      %swap3A_313 = arith.index_cast %scan3A_265 : i32 to index
      %swap3A_314 = arith.constant 0 : index
      %swap3A_315 = tpu.vector_load %arg19[%swap3A_312, %swap3A_313, %swap3A_314] {strides = array<i32>} : memref<2x80x32xf32, #tpu.memory_space<vmem>>, vector<16xf32>,
      tpu.vector_store %arg19[%swap3A_312, %swap3A_313, %swap3A_314], %broadcast_in_dim3A_3 {strides = array<i32>} : memref<2x80x32xf32, #tpu.memory_space<vmem>>, vector<16xf32>,
      %swap3A_316 = arith.constant 0 : i32
      %swap3A_317 = arith.index_cast %swap3A_316 : i32 to index
      %swap3A_318 = arith.index_cast %scan3A_265 : i32 to index
      %swap3A_319 = arith.constant 16 : index
      %swap3A_320 = tpu.vector_load %arg19[%swap3A_317, %swap3A_318, %swap3A_319] {strides = array<i32>} : memref<2x80x32xf32, #tpu.memory_space<vmem>>, vector<16xf32>,
      tpu.vector_store %arg19[%swap3A_317, %swap3A_318, %swap3A_319], %broadcast_in_dim3A_3 {strides = array<i32>} : memref<2x80x32xf32, #tpu.memory_space<vmem>>, vector<16xf32>,
      %swap3A_321 = arith.constant 1 : i32
      %swap3A_322 = arith.index_cast %swap3A_321 : i32 to index
      %swap3A_323 = arith.index_cast %scan3A_265 : i32 to index
      %swap3A_324 = arith.constant 16 : index
      %swap3A_325 = tpu.vector_load %arg19[%swap3A_322, %swap3A_323, %swap3A_324] {strides = array<i32>} : memref<2x80x32xf32, #tpu.memory_space<vmem>>, vector<16xf32>,
      tpu.vector_store %arg19[%swap3A_322, %swap3A_323, %swap3A_324], %broadcast_in_dim3A_3 {strides = array<i32>} : memref<2x80x32xf32, #tpu.memory_space<vmem>>, vector<16xf32>,
      %scan3A_326 = arith.constant 0 : i32
      scf.yield %scan3A_326 : i32
    }
    %scan3A_9 = arith.constant 80 : i32
    %mul3A_10 = arith.constant 624 : i32
    %mul3A_11 = arith.muli %arg1, %mul3A_10 : i32
    %add3A_12 = arith.constant 0 : i32
    %add3A_13 = arith.addi %mul3A_11, %add3A_12 : i32
    %run_scoped3A = arith.constant 0 : i32
    "tpu.region"() ({
      %run_scoped3A_265 = tpu.sem_alloc : memref<!tpu.dma_semaphore, #tpu.memory_space<semaphore_mem>>
      %dma_start3A_266 = arith.constant 0 : i32
      %dma_start3A_267 = arith.constant 0 : i32
      %dma_start3A_268 = tpu.memref_slice %arg18[%run_scoped3A, %dma_start3A_266, %dma_start3A_267] : memref<2x80x128xf32, #tpu.memory_space<vmem>> -> memref<1x80x128xf32, #tpu.memory_space<vmem>>
      %dma_start3A_269 = tpu.memref_squeeze %dma_start3A_268 : memref<1x80x128xf32, #tpu.memory_space<vmem>> -> memref<80x128xf32, #tpu.memory_space<vmem>>
      %dma_start3A_270 = arith.constant 0 : i32
      %dma_start3A_271 = tpu.memref_slice %arg20[%add3A_13, %dma_start3A_270] : memref<10000x128xf32, #tpu.memory_space<vmem_shared>> -> memref<80x128xf32, #tpu.memory_space<vmem_shared>>
      %dma_start3A_272 = arith.constant 0 : i32
      %dma_start3A_273 = tpu.memref_slice %arg20[%add3A_13, %dma_start3A_272] : memref<10000x128xf32, #tpu.memory_space<vmem_shared>> -> memref<80x128xf32, #tpu.memory_space<vmem_shared>>
      %dma_start3A_274 = arith.constant 0 : i32
      %dma_start3A_275 = arith.constant 0 : i32
      %dma_start3A_276 = tpu.memref_slice %arg18[%run_scoped3A, %dma_start3A_274, %dma_start3A_275] : memref<2x80x128xf32, #tpu.memory_space<vmem>> -> memref<1x80x128xf32, #tpu.memory_space<vmem>>
      %dma_start3A_277 = tpu.memref_squeeze %dma_start3A_276 : memref<1x80x128xf32, #tpu.memory_space<vmem>> -> memref<80x128xf32, #tpu.memory_space<vmem>>
      tpu.enqueue_dma source(%dma_start3A_277 : memref<80x128xf32, #tpu.memory_space<vmem>>) target(%dma_start3A_273 : memref<80x128xf32, #tpu.memory_space<vmem_shared>>) target_semaphore(%run_scoped3A_265 : memref<!tpu.dma_semaphore, #tpu.memory_space<semaphore_mem>>)
      %dma_wait3A_278 = arith.constant 0 : i32
      %dma_wait3A_279 = arith.constant 0 : i32
      %dma_wait3A_280 = tpu.memref_slice %arg18[%run_scoped3A, %dma_wait3A_278, %dma_wait3A_279] : memref<2x80x128xf32, #tpu.memory_space<vmem>> -> memref<1x80x128xf32, #tpu.memory_space<vmem>>
      %dma_wait3A_281 = tpu.memref_squeeze %dma_wait3A_280 : memref<1x80x128xf32, #tpu.memory_space<vmem>> -> memref<80x128xf32, #tpu.memory_space<vmem>>
      %dma_wait3A_282 = arith.constant 0 : i32
      %dma_wait3A_283 = tpu.memref_slice %arg20[%add3A_13, %dma_wait3A_282] : memref<10000x128xf32, #tpu.memory_space<vmem_shared>> -> memref<80x128xf32, #tpu.memory_space<vmem_shared>>
      %dma_wait3A_284 = arith.constant 0 : i32
      %dma_wait3A_285 = tpu.memref_slice %arg20[%add3A_13, %dma_wait3A_284] : memref<10000x128xf32, #tpu.memory_space<vmem_shared>> -> memref<80x128xf32, #tpu.memory_space<vmem_shared>>
      %dma_wait3A_286 = arith.constant 0 : i32
      %dma_wait3A_287 = arith.constant 0 : i32
      %dma_wait3A_288 = tpu.memref_slice %arg18[%run_scoped3A, %dma_wait3A_286, %dma_wait3A_287] : memref<2x80x128xf32, #tpu.memory_space<vmem>> -> memref<1x80x128xf32, #tpu.memory_space<vmem>>
      %dma_wait3A_289 = tpu.memref_squeeze %dma_wait3A_288 : memref<1x80x128xf32, #tpu.memory_space<vmem>> -> memref<80x128xf32, #tpu.memory_space<vmem>>
      tpu.wait_dma2 semaphore(%run_scoped3A_265 : memref<!tpu.dma_semaphore, #tpu.memory_space<semaphore_mem>>) src(%dma_wait3A_289 : memref<80x128xf32, #tpu.memory_space<vmem>>) dst(%dma_wait3A_285 : memref<80x128xf32, #tpu.memory_space<vmem_shared>>)
      tpu.yield
    }) : () -> ()
    %run_scoped3A_14 = arith.constant 0 : i32
    "tpu.region"() ({
      %run_scoped3A_265 = tpu.sem_alloc : memref<!tpu.dma_semaphore, #tpu.memory_space<semaphore_mem>>
      %dma_start3A_266 = arith.constant 0 : i32
      %dma_start3A_267 = arith.constant 0 : i32
      %dma_start3A_268 = tpu.memref_slice %arg19[%run_scoped3A_14, %dma_start3A_266, %dma_start3A_267] : memref<2x80x32xf32, #tpu.memory_space<vmem>> -> memref<1x80x32xf32, #tpu.memory_space<vmem>>
      %dma_start3A_269 = tpu.memref_squeeze %dma_start3A_268 : memref<1x80x32xf32, #tpu.memory_space<vmem>> -> memref<80x32xf32, #tpu.memory_space<vmem>>
      %dma_start3A_270 = arith.constant 0 : i32
      %dma_start3A_271 = tpu.memref_slice %arg21[%add3A_13, %dma_start3A_270] : memref<10000x32xf32, #tpu.memory_space<vmem_shared>> -> memref<80x32xf32, #tpu.memory_space<vmem_shared>>
      %dma_start3A_272 = arith.constant 0 : i32
      %dma_start3A_273 = tpu.memref_slice %arg21[%add3A_13, %dma_start3A_272] : memref<10000x32xf32, #tpu.memory_space<vmem_shared>> -> memref<80x32xf32, #tpu.memory_space<vmem_shared>>
      %dma_start3A_274 = arith.constant 0 : i32
      %dma_start3A_275 = arith.constant 0 : i32
      %dma_start3A_276 = tpu.memref_slice %arg19[%run_scoped3A_14, %dma_start3A_274, %dma_start3A_275] : memref<2x80x32xf32, #tpu.memory_space<vmem>> -> memref<1x80x32xf32, #tpu.memory_space<vmem>>
      %dma_start3A_277 = tpu.memref_squeeze %dma_start3A_276 : memref<1x80x32xf32, #tpu.memory_space<vmem>> -> memref<80x32xf32, #tpu.memory_space<vmem>>
      tpu.enqueue_dma source(%dma_start3A_277 : memref<80x32xf32, #tpu.memory_space<vmem>>) target(%dma_start3A_273 : memref<80x32xf32, #tpu.memory_space<vmem_shared>>) target_semaphore(%run_scoped3A_265 : memref<!tpu.dma_semaphore, #tpu.memory_space<semaphore_mem>>)
      %dma_wait3A_278 = arith.constant 0 : i32
      %dma_wait3A_279 = arith.constant 0 : i32
      %dma_wait3A_280 = tpu.memref_slice %arg19[%run_scoped3A_14, %dma_wait3A_278, %dma_wait3A_279] : memref<2x80x32xf32, #tpu.memory_space<vmem>> -> memref<1x80x32xf32, #tpu.memory_space<vmem>>
      %dma_wait3A_281 = tpu.memref_squeeze %dma_wait3A_280 : memref<1x80x32xf32, #tpu.memory_space<vmem>> -> memref<80x32xf32, #tpu.memory_space<vmem>>
      %dma_wait3A_282 = arith.constant 0 : i32
      %dma_wait3A_283 = tpu.memref_slice %arg21[%add3A_13, %dma_wait3A_282] : memref<10000x32xf32, #tpu.memory_space<vmem_shared>> -> memref<80x32xf32, #tpu.memory_space<vmem_shared>>
      %dma_wait3A_284 = arith.constant 0 : i32
      %dma_wait3A_285 = tpu.memref_slice %arg21[%add3A_13, %dma_wait3A_284] : memref<10000x32xf32, #tpu.memory_space<vmem_shared>> -> memref<80x32xf32, #tpu.memory_space<vmem_shared>>
      %dma_wait3A_286 = arith.constant 0 : i32
      %dma_wait3A_287 = arith.constant 0 : i32
      %dma_wait3A_288 = tpu.memref_slice %arg19[%run_scoped3A_14, %dma_wait3A_286, %dma_wait3A_287] : memref<2x80x32xf32, #tpu.memory_space<vmem>> -> memref<1x80x32xf32, #tpu.memory_space<vmem>>
      %dma_wait3A_289 = tpu.memref_squeeze %dma_wait3A_288 : memref<1x80x32xf32, #tpu.memory_space<vmem>> -> memref<80x32xf32, #tpu.memory_space<vmem>>
      tpu.wait_dma2 semaphore(%run_scoped3A_265 : memref<!tpu.dma_semaphore, #tpu.memory_space<semaphore_mem>>) src(%dma_wait3A_289 : memref<80x32xf32, #tpu.memory_space<vmem>>) dst(%dma_wait3A_285 : memref<80x32xf32, #tpu.memory_space<vmem_shared>>)
      tpu.yield
    }) : () -> ()
    %mul3A_15 = arith.constant 624 : i32
    %mul3A_16 = arith.muli %arg1, %mul3A_15 : i32
    %add3A_17 = arith.constant 80 : i32
    %add3A_18 = arith.addi %mul3A_16, %add3A_17 : i32
    %run_scoped3A_19 = arith.constant 0 : i32
    "tpu.region"() ({
      %run_scoped3A_265 = tpu.sem_alloc : memref<!tpu.dma_semaphore, #tpu.memory_space<semaphore_mem>>
      %dma_start3A_266 = arith.constant 0 : i32
      %dma_start3A_267 = arith.constant 0 : i32
      %dma_start3A_268 = tpu.memref_slice %arg18[%run_scoped3A_19, %dma_start3A_266, %dma_start3A_267] : memref<2x80x128xf32, #tpu.memory_space<vmem>> -> memref<1x80x128xf32, #tpu.memory_space<vmem>>
      %dma_start3A_269 = tpu.memref_squeeze %dma_start3A_268 : memref<1x80x128xf32, #tpu.memory_space<vmem>> -> memref<80x128xf32, #tpu.memory_space<vmem>>
      %dma_start3A_270 = arith.constant 0 : i32
      %dma_start3A_271 = tpu.memref_slice %arg20[%add3A_18, %dma_start3A_270] : memref<10000x128xf32, #tpu.memory_space<vmem_shared>> -> memref<80x128xf32, #tpu.memory_space<vmem_shared>>
      %dma_start3A_272 = arith.constant 0 : i32
      %dma_start3A_273 = tpu.memref_slice %arg20[%add3A_18, %dma_start3A_272] : memref<10000x128xf32, #tpu.memory_space<vmem_shared>> -> memref<80x128xf32, #tpu.memory_space<vmem_shared>>
      %dma_start3A_274 = arith.constant 0 : i32
      %dma_start3A_275 = arith.constant 0 : i32
      %dma_start3A_276 = tpu.memref_slice %arg18[%run_scoped3A_19, %dma_start3A_274, %dma_start3A_275] : memref<2x80x128xf32, #tpu.memory_space<vmem>> -> memref<1x80x128xf32, #tpu.memory_space<vmem>>
      %dma_start3A_277 = tpu.memref_squeeze %dma_start3A_276 : memref<1x80x128xf32, #tpu.memory_space<vmem>> -> memref<80x128xf32, #tpu.memory_space<vmem>>
      tpu.enqueue_dma source(%dma_start3A_277 : memref<80x128xf32, #tpu.memory_space<vmem>>) target(%dma_start3A_273 : memref<80x128xf32, #tpu.memory_space<vmem_shared>>) target_semaphore(%run_scoped3A_265 : memref<!tpu.dma_semaphore, #tpu.memory_space<semaphore_mem>>)
      %dma_wait3A_278 = arith.constant 0 : i32
      %dma_wait3A_279 = arith.constant 0 : i32
      %dma_wait3A_280 = tpu.memref_slice %arg18[%run_scoped3A_19, %dma_wait3A_278, %dma_wait3A_279] : memref<2x80x128xf32, #tpu.memory_space<vmem>> -> memref<1x80x128xf32, #tpu.memory_space<vmem>>
      %dma_wait3A_281 = tpu.memref_squeeze %dma_wait3A_280 : memref<1x80x128xf32, #tpu.memory_space<vmem>> -> memref<80x128xf32, #tpu.memory_space<vmem>>
      %dma_wait3A_282 = arith.constant 0 : i32
      %dma_wait3A_283 = tpu.memref_slice %arg20[%add3A_18, %dma_wait3A_282] : memref<10000x128xf32, #tpu.memory_space<vmem_shared>> -> memref<80x128xf32, #tpu.memory_space<vmem_shared>>
      %dma_wait3A_284 = arith.constant 0 : i32
      %dma_wait3A_285 = tpu.memref_slice %arg20[%add3A_18, %dma_wait3A_284] : memref<10000x128xf32, #tpu.memory_space<vmem_shared>> -> memref<80x128xf32, #tpu.memory_space<vmem_shared>>
      %dma_wait3A_286 = arith.constant 0 : i32
      %dma_wait3A_287 = arith.constant 0 : i32
      %dma_wait3A_288 = tpu.memref_slice %arg18[%run_scoped3A_19, %dma_wait3A_286, %dma_wait3A_287] : memref<2x80x128xf32, #tpu.memory_space<vmem>> -> memref<1x80x128xf32, #tpu.memory_space<vmem>>
      %dma_wait3A_289 = tpu.memref_squeeze %dma_wait3A_288 : memref<1x80x128xf32, #tpu.memory_space<vmem>> -> memref<80x128xf32, #tpu.memory_space<vmem>>
      tpu.wait_dma2 semaphore(%run_scoped3A_265 : memref<!tpu.dma_semaphore, #tpu.memory_space<semaphore_mem>>) src(%dma_wait3A_289 : memref<80x128xf32, #tpu.memory_space<vmem>>) dst(%dma_wait3A_285 : memref<80x128xf32, #tpu.memory_space<vmem_shared>>)
      tpu.yield
    }) : () -> ()
    %run_scoped3A_20 = arith.constant 0 : i32
    "tpu.region"() ({
      %run_scoped3A_265 = tpu.sem_alloc : memref<!tpu.dma_semaphore, #tpu.memory_space<semaphore_mem>>
      %dma_start3A_266 = arith.constant 0 : i32
      %dma_start3A_267 = arith.constant 0 : i32
      %dma_start3A_268 = tpu.memref_slice %arg19[%run_scoped3A_20, %dma_start3A_266, %dma_start3A_267] : memref<2x80x32xf32, #tpu.memory_space<vmem>> -> memref<1x80x32xf32, #tpu.memory_space<vmem>>
      %dma_start3A_269 = tpu.memref_squeeze %dma_start3A_268 : memref<1x80x32xf32, #tpu.memory_space<vmem>> -> memref<80x32xf32, #tpu.memory_space<vmem>>
      %dma_start3A_270 = arith.constant 0 : i32
      %dma_start3A_271 = tpu.memref_slice %arg21[%add3A_18, %dma_start3A_270] : memref<10000x32xf32, #tpu.memory_space<vmem_shared>> -> memref<80x32xf32, #tpu.memory_space<vmem_shared>>
      %dma_start3A_272 = arith.constant 0 : i32
      %dma_start3A_273 = tpu.memref_slice %arg21[%add3A_18, %dma_start3A_272] : memref<10000x32xf32, #tpu.memory_space<vmem_shared>> -> memref<80x32xf32, #tpu.memory_space<vmem_shared>>
      %dma_start3A_274 = arith.constant 0 : i32
      %dma_start3A_275 = arith.constant 0 : i32
      %dma_start3A_276 = tpu.memref_slice %arg19[%run_scoped3A_20, %dma_start3A_274, %dma_start3A_275] : memref<2x80x32xf32, #tpu.memory_space<vmem>> -> memref<1x80x32xf32, #tpu.memory_space<vmem>>
      %dma_start3A_277 = tpu.memref_squeeze %dma_start3A_276 : memref<1x80x32xf32, #tpu.memory_space<vmem>> -> memref<80x32xf32, #tpu.memory_space<vmem>>
      tpu.enqueue_dma source(%dma_start3A_277 : memref<80x32xf32, #tpu.memory_space<vmem>>) target(%dma_start3A_273 : memref<80x32xf32, #tpu.memory_space<vmem_shared>>) target_semaphore(%run_scoped3A_265 : memref<!tpu.dma_semaphore, #tpu.memory_space<semaphore_mem>>)
      %dma_wait3A_278 = arith.constant 0 : i32
      %dma_wait3A_279 = arith.constant 0 : i32
      %dma_wait3A_280 = tpu.memref_slice %arg19[%run_scoped3A_20, %dma_wait3A_278, %dma_wait3A_279] : memref<2x80x32xf32, #tpu.memory_space<vmem>> -> memref<1x80x32xf32, #tpu.memory_space<vmem>>
      %dma_wait3A_281 = tpu.memref_squeeze %dma_wait3A_280 : memref<1x80x32xf32, #tpu.memory_space<vmem>> -> memref<80x32xf32, #tpu.memory_space<vmem>>
      %dma_wait3A_282 = arith.constant 0 : i32
      %dma_wait3A_283 = tpu.memref_slice %arg21[%add3A_18, %dma_wait3A_282] : memref<10000x32xf32, #tpu.memory_space<vmem_shared>> -> memref<80x32xf32, #tpu.memory_space<vmem_shared>>
      %dma_wait3A_284 = arith.constant 0 : i32
      %dma_wait3A_285 = tpu.memref_slice %arg21[%add3A_18, %dma_wait3A_284] : memref<10000x32xf32, #tpu.memory_space<vmem_shared>> -> memref<80x32xf32, #tpu.memory_space<vmem_shared>>
      %dma_wait3A_286 = arith.constant 0 : i32
      %dma_wait3A_287 = arith.constant 0 : i32
      %dma_wait3A_288 = tpu.memref_slice %arg19[%run_scoped3A_20, %dma_wait3A_286, %dma_wait3A_287] : memref<2x80x32xf32, #tpu.memory_space<vmem>> -> memref<1x80x32xf32, #tpu.memory_space<vmem>>
      %dma_wait3A_289 = tpu.memref_squeeze %dma_wait3A_288 : memref<1x80x32xf32, #tpu.memory_space<vmem>> -> memref<80x32xf32, #tpu.memory_space<vmem>>
      tpu.wait_dma2 semaphore(%run_scoped3A_265 : memref<!tpu.dma_semaphore, #tpu.memory_space<semaphore_mem>>) src(%dma_wait3A_289 : memref<80x32xf32, #tpu.memory_space<vmem>>) dst(%dma_wait3A_285 : memref<80x32xf32, #tpu.memory_space<vmem_shared>>)
      tpu.yield
    }) : () -> ()
    %mul3A_21 = arith.constant 624 : i32
    %mul3A_22 = arith.muli %arg1, %mul3A_21 : i32
    %add3A_23 = arith.constant 160 : i32
    %add3A_24 = arith.addi %mul3A_22, %add3A_23 : i32
    %run_scoped3A_25 = arith.constant 0 : i32
    "tpu.region"() ({
      %run_scoped3A_265 = tpu.sem_alloc : memref<!tpu.dma_semaphore, #tpu.memory_space<semaphore_mem>>
      %dma_start3A_266 = arith.constant 0 : i32
      %dma_start3A_267 = arith.constant 0 : i32
      %dma_start3A_268 = tpu.memref_slice %arg18[%run_scoped3A_25, %dma_start3A_266, %dma_start3A_267] : memref<2x80x128xf32, #tpu.memory_space<vmem>> -> memref<1x80x128xf32, #tpu.memory_space<vmem>>
      %dma_start3A_269 = tpu.memref_squeeze %dma_start3A_268 : memref<1x80x128xf32, #tpu.memory_space<vmem>> -> memref<80x128xf32, #tpu.memory_space<vmem>>
      %dma_start3A_270 = arith.constant 0 : i32
      %dma_start3A_271 = tpu.memref_slice %arg20[%add3A_24, %dma_start3A_270] : memref<10000x128xf32, #tpu.memory_space<vmem_shared>> -> memref<80x128xf32, #tpu.memory_space<vmem_shared>>
      %dma_start3A_272 = arith.constant 0 : i32
      %dma_start3A_273 = tpu.memref_slice %arg20[%add3A_24, %dma_start3A_272] : memref<10000x128xf32, #tpu.memory_space<vmem_shared>> -> memref<80x128xf32, #tpu.memory_space<vmem_shared>>
      %dma_start3A_274 = arith.constant 0 : i32
      %dma_start3A_275 = arith.constant 0 : i32
      %dma_start3A_276 = tpu.memref_slice %arg18[%run_scoped3A_25, %dma_start3A_274, %dma_start3A_275] : memref<2x80x128xf32, #tpu.memory_space<vmem>> -> memref<1x80x128xf32, #tpu.memory_space<vmem>>
      %dma_start3A_277 = tpu.memref_squeeze %dma_start3A_276 : memref<1x80x128xf32, #tpu.memory_space<vmem>> -> memref<80x128xf32, #tpu.memory_space<vmem>>
      tpu.enqueue_dma source(%dma_start3A_277 : memref<80x128xf32, #tpu.memory_space<vmem>>) target(%dma_start3A_273 : memref<80x128xf32, #tpu.memory_space<vmem_shared>>) target_semaphore(%run_scoped3A_265 : memref<!tpu.dma_semaphore, #tpu.memory_space<semaphore_mem>>)
      %dma_wait3A_278 = arith.constant 0 : i32
      %dma_wait3A_279 = arith.constant 0 : i32
      %dma_wait3A_280 = tpu.memref_slice %arg18[%run_scoped3A_25, %dma_wait3A_278, %dma_wait3A_279] : memref<2x80x128xf32, #tpu.memory_space<vmem>> -> memref<1x80x128xf32, #tpu.memory_space<vmem>>
      %dma_wait3A_281 = tpu.memref_squeeze %dma_wait3A_280 : memref<1x80x128xf32, #tpu.memory_space<vmem>> -> memref<80x128xf32, #tpu.memory_space<vmem>>
      %dma_wait3A_282 = arith.constant 0 : i32
      %dma_wait3A_283 = tpu.memref_slice %arg20[%add3A_24, %dma_wait3A_282] : memref<10000x128xf32, #tpu.memory_space<vmem_shared>> -> memref<80x128xf32, #tpu.memory_space<vmem_shared>>
      %dma_wait3A_284 = arith.constant 0 : i32
      %dma_wait3A_285 = tpu.memref_slice %arg20[%add3A_24, %dma_wait3A_284] : memref<10000x128xf32, #tpu.memory_space<vmem_shared>> -> memref<80x128xf32, #tpu.memory_space<vmem_shared>>
      %dma_wait3A_286 = arith.constant 0 : i32
      %dma_wait3A_287 = arith.constant 0 : i32
      %dma_wait3A_288 = tpu.memref_slice %arg18[%run_scoped3A_25, %dma_wait3A_286, %dma_wait3A_287] : memref<2x80x128xf32, #tpu.memory_space<vmem>> -> memref<1x80x128xf32, #tpu.memory_space<vmem>>
      %dma_wait3A_289 = tpu.memref_squeeze %dma_wait3A_288 : memref<1x80x128xf32, #tpu.memory_space<vmem>> -> memref<80x128xf32, #tpu.memory_space<vmem>>
      tpu.wait_dma2 semaphore(%run_scoped3A_265 : memref<!tpu.dma_semaphore, #tpu.memory_space<semaphore_mem>>) src(%dma_wait3A_289 : memref<80x128xf32, #tpu.memory_space<vmem>>) dst(%dma_wait3A_285 : memref<80x128xf32, #tpu.memory_space<vmem_shared>>)
      tpu.yield
    }) : () -> ()
    %run_scoped3A_26 = arith.constant 0 : i32
    "tpu.region"() ({
      %run_scoped3A_265 = tpu.sem_alloc : memref<!tpu.dma_semaphore, #tpu.memory_space<semaphore_mem>>
      %dma_start3A_266 = arith.constant 0 : i32
      %dma_start3A_267 = arith.constant 0 : i32
      %dma_start3A_268 = tpu.memref_slice %arg19[%run_scoped3A_26, %dma_start3A_266, %dma_start3A_267] : memref<2x80x32xf32, #tpu.memory_space<vmem>> -> memref<1x80x32xf32, #tpu.memory_space<vmem>>
      %dma_start3A_269 = tpu.memref_squeeze %dma_start3A_268 : memref<1x80x32xf32, #tpu.memory_space<vmem>> -> memref<80x32xf32, #tpu.memory_space<vmem>>
      %dma_start3A_270 = arith.constant 0 : i32
      %dma_start3A_271 = tpu.memref_slice %arg21[%add3A_24, %dma_start3A_270] : memref<10000x32xf32, #tpu.memory_space<vmem_shared>> -> memref<80x32xf32, #tpu.memory_space<vmem_shared>>
      %dma_start3A_272 = arith.constant 0 : i32
      %dma_start3A_273 = tpu.memref_slice %arg21[%add3A_24, %dma_start3A_272] : memref<10000x32xf32, #tpu.memory_space<vmem_shared>> -> memref<80x32xf32, #tpu.memory_space<vmem_shared>>
      %dma_start3A_274 = arith.constant 0 : i32
      %dma_start3A_275 = arith.constant 0 : i32
      %dma_start3A_276 = tpu.memref_slice %arg19[%run_scoped3A_26, %dma_start3A_274, %dma_start3A_275] : memref<2x80x32xf32, #tpu.memory_space<vmem>> -> memref<1x80x32xf32, #tpu.memory_space<vmem>>
      %dma_start3A_277 = tpu.memref_squeeze %dma_start3A_276 : memref<1x80x32xf32, #tpu.memory_space<vmem>> -> memref<80x32xf32, #tpu.memory_space<vmem>>
      tpu.enqueue_dma source(%dma_start3A_277 : memref<80x32xf32, #tpu.memory_space<vmem>>) target(%dma_start3A_273 : memref<80x32xf32, #tpu.memory_space<vmem_shared>>) target_semaphore(%run_scoped3A_265 : memref<!tpu.dma_semaphore, #tpu.memory_space<semaphore_mem>>)
      %dma_wait3A_278 = arith.constant 0 : i32
      %dma_wait3A_279 = arith.constant 0 : i32
      %dma_wait3A_280 = tpu.memref_slice %arg19[%run_scoped3A_26, %dma_wait3A_278, %dma_wait3A_279] : memref<2x80x32xf32, #tpu.memory_space<vmem>> -> memref<1x80x32xf32, #tpu.memory_space<vmem>>
      %dma_wait3A_281 = tpu.memref_squeeze %dma_wait3A_280 : memref<1x80x32xf32, #tpu.memory_space<vmem>> -> memref<80x32xf32, #tpu.memory_space<vmem>>
      %dma_wait3A_282 = arith.constant 0 : i32
      %dma_wait3A_283 = tpu.memref_slice %arg21[%add3A_24, %dma_wait3A_282] : memref<10000x32xf32, #tpu.memory_space<vmem_shared>> -> memref<80x32xf32, #tpu.memory_space<vmem_shared>>
      %dma_wait3A_284 = arith.constant 0 : i32
      %dma_wait3A_285 = tpu.memref_slice %arg21[%add3A_24, %dma_wait3A_284] : memref<10000x32xf32, #tpu.memory_space<vmem_shared>> -> memref<80x32xf32, #tpu.memory_space<vmem_shared>>
      %dma_wait3A_286 = arith.constant 0 : i32
      %dma_wait3A_287 = arith.constant 0 : i32
      %dma_wait3A_288 = tpu.memref_slice %arg19[%run_scoped3A_26, %dma_wait3A_286, %dma_wait3A_287] : memref<2x80x32xf32, #tpu.memory_space<vmem>> -> memref<1x80x32xf32, #tpu.memory_space<vmem>>
      %dma_wait3A_289 = tpu.memref_squeeze %dma_wait3A_288 : memref<1x80x32xf32, #tpu.memory_space<vmem>> -> memref<80x32xf32, #tpu.memory_space<vmem>>
      tpu.wait_dma2 semaphore(%run_scoped3A_265 : memref<!tpu.dma_semaphore, #tpu.memory_space<semaphore_mem>>) src(%dma_wait3A_289 : memref<80x32xf32, #tpu.memory_space<vmem>>) dst(%dma_wait3A_285 : memref<80x32xf32, #tpu.memory_space<vmem_shared>>)
      tpu.yield
    }) : () -> ()
    %mul3A_27 = arith.constant 624 : i32
    %mul3A_28 = arith.muli %arg1, %mul3A_27 : i32
    %add3A_29 = arith.constant 240 : i32
    %add3A_30 = arith.addi %mul3A_28, %add3A_29 : i32
    %run_scoped3A_31 = arith.constant 0 : i32
    "tpu.region"() ({
      %run_scoped3A_265 = tpu.sem_alloc : memref<!tpu.dma_semaphore, #tpu.memory_space<semaphore_mem>>
      %dma_start3A_266 = arith.constant 0 : i32
      %dma_start3A_267 = arith.constant 0 : i32
      %dma_start3A_268 = tpu.memref_slice %arg18[%run_scoped3A_31, %dma_start3A_266, %dma_start3A_267] : memref<2x80x128xf32, #tpu.memory_space<vmem>> -> memref<1x80x128xf32, #tpu.memory_space<vmem>>
      %dma_start3A_269 = tpu.memref_squeeze %dma_start3A_268 : memref<1x80x128xf32, #tpu.memory_space<vmem>> -> memref<80x128xf32, #tpu.memory_space<vmem>>
      %dma_start3A_270 = arith.constant 0 : i32
      %dma_start3A_271 = tpu.memref_slice %arg20[%add3A_30, %dma_start3A_270] : memref<10000x128xf32, #tpu.memory_space<vmem_shared>> -> memref<80x128xf32, #tpu.memory_space<vmem_shared>>
      %dma_start3A_272 = arith.constant 0 : i32
      %dma_start3A_273 = tpu.memref_slice %arg20[%add3A_30, %dma_start3A_272] : memref<10000x128xf32, #tpu.memory_space<vmem_shared>> -> memref<80x128xf32, #tpu.memory_space<vmem_shared>>
      %dma_start3A_274 = arith.constant 0 : i32
      %dma_start3A_275 = arith.constant 0 : i32
      %dma_start3A_276 = tpu.memref_slice %arg18[%run_scoped3A_31, %dma_start3A_274, %dma_start3A_275] : memref<2x80x128xf32, #tpu.memory_space<vmem>> -> memref<1x80x128xf32, #tpu.memory_space<vmem>>
      %dma_start3A_277 = tpu.memref_squeeze %dma_start3A_276 : memref<1x80x128xf32, #tpu.memory_space<vmem>> -> memref<80x128xf32, #tpu.memory_space<vmem>>
      tpu.enqueue_dma source(%dma_start3A_277 : memref<80x128xf32, #tpu.memory_space<vmem>>) target(%dma_start3A_273 : memref<80x128xf32, #tpu.memory_space<vmem_shared>>) target_semaphore(%run_scoped3A_265 : memref<!tpu.dma_semaphore, #tpu.memory_space<semaphore_mem>>)
      %dma_wait3A_278 = arith.constant 0 : i32
      %dma_wait3A_279 = arith.constant 0 : i32
      %dma_wait3A_280 = tpu.memref_slice %arg18[%run_scoped3A_31, %dma_wait3A_278, %dma_wait3A_279] : memref<2x80x128xf32, #tpu.memory_space<vmem>> -> memref<1x80x128xf32, #tpu.memory_space<vmem>>
      %dma_wait3A_281 = tpu.memref_squeeze %dma_wait3A_280 : memref<1x80x128xf32, #tpu.memory_space<vmem>> -> memref<80x128xf32, #tpu.memory_space<vmem>>
      %dma_wait3A_282 = arith.constant 0 : i32
      %dma_wait3A_283 = tpu.memref_slice %arg20[%add3A_30, %dma_wait3A_282] : memref<10000x128xf32, #tpu.memory_space<vmem_shared>> -> memref<80x128xf32, #tpu.memory_space<vmem_shared>>
      %dma_wait3A_284 = arith.constant 0 : i32
      %dma_wait3A_285 = tpu.memref_slice %arg20[%add3A_30, %dma_wait3A_284] : memref<10000x128xf32, #tpu.memory_space<vmem_shared>> -> memref<80x128xf32, #tpu.memory_space<vmem_shared>>
      %dma_wait3A_286 = arith.constant 0 : i32
      %dma_wait3A_287 = arith.constant 0 : i32
      %dma_wait3A_288 = tpu.memref_slice %arg18[%run_scoped3A_31, %dma_wait3A_286, %dma_wait3A_287] : memref<2x80x128xf32, #tpu.memory_space<vmem>> -> memref<1x80x128xf32, #tpu.memory_space<vmem>>
      %dma_wait3A_289 = tpu.memref_squeeze %dma_wait3A_288 : memref<1x80x128xf32, #tpu.memory_space<vmem>> -> memref<80x128xf32, #tpu.memory_space<vmem>>
      tpu.wait_dma2 semaphore(%run_scoped3A_265 : memref<!tpu.dma_semaphore, #tpu.memory_space<semaphore_mem>>) src(%dma_wait3A_289 : memref<80x128xf32, #tpu.memory_space<vmem>>) dst(%dma_wait3A_285 : memref<80x128xf32, #tpu.memory_space<vmem_shared>>)
      tpu.yield
    }) : () -> ()
    %run_scoped3A_32 = arith.constant 0 : i32
    "tpu.region"() ({
      %run_scoped3A_265 = tpu.sem_alloc : memref<!tpu.dma_semaphore, #tpu.memory_space<semaphore_mem>>
      %dma_start3A_266 = arith.constant 0 : i32
      %dma_start3A_267 = arith.constant 0 : i32
      %dma_start3A_268 = tpu.memref_slice %arg19[%run_scoped3A_32, %dma_start3A_266, %dma_start3A_267] : memref<2x80x32xf32, #tpu.memory_space<vmem>> -> memref<1x80x32xf32, #tpu.memory_space<vmem>>
      %dma_start3A_269 = tpu.memref_squeeze %dma_start3A_268 : memref<1x80x32xf32, #tpu.memory_space<vmem>> -> memref<80x32xf32, #tpu.memory_space<vmem>>
      %dma_start3A_270 = arith.constant 0 : i32
      %dma_start3A_271 = tpu.memref_slice %arg21[%add3A_30, %dma_start3A_270] : memref<10000x32xf32, #tpu.memory_space<vmem_shared>> -> memref<80x32xf32, #tpu.memory_space<vmem_shared>>
      %dma_start3A_272 = arith.constant 0 : i32
      %dma_start3A_273 = tpu.memref_slice %arg21[%add3A_30, %dma_start3A_272] : memref<10000x32xf32, #tpu.memory_space<vmem_shared>> -> memref<80x32xf32, #tpu.memory_space<vmem_shared>>
      %dma_start3A_274 = arith.constant 0 : i32
      %dma_start3A_275 = arith.constant 0 : i32
      %dma_start3A_276 = tpu.memref_slice %arg19[%run_scoped3A_32, %dma_start3A_274, %dma_start3A_275] : memref<2x80x32xf32, #tpu.memory_space<vmem>> -> memref<1x80x32xf32, #tpu.memory_space<vmem>>
      %dma_start3A_277 = tpu.memref_squeeze %dma_start3A_276 : memref<1x80x32xf32, #tpu.memory_space<vmem>> -> memref<80x32xf32, #tpu.memory_space<vmem>>
      tpu.enqueue_dma source(%dma_start3A_277 : memref<80x32xf32, #tpu.memory_space<vmem>>) target(%dma_start3A_273 : memref<80x32xf32, #tpu.memory_space<vmem_shared>>) target_semaphore(%run_scoped3A_265 : memref<!tpu.dma_semaphore, #tpu.memory_space<semaphore_mem>>)
      %dma_wait3A_278 = arith.constant 0 : i32
      %dma_wait3A_279 = arith.constant 0 : i32
      %dma_wait3A_280 = tpu.memref_slice %arg19[%run_scoped3A_32, %dma_wait3A_278, %dma_wait3A_279] : memref<2x80x32xf32, #tpu.memory_space<vmem>> -> memref<1x80x32xf32, #tpu.memory_space<vmem>>
      %dma_wait3A_281 = tpu.memref_squeeze %dma_wait3A_280 : memref<1x80x32xf32, #tpu.memory_space<vmem>> -> memref<80x32xf32, #tpu.memory_space<vmem>>
      %dma_wait3A_282 = arith.constant 0 : i32
      %dma_wait3A_283 = tpu.memref_slice %arg21[%add3A_30, %dma_wait3A_282] : memref<10000x32xf32, #tpu.memory_space<vmem_shared>> -> memref<80x32xf32, #tpu.memory_space<vmem_shared>>
      %dma_wait3A_284 = arith.constant 0 : i32
      %dma_wait3A_285 = tpu.memref_slice %arg21[%add3A_30, %dma_wait3A_284] : memref<10000x32xf32, #tpu.memory_space<vmem_shared>> -> memref<80x32xf32, #tpu.memory_space<vmem_shared>>
      %dma_wait3A_286 = arith.constant 0 : i32
      %dma_wait3A_287 = arith.constant 0 : i32
      %dma_wait3A_288 = tpu.memref_slice %arg19[%run_scoped3A_32, %dma_wait3A_286, %dma_wait3A_287] : memref<2x80x32xf32, #tpu.memory_space<vmem>> -> memref<1x80x32xf32, #tpu.memory_space<vmem>>
      %dma_wait3A_289 = tpu.memref_squeeze %dma_wait3A_288 : memref<1x80x32xf32, #tpu.memory_space<vmem>> -> memref<80x32xf32, #tpu.memory_space<vmem>>
      tpu.wait_dma2 semaphore(%run_scoped3A_265 : memref<!tpu.dma_semaphore, #tpu.memory_space<semaphore_mem>>) src(%dma_wait3A_289 : memref<80x32xf32, #tpu.memory_space<vmem>>) dst(%dma_wait3A_285 : memref<80x32xf32, #tpu.memory_space<vmem_shared>>)
      tpu.yield
    }) : () -> ()
    %mul3A_33 = arith.constant 624 : i32
    %mul3A_34 = arith.muli %arg1, %mul3A_33 : i32
    %add3A_35 = arith.constant 320 : i32
    %add3A_36 = arith.addi %mul3A_34, %add3A_35 : i32
    %run_scoped3A_37 = arith.constant 0 : i32
    "tpu.region"() ({
      %run_scoped3A_265 = tpu.sem_alloc : memref<!tpu.dma_semaphore, #tpu.memory_space<semaphore_mem>>
      %dma_start3A_266 = arith.constant 0 : i32
      %dma_start3A_267 = arith.constant 0 : i32
      %dma_start3A_268 = tpu.memref_slice %arg18[%run_scoped3A_37, %dma_start3A_266, %dma_start3A_267] : memref<2x80x128xf32, #tpu.memory_space<vmem>> -> memref<1x80x128xf32, #tpu.memory_space<vmem>>
      %dma_start3A_269 = tpu.memref_squeeze %dma_start3A_268 : memref<1x80x128xf32, #tpu.memory_space<vmem>> -> memref<80x128xf32, #tpu.memory_space<vmem>>
      %dma_start3A_270 = arith.constant 0 : i32
      %dma_start3A_271 = tpu.memref_slice %arg20[%add3A_36, %dma_start3A_270] : memref<10000x128xf32, #tpu.memory_space<vmem_shared>> -> memref<80x128xf32, #tpu.memory_space<vmem_shared>>
      %dma_start3A_272 = arith.constant 0 : i32
      %dma_start3A_273 = tpu.memref_slice %arg20[%add3A_36, %dma_start3A_272] : memref<10000x128xf32, #tpu.memory_space<vmem_shared>> -> memref<80x128xf32, #tpu.memory_space<vmem_shared>>
      %dma_start3A_274 = arith.constant 0 : i32
      %dma_start3A_275 = arith.constant 0 : i32
      %dma_start3A_276 = tpu.memref_slice %arg18[%run_scoped3A_37, %dma_start3A_274, %dma_start3A_275] : memref<2x80x128xf32, #tpu.memory_space<vmem>> -> memref<1x80x128xf32, #tpu.memory_space<vmem>>
      %dma_start3A_277 = tpu.memref_squeeze %dma_start3A_276 : memref<1x80x128xf32, #tpu.memory_space<vmem>> -> memref<80x128xf32, #tpu.memory_space<vmem>>
      tpu.enqueue_dma source(%dma_start3A_277 : memref<80x128xf32, #tpu.memory_space<vmem>>) target(%dma_start3A_273 : memref<80x128xf32, #tpu.memory_space<vmem_shared>>) target_semaphore(%run_scoped3A_265 : memref<!tpu.dma_semaphore, #tpu.memory_space<semaphore_mem>>)
      %dma_wait3A_278 = arith.constant 0 : i32
      %dma_wait3A_279 = arith.constant 0 : i32
      %dma_wait3A_280 = tpu.memref_slice %arg18[%run_scoped3A_37, %dma_wait3A_278, %dma_wait3A_279] : memref<2x80x128xf32, #tpu.memory_space<vmem>> -> memref<1x80x128xf32, #tpu.memory_space<vmem>>
      %dma_wait3A_281 = tpu.memref_squeeze %dma_wait3A_280 : memref<1x80x128xf32, #tpu.memory_space<vmem>> -> memref<80x128xf32, #tpu.memory_space<vmem>>
      %dma_wait3A_282 = arith.constant 0 : i32
      %dma_wait3A_283 = tpu.memref_slice %arg20[%add3A_36, %dma_wait3A_282] : memref<10000x128xf32, #tpu.memory_space<vmem_shared>> -> memref<80x128xf32, #tpu.memory_space<vmem_shared>>
      %dma_wait3A_284 = arith.constant 0 : i32
      %dma_wait3A_285 = tpu.memref_slice %arg20[%add3A_36, %dma_wait3A_284] : memref<10000x128xf32, #tpu.memory_space<vmem_shared>> -> memref<80x128xf32, #tpu.memory_space<vmem_shared>>
      %dma_wait3A_286 = arith.constant 0 : i32
      %dma_wait3A_287 = arith.constant 0 : i32
      %dma_wait3A_288 = tpu.memref_slice %arg18[%run_scoped3A_37, %dma_wait3A_286, %dma_wait3A_287] : memref<2x80x128xf32, #tpu.memory_space<vmem>> -> memref<1x80x128xf32, #tpu.memory_space<vmem>>
      %dma_wait3A_289 = tpu.memref_squeeze %dma_wait3A_288 : memref<1x80x128xf32, #tpu.memory_space<vmem>> -> memref<80x128xf32, #tpu.memory_space<vmem>>
      tpu.wait_dma2 semaphore(%run_scoped3A_265 : memref<!tpu.dma_semaphore, #tpu.memory_space<semaphore_mem>>) src(%dma_wait3A_289 : memref<80x128xf32, #tpu.memory_space<vmem>>) dst(%dma_wait3A_285 : memref<80x128xf32, #tpu.memory_space<vmem_shared>>)
      tpu.yield
    }) : () -> ()
    %run_scoped3A_38 = arith.constant 0 : i32
    "tpu.region"() ({
      %run_scoped3A_265 = tpu.sem_alloc : memref<!tpu.dma_semaphore, #tpu.memory_space<semaphore_mem>>
      %dma_start3A_266 = arith.constant 0 : i32
      %dma_start3A_267 = arith.constant 0 : i32
      %dma_start3A_268 = tpu.memref_slice %arg19[%run_scoped3A_38, %dma_start3A_266, %dma_start3A_267] : memref<2x80x32xf32, #tpu.memory_space<vmem>> -> memref<1x80x32xf32, #tpu.memory_space<vmem>>
      %dma_start3A_269 = tpu.memref_squeeze %dma_start3A_268 : memref<1x80x32xf32, #tpu.memory_space<vmem>> -> memref<80x32xf32, #tpu.memory_space<vmem>>
      %dma_start3A_270 = arith.constant 0 : i32
      %dma_start3A_271 = tpu.memref_slice %arg21[%add3A_36, %dma_start3A_270] : memref<10000x32xf32, #tpu.memory_space<vmem_shared>> -> memref<80x32xf32, #tpu.memory_space<vmem_shared>>
      %dma_start3A_272 = arith.constant 0 : i32
      %dma_start3A_273 = tpu.memref_slice %arg21[%add3A_36, %dma_start3A_272] : memref<10000x32xf32, #tpu.memory_space<vmem_shared>> -> memref<80x32xf32, #tpu.memory_space<vmem_shared>>
      %dma_start3A_274 = arith.constant 0 : i32
      %dma_start3A_275 = arith.constant 0 : i32
      %dma_start3A_276 = tpu.memref_slice %arg19[%run_scoped3A_38, %dma_start3A_274, %dma_start3A_275] : memref<2x80x32xf32, #tpu.memory_space<vmem>> -> memref<1x80x32xf32, #tpu.memory_space<vmem>>
      %dma_start3A_277 = tpu.memref_squeeze %dma_start3A_276 : memref<1x80x32xf32, #tpu.memory_space<vmem>> -> memref<80x32xf32, #tpu.memory_space<vmem>>
      tpu.enqueue_dma source(%dma_start3A_277 : memref<80x32xf32, #tpu.memory_space<vmem>>) target(%dma_start3A_273 : memref<80x32xf32, #tpu.memory_space<vmem_shared>>) target_semaphore(%run_scoped3A_265 : memref<!tpu.dma_semaphore, #tpu.memory_space<semaphore_mem>>)
      %dma_wait3A_278 = arith.constant 0 : i32
      %dma_wait3A_279 = arith.constant 0 : i32
      %dma_wait3A_280 = tpu.memref_slice %arg19[%run_scoped3A_38, %dma_wait3A_278, %dma_wait3A_279] : memref<2x80x32xf32, #tpu.memory_space<vmem>> -> memref<1x80x32xf32, #tpu.memory_space<vmem>>
      %dma_wait3A_281 = tpu.memref_squeeze %dma_wait3A_280 : memref<1x80x32xf32, #tpu.memory_space<vmem>> -> memref<80x32xf32, #tpu.memory_space<vmem>>
      %dma_wait3A_282 = arith.constant 0 : i32
      %dma_wait3A_283 = tpu.memref_slice %arg21[%add3A_36, %dma_wait3A_282] : memref<10000x32xf32, #tpu.memory_space<vmem_shared>> -> memref<80x32xf32, #tpu.memory_space<vmem_shared>>
      %dma_wait3A_284 = arith.constant 0 : i32
      %dma_wait3A_285 = tpu.memref_slice %arg21[%add3A_36, %dma_wait3A_284] : memref<10000x32xf32, #tpu.memory_space<vmem_shared>> -> memref<80x32xf32, #tpu.memory_space<vmem_shared>>
      %dma_wait3A_286 = arith.constant 0 : i32
      %dma_wait3A_287 = arith.constant 0 : i32
      %dma_wait3A_288 = tpu.memref_slice %arg19[%run_scoped3A_38, %dma_wait3A_286, %dma_wait3A_287] : memref<2x80x32xf32, #tpu.memory_space<vmem>> -> memref<1x80x32xf32, #tpu.memory_space<vmem>>
      %dma_wait3A_289 = tpu.memref_squeeze %dma_wait3A_288 : memref<1x80x32xf32, #tpu.memory_space<vmem>> -> memref<80x32xf32, #tpu.memory_space<vmem>>
      tpu.wait_dma2 semaphore(%run_scoped3A_265 : memref<!tpu.dma_semaphore, #tpu.memory_space<semaphore_mem>>) src(%dma_wait3A_289 : memref<80x32xf32, #tpu.memory_space<vmem>>) dst(%dma_wait3A_285 : memref<80x32xf32, #tpu.memory_space<vmem_shared>>)
      tpu.yield
    }) : () -> ()
    %mul3A_39 = arith.constant 624 : i32
    %mul3A_40 = arith.muli %arg1, %mul3A_39 : i32
    %add3A_41 = arith.constant 400 : i32
    %add3A_42 = arith.addi %mul3A_40, %add3A_41 : i32
    %run_scoped3A_43 = arith.constant 0 : i32
    "tpu.region"() ({
      %run_scoped3A_265 = tpu.sem_alloc : memref<!tpu.dma_semaphore, #tpu.memory_space<semaphore_mem>>
      %dma_start3A_266 = arith.constant 0 : i32
      %dma_start3A_267 = arith.constant 0 : i32
      %dma_start3A_268 = tpu.memref_slice %arg18[%run_scoped3A_43, %dma_start3A_266, %dma_start3A_267] : memref<2x80x128xf32, #tpu.memory_space<vmem>> -> memref<1x80x128xf32, #tpu.memory_space<vmem>>
      %dma_start3A_269 = tpu.memref_squeeze %dma_start3A_268 : memref<1x80x128xf32, #tpu.memory_space<vmem>> -> memref<80x128xf32, #tpu.memory_space<vmem>>
      %dma_start3A_270 = arith.constant 0 : i32
      %dma_start3A_271 = tpu.memref_slice %arg20[%add3A_42, %dma_start3A_270] : memref<10000x128xf32, #tpu.memory_space<vmem_shared>> -> memref<80x128xf32, #tpu.memory_space<vmem_shared>>
      %dma_start3A_272 = arith.constant 0 : i32
      %dma_start3A_273 = tpu.memref_slice %arg20[%add3A_42, %dma_start3A_272] : memref<10000x128xf32, #tpu.memory_space<vmem_shared>> -> memref<80x128xf32, #tpu.memory_space<vmem_shared>>
      %dma_start3A_274 = arith.constant 0 : i32
      %dma_start3A_275 = arith.constant 0 : i32
      %dma_start3A_276 = tpu.memref_slice %arg18[%run_scoped3A_43, %dma_start3A_274, %dma_start3A_275] : memref<2x80x128xf32, #tpu.memory_space<vmem>> -> memref<1x80x128xf32, #tpu.memory_space<vmem>>
      %dma_start3A_277 = tpu.memref_squeeze %dma_start3A_276 : memref<1x80x128xf32, #tpu.memory_space<vmem>> -> memref<80x128xf32, #tpu.memory_space<vmem>>
      tpu.enqueue_dma source(%dma_start3A_277 : memref<80x128xf32, #tpu.memory_space<vmem>>) target(%dma_start3A_273 : memref<80x128xf32, #tpu.memory_space<vmem_shared>>) target_semaphore(%run_scoped3A_265 : memref<!tpu.dma_semaphore, #tpu.memory_space<semaphore_mem>>)
      %dma_wait3A_278 = arith.constant 0 : i32
      %dma_wait3A_279 = arith.constant 0 : i32
      %dma_wait3A_280 = tpu.memref_slice %arg18[%run_scoped3A_43, %dma_wait3A_278, %dma_wait3A_279] : memref<2x80x128xf32, #tpu.memory_space<vmem>> -> memref<1x80x128xf32, #tpu.memory_space<vmem>>
      %dma_wait3A_281 = tpu.memref_squeeze %dma_wait3A_280 : memref<1x80x128xf32, #tpu.memory_space<vmem>> -> memref<80x128xf32, #tpu.memory_space<vmem>>
      %dma_wait3A_282 = arith.constant 0 : i32
      %dma_wait3A_283 = tpu.memref_slice %arg20[%add3A_42, %dma_wait3A_282] : memref<10000x128xf32, #tpu.memory_space<vmem_shared>> -> memref<80x128xf32, #tpu.memory_space<vmem_shared>>
      %dma_wait3A_284 = arith.constant 0 : i32
      %dma_wait3A_285 = tpu.memref_slice %arg20[%add3A_42, %dma_wait3A_284] : memref<10000x128xf32, #tpu.memory_space<vmem_shared>> -> memref<80x128xf32, #tpu.memory_space<vmem_shared>>
      %dma_wait3A_286 = arith.constant 0 : i32
      %dma_wait3A_287 = arith.constant 0 : i32
      %dma_wait3A_288 = tpu.memref_slice %arg18[%run_scoped3A_43, %dma_wait3A_286, %dma_wait3A_287] : memref<2x80x128xf32, #tpu.memory_space<vmem>> -> memref<1x80x128xf32, #tpu.memory_space<vmem>>
      %dma_wait3A_289 = tpu.memref_squeeze %dma_wait3A_288 : memref<1x80x128xf32, #tpu.memory_space<vmem>> -> memref<80x128xf32, #tpu.memory_space<vmem>>
      tpu.wait_dma2 semaphore(%run_scoped3A_265 : memref<!tpu.dma_semaphore, #tpu.memory_space<semaphore_mem>>) src(%dma_wait3A_289 : memref<80x128xf32, #tpu.memory_space<vmem>>) dst(%dma_wait3A_285 : memref<80x128xf32, #tpu.memory_space<vmem_shared>>)
      tpu.yield
    }) : () -> ()
    %run_scoped3A_44 = arith.constant 0 : i32
    "tpu.region"() ({
      %run_scoped3A_265 = tpu.sem_alloc : memref<!tpu.dma_semaphore, #tpu.memory_space<semaphore_mem>>
      %dma_start3A_266 = arith.constant 0 : i32
      %dma_start3A_267 = arith.constant 0 : i32
      %dma_start3A_268 = tpu.memref_slice %arg19[%run_scoped3A_44, %dma_start3A_266, %dma_start3A_267] : memref<2x80x32xf32, #tpu.memory_space<vmem>> -> memref<1x80x32xf32, #tpu.memory_space<vmem>>
      %dma_start3A_269 = tpu.memref_squeeze %dma_start3A_268 : memref<1x80x32xf32, #tpu.memory_space<vmem>> -> memref<80x32xf32, #tpu.memory_space<vmem>>
      %dma_start3A_270 = arith.constant 0 : i32
      %dma_start3A_271 = tpu.memref_slice %arg21[%add3A_42, %dma_start3A_270] : memref<10000x32xf32, #tpu.memory_space<vmem_shared>> -> memref<80x32xf32, #tpu.memory_space<vmem_shared>>
      %dma_start3A_272 = arith.constant 0 : i32
      %dma_start3A_273 = tpu.memref_slice %arg21[%add3A_42, %dma_start3A_272] : memref<10000x32xf32, #tpu.memory_space<vmem_shared>> -> memref<80x32xf32, #tpu.memory_space<vmem_shared>>
      %dma_start3A_274 = arith.constant 0 : i32
      %dma_start3A_275 = arith.constant 0 : i32
      %dma_start3A_276 = tpu.memref_slice %arg19[%run_scoped3A_44, %dma_start3A_274, %dma_start3A_275] : memref<2x80x32xf32, #tpu.memory_space<vmem>> -> memref<1x80x32xf32, #tpu.memory_space<vmem>>
      %dma_start3A_277 = tpu.memref_squeeze %dma_start3A_276 : memref<1x80x32xf32, #tpu.memory_space<vmem>> -> memref<80x32xf32, #tpu.memory_space<vmem>>
      tpu.enqueue_dma source(%dma_start3A_277 : memref<80x32xf32, #tpu.memory_space<vmem>>) target(%dma_start3A_273 : memref<80x32xf32, #tpu.memory_space<vmem_shared>>) target_semaphore(%run_scoped3A_265 : memref<!tpu.dma_semaphore, #tpu.memory_space<semaphore_mem>>)
      %dma_wait3A_278 = arith.constant 0 : i32
      %dma_wait3A_279 = arith.constant 0 : i32
      %dma_wait3A_280 = tpu.memref_slice %arg19[%run_scoped3A_44, %dma_wait3A_278, %dma_wait3A_279] : memref<2x80x32xf32, #tpu.memory_space<vmem>> -> memref<1x80x32xf32, #tpu.memory_space<vmem>>
      %dma_wait3A_281 = tpu.memref_squeeze %dma_wait3A_280 : memref<1x80x32xf32, #tpu.memory_space<vmem>> -> memref<80x32xf32, #tpu.memory_space<vmem>>
      %dma_wait3A_282 = arith.constant 0 : i32
      %dma_wait3A_283 = tpu.memref_slice %arg21[%add3A_42, %dma_wait3A_282] : memref<10000x32xf32, #tpu.memory_space<vmem_shared>> -> memref<80x32xf32, #tpu.memory_space<vmem_shared>>
      %dma_wait3A_284 = arith.constant 0 : i32
      %dma_wait3A_285 = tpu.memref_slice %arg21[%add3A_42, %dma_wait3A_284] : memref<10000x32xf32, #tpu.memory_space<vmem_shared>> -> memref<80x32xf32, #tpu.memory_space<vmem_shared>>
      %dma_wait3A_286 = arith.constant 0 : i32
      %dma_wait3A_287 = arith.constant 0 : i32
      %dma_wait3A_288 = tpu.memref_slice %arg19[%run_scoped3A_44, %dma_wait3A_286, %dma_wait3A_287] : memref<2x80x32xf32, #tpu.memory_space<vmem>> -> memref<1x80x32xf32, #tpu.memory_space<vmem>>
      %dma_wait3A_289 = tpu.memref_squeeze %dma_wait3A_288 : memref<1x80x32xf32, #tpu.memory_space<vmem>> -> memref<80x32xf32, #tpu.memory_space<vmem>>
      tpu.wait_dma2 semaphore(%run_scoped3A_265 : memref<!tpu.dma_semaphore, #tpu.memory_space<semaphore_mem>>) src(%dma_wait3A_289 : memref<80x32xf32, #tpu.memory_space<vmem>>) dst(%dma_wait3A_285 : memref<80x32xf32, #tpu.memory_space<vmem_shared>>)
      tpu.yield
    }) : () -> ()
    %mul3A_45 = arith.constant 624 : i32
    %mul3A_46 = arith.muli %arg1, %mul3A_45 : i32
    %add3A_47 = arith.constant 480 : i32
    %add3A_48 = arith.addi %mul3A_46, %add3A_47 : i32
    %run_scoped3A_49 = arith.constant 0 : i32
    "tpu.region"() ({
      %run_scoped3A_265 = tpu.sem_alloc : memref<!tpu.dma_semaphore, #tpu.memory_space<semaphore_mem>>
      %dma_start3A_266 = arith.constant 0 : i32
      %dma_start3A_267 = arith.constant 0 : i32
      %dma_start3A_268 = tpu.memref_slice %arg18[%run_scoped3A_49, %dma_start3A_266, %dma_start3A_267] : memref<2x80x128xf32, #tpu.memory_space<vmem>> -> memref<1x80x128xf32, #tpu.memory_space<vmem>>
      %dma_start3A_269 = tpu.memref_squeeze %dma_start3A_268 : memref<1x80x128xf32, #tpu.memory_space<vmem>> -> memref<80x128xf32, #tpu.memory_space<vmem>>
      %dma_start3A_270 = arith.constant 0 : i32
      %dma_start3A_271 = tpu.memref_slice %arg20[%add3A_48, %dma_start3A_270] : memref<10000x128xf32, #tpu.memory_space<vmem_shared>> -> memref<80x128xf32, #tpu.memory_space<vmem_shared>>
      %dma_start3A_272 = arith.constant 0 : i32
      %dma_start3A_273 = tpu.memref_slice %arg20[%add3A_48, %dma_start3A_272] : memref<10000x128xf32, #tpu.memory_space<vmem_shared>> -> memref<80x128xf32, #tpu.memory_space<vmem_shared>>
      %dma_start3A_274 = arith.constant 0 : i32
      %dma_start3A_275 = arith.constant 0 : i32
      %dma_start3A_276 = tpu.memref_slice %arg18[%run_scoped3A_49, %dma_start3A_274, %dma_start3A_275] : memref<2x80x128xf32, #tpu.memory_space<vmem>> -> memref<1x80x128xf32, #tpu.memory_space<vmem>>
      %dma_start3A_277 = tpu.memref_squeeze %dma_start3A_276 : memref<1x80x128xf32, #tpu.memory_space<vmem>> -> memref<80x128xf32, #tpu.memory_space<vmem>>
      tpu.enqueue_dma source(%dma_start3A_277 : memref<80x128xf32, #tpu.memory_space<vmem>>) target(%dma_start3A_273 : memref<80x128xf32, #tpu.memory_space<vmem_shared>>) target_semaphore(%run_scoped3A_265 : memref<!tpu.dma_semaphore, #tpu.memory_space<semaphore_mem>>)
      %dma_wait3A_278 = arith.constant 0 : i32
      %dma_wait3A_279 = arith.constant 0 : i32
      %dma_wait3A_280 = tpu.memref_slice %arg18[%run_scoped3A_49, %dma_wait3A_278, %dma_wait3A_279] : memref<2x80x128xf32, #tpu.memory_space<vmem>> -> memref<1x80x128xf32, #tpu.memory_space<vmem>>
      %dma_wait3A_281 = tpu.memref_squeeze %dma_wait3A_280 : memref<1x80x128xf32, #tpu.memory_space<vmem>> -> memref<80x128xf32, #tpu.memory_space<vmem>>
      %dma_wait3A_282 = arith.constant 0 : i32
      %dma_wait3A_283 = tpu.memref_slice %arg20[%add3A_48, %dma_wait3A_282] : memref<10000x128xf32, #tpu.memory_space<vmem_shared>> -> memref<80x128xf32, #tpu.memory_space<vmem_shared>>
      %dma_wait3A_284 = arith.constant 0 : i32
      %dma_wait3A_285 = tpu.memref_slice %arg20[%add3A_48, %dma_wait3A_284] : memref<10000x128xf32, #tpu.memory_space<vmem_shared>> -> memref<80x128xf32, #tpu.memory_space<vmem_shared>>
      %dma_wait3A_286 = arith.constant 0 : i32
      %dma_wait3A_287 = arith.constant 0 : i32
      %dma_wait3A_288 = tpu.memref_slice %arg18[%run_scoped3A_49, %dma_wait3A_286, %dma_wait3A_287] : memref<2x80x128xf32, #tpu.memory_space<vmem>> -> memref<1x80x128xf32, #tpu.memory_space<vmem>>
      %dma_wait3A_289 = tpu.memref_squeeze %dma_wait3A_288 : memref<1x80x128xf32, #tpu.memory_space<vmem>> -> memref<80x128xf32, #tpu.memory_space<vmem>>
      tpu.wait_dma2 semaphore(%run_scoped3A_265 : memref<!tpu.dma_semaphore, #tpu.memory_space<semaphore_mem>>) src(%dma_wait3A_289 : memref<80x128xf32, #tpu.memory_space<vmem>>) dst(%dma_wait3A_285 : memref<80x128xf32, #tpu.memory_space<vmem_shared>>)
      tpu.yield
    }) : () -> ()
    %run_scoped3A_50 = arith.constant 0 : i32
    "tpu.region"() ({
      %run_scoped3A_265 = tpu.sem_alloc : memref<!tpu.dma_semaphore, #tpu.memory_space<semaphore_mem>>
      %dma_start3A_266 = arith.constant 0 : i32
      %dma_start3A_267 = arith.constant 0 : i32
      %dma_start3A_268 = tpu.memref_slice %arg19[%run_scoped3A_50, %dma_start3A_266, %dma_start3A_267] : memref<2x80x32xf32, #tpu.memory_space<vmem>> -> memref<1x80x32xf32, #tpu.memory_space<vmem>>
      %dma_start3A_269 = tpu.memref_squeeze %dma_start3A_268 : memref<1x80x32xf32, #tpu.memory_space<vmem>> -> memref<80x32xf32, #tpu.memory_space<vmem>>
      %dma_start3A_270 = arith.constant 0 : i32
      %dma_start3A_271 = tpu.memref_slice %arg21[%add3A_48, %dma_start3A_270] : memref<10000x32xf32, #tpu.memory_space<vmem_shared>> -> memref<80x32xf32, #tpu.memory_space<vmem_shared>>
      %dma_start3A_272 = arith.constant 0 : i32
      %dma_start3A_273 = tpu.memref_slice %arg21[%add3A_48, %dma_start3A_272] : memref<10000x32xf32, #tpu.memory_space<vmem_shared>> -> memref<80x32xf32, #tpu.memory_space<vmem_shared>>
      %dma_start3A_274 = arith.constant 0 : i32
      %dma_start3A_275 = arith.constant 0 : i32
      %dma_start3A_276 = tpu.memref_slice %arg19[%run_scoped3A_50, %dma_start3A_274, %dma_start3A_275] : memref<2x80x32xf32, #tpu.memory_space<vmem>> -> memref<1x80x32xf32, #tpu.memory_space<vmem>>
      %dma_start3A_277 = tpu.memref_squeeze %dma_start3A_276 : memref<1x80x32xf32, #tpu.memory_space<vmem>> -> memref<80x32xf32, #tpu.memory_space<vmem>>
      tpu.enqueue_dma source(%dma_start3A_277 : memref<80x32xf32, #tpu.memory_space<vmem>>) target(%dma_start3A_273 : memref<80x32xf32, #tpu.memory_space<vmem_shared>>) target_semaphore(%run_scoped3A_265 : memref<!tpu.dma_semaphore, #tpu.memory_space<semaphore_mem>>)
      %dma_wait3A_278 = arith.constant 0 : i32
      %dma_wait3A_279 = arith.constant 0 : i32
      %dma_wait3A_280 = tpu.memref_slice %arg19[%run_scoped3A_50, %dma_wait3A_278, %dma_wait3A_279] : memref<2x80x32xf32, #tpu.memory_space<vmem>> -> memref<1x80x32xf32, #tpu.memory_space<vmem>>
      %dma_wait3A_281 = tpu.memref_squeeze %dma_wait3A_280 : memref<1x80x32xf32, #tpu.memory_space<vmem>> -> memref<80x32xf32, #tpu.memory_space<vmem>>
      %dma_wait3A_282 = arith.constant 0 : i32
      %dma_wait3A_283 = tpu.memref_slice %arg21[%add3A_48, %dma_wait3A_282] : memref<10000x32xf32, #tpu.memory_space<vmem_shared>> -> memref<80x32xf32, #tpu.memory_space<vmem_shared>>
      %dma_wait3A_284 = arith.constant 0 : i32
      %dma_wait3A_285 = tpu.memref_slice %arg21[%add3A_48, %dma_wait3A_284] : memref<10000x32xf32, #tpu.memory_space<vmem_shared>> -> memref<80x32xf32, #tpu.memory_space<vmem_shared>>
      %dma_wait3A_286 = arith.constant 0 : i32
      %dma_wait3A_287 = arith.constant 0 : i32
      %dma_wait3A_288 = tpu.memref_slice %arg19[%run_scoped3A_50, %dma_wait3A_286, %dma_wait3A_287] : memref<2x80x32xf32, #tpu.memory_space<vmem>> -> memref<1x80x32xf32, #tpu.memory_space<vmem>>
      %dma_wait3A_289 = tpu.memref_squeeze %dma_wait3A_288 : memref<1x80x32xf32, #tpu.memory_space<vmem>> -> memref<80x32xf32, #tpu.memory_space<vmem>>
      tpu.wait_dma2 semaphore(%run_scoped3A_265 : memref<!tpu.dma_semaphore, #tpu.memory_space<semaphore_mem>>) src(%dma_wait3A_289 : memref<80x32xf32, #tpu.memory_space<vmem>>) dst(%dma_wait3A_285 : memref<80x32xf32, #tpu.memory_space<vmem_shared>>)
      tpu.yield
    }) : () -> ()
    %mul3A_51 = arith.constant 624 : i32
    %mul3A_52 = arith.muli %arg1, %mul3A_51 : i32
    %add3A_53 = arith.constant 560 : i32
    %add3A_54 = arith.addi %mul3A_52, %add3A_53 : i32
    %run_scoped3A_55 = arith.constant 0 : i32
    "tpu.region"() ({
      %run_scoped3A_265 = tpu.sem_alloc : memref<!tpu.dma_semaphore, #tpu.memory_space<semaphore_mem>>
      %dma_start3A_266 = arith.constant 0 : i32
      %dma_start3A_267 = arith.constant 0 : i32
      %dma_start3A_268 = tpu.memref_slice %arg18[%run_scoped3A_55, %dma_start3A_266, %dma_start3A_267] : memref<2x80x128xf32, #tpu.memory_space<vmem>> -> memref<1x64x128xf32, #tpu.memory_space<vmem>>
      %dma_start3A_269 = tpu.memref_squeeze %dma_start3A_268 : memref<1x64x128xf32, #tpu.memory_space<vmem>> -> memref<64x128xf32, #tpu.memory_space<vmem>>
      %dma_start3A_270 = arith.constant 0 : i32
      %dma_start3A_271 = tpu.memref_slice %arg20[%add3A_54, %dma_start3A_270] : memref<10000x128xf32, #tpu.memory_space<vmem_shared>> -> memref<64x128xf32, #tpu.memory_space<vmem_shared>>
      %dma_start3A_272 = arith.constant 0 : i32
      %dma_start3A_273 = tpu.memref_slice %arg20[%add3A_54, %dma_start3A_272] : memref<10000x128xf32, #tpu.memory_space<vmem_shared>> -> memref<64x128xf32, #tpu.memory_space<vmem_shared>>
      %dma_start3A_274 = arith.constant 0 : i32
      %dma_start3A_275 = arith.constant 0 : i32
      %dma_start3A_276 = tpu.memref_slice %arg18[%run_scoped3A_55, %dma_start3A_274, %dma_start3A_275] : memref<2x80x128xf32, #tpu.memory_space<vmem>> -> memref<1x64x128xf32, #tpu.memory_space<vmem>>
      %dma_start3A_277 = tpu.memref_squeeze %dma_start3A_276 : memref<1x64x128xf32, #tpu.memory_space<vmem>> -> memref<64x128xf32, #tpu.memory_space<vmem>>
      tpu.enqueue_dma source(%dma_start3A_277 : memref<64x128xf32, #tpu.memory_space<vmem>>) target(%dma_start3A_273 : memref<64x128xf32, #tpu.memory_space<vmem_shared>>) target_semaphore(%run_scoped3A_265 : memref<!tpu.dma_semaphore, #tpu.memory_space<semaphore_mem>>)
      %dma_wait3A_278 = arith.constant 0 : i32
      %dma_wait3A_279 = arith.constant 0 : i32
      %dma_wait3A_280 = tpu.memref_slice %arg18[%run_scoped3A_55, %dma_wait3A_278, %dma_wait3A_279] : memref<2x80x128xf32, #tpu.memory_space<vmem>> -> memref<1x64x128xf32, #tpu.memory_space<vmem>>
      %dma_wait3A_281 = tpu.memref_squeeze %dma_wait3A_280 : memref<1x64x128xf32, #tpu.memory_space<vmem>> -> memref<64x128xf32, #tpu.memory_space<vmem>>
      %dma_wait3A_282 = arith.constant 0 : i32
      %dma_wait3A_283 = tpu.memref_slice %arg20[%add3A_54, %dma_wait3A_282] : memref<10000x128xf32, #tpu.memory_space<vmem_shared>> -> memref<64x128xf32, #tpu.memory_space<vmem_shared>>
      %dma_wait3A_284 = arith.constant 0 : i32
      %dma_wait3A_285 = tpu.memref_slice %arg20[%add3A_54, %dma_wait3A_284] : memref<10000x128xf32, #tpu.memory_space<vmem_shared>> -> memref<64x128xf32, #tpu.memory_space<vmem_shared>>
      %dma_wait3A_286 = arith.constant 0 : i32
      %dma_wait3A_287 = arith.constant 0 : i32
      %dma_wait3A_288 = tpu.memref_slice %arg18[%run_scoped3A_55, %dma_wait3A_286, %dma_wait3A_287] : memref<2x80x128xf32, #tpu.memory_space<vmem>> -> memref<1x64x128xf32, #tpu.memory_space<vmem>>
      %dma_wait3A_289 = tpu.memref_squeeze %dma_wait3A_288 : memref<1x64x128xf32, #tpu.memory_space<vmem>> -> memref<64x128xf32, #tpu.memory_space<vmem>>
      tpu.wait_dma2 semaphore(%run_scoped3A_265 : memref<!tpu.dma_semaphore, #tpu.memory_space<semaphore_mem>>) src(%dma_wait3A_289 : memref<64x128xf32, #tpu.memory_space<vmem>>) dst(%dma_wait3A_285 : memref<64x128xf32, #tpu.memory_space<vmem_shared>>)
      tpu.yield
    }) : () -> ()
    %run_scoped3A_56 = arith.constant 0 : i32
    "tpu.region"() ({
      %run_scoped3A_265 = tpu.sem_alloc : memref<!tpu.dma_semaphore, #tpu.memory_space<semaphore_mem>>
      %dma_start3A_266 = arith.constant 0 : i32
      %dma_start3A_267 = arith.constant 0 : i32
      %dma_start3A_268 = tpu.memref_slice %arg19[%run_scoped3A_56, %dma_start3A_266, %dma_start3A_267] : memref<2x80x32xf32, #tpu.memory_space<vmem>> -> memref<1x64x32xf32, #tpu.memory_space<vmem>>
      %dma_start3A_269 = tpu.memref_squeeze %dma_start3A_268 : memref<1x64x32xf32, #tpu.memory_space<vmem>> -> memref<64x32xf32, #tpu.memory_space<vmem>>
      %dma_start3A_270 = arith.constant 0 : i32
      %dma_start3A_271 = tpu.memref_slice %arg21[%add3A_54, %dma_start3A_270] : memref<10000x32xf32, #tpu.memory_space<vmem_shared>> -> memref<64x32xf32, #tpu.memory_space<vmem_shared>>
      %dma_start3A_272 = arith.constant 0 : i32
      %dma_start3A_273 = tpu.memref_slice %arg21[%add3A_54, %dma_start3A_272] : memref<10000x32xf32, #tpu.memory_space<vmem_shared>> -> memref<64x32xf32, #tpu.memory_space<vmem_shared>>
      %dma_start3A_274 = arith.constant 0 : i32
      %dma_start3A_275 = arith.constant 0 : i32
      %dma_start3A_276 = tpu.memref_slice %arg19[%run_scoped3A_56, %dma_start3A_274, %dma_start3A_275] : memref<2x80x32xf32, #tpu.memory_space<vmem>> -> memref<1x64x32xf32, #tpu.memory_space<vmem>>
      %dma_start3A_277 = tpu.memref_squeeze %dma_start3A_276 : memref<1x64x32xf32, #tpu.memory_space<vmem>> -> memref<64x32xf32, #tpu.memory_space<vmem>>
      tpu.enqueue_dma source(%dma_start3A_277 : memref<64x32xf32, #tpu.memory_space<vmem>>) target(%dma_start3A_273 : memref<64x32xf32, #tpu.memory_space<vmem_shared>>) target_semaphore(%run_scoped3A_265 : memref<!tpu.dma_semaphore, #tpu.memory_space<semaphore_mem>>)
      %dma_wait3A_278 = arith.constant 0 : i32
      %dma_wait3A_279 = arith.constant 0 : i32
      %dma_wait3A_280 = tpu.memref_slice %arg19[%run_scoped3A_56, %dma_wait3A_278, %dma_wait3A_279] : memref<2x80x32xf32, #tpu.memory_space<vmem>> -> memref<1x64x32xf32, #tpu.memory_space<vmem>>
      %dma_wait3A_281 = tpu.memref_squeeze %dma_wait3A_280 : memref<1x64x32xf32, #tpu.memory_space<vmem>> -> memref<64x32xf32, #tpu.memory_space<vmem>>
      %dma_wait3A_282 = arith.constant 0 : i32
      %dma_wait3A_283 = tpu.memref_slice %arg21[%add3A_54, %dma_wait3A_282] : memref<10000x32xf32, #tpu.memory_space<vmem_shared>> -> memref<64x32xf32, #tpu.memory_space<vmem_shared>>
      %dma_wait3A_284 = arith.constant 0 : i32
      %dma_wait3A_285 = tpu.memref_slice %arg21[%add3A_54, %dma_wait3A_284] : memref<10000x32xf32, #tpu.memory_space<vmem_shared>> -> memref<64x32xf32, #tpu.memory_space<vmem_shared>>
      %dma_wait3A_286 = arith.constant 0 : i32
      %dma_wait3A_287 = arith.constant 0 : i32
      %dma_wait3A_288 = tpu.memref_slice %arg19[%run_scoped3A_56, %dma_wait3A_286, %dma_wait3A_287] : memref<2x80x32xf32, #tpu.memory_space<vmem>> -> memref<1x64x32xf32, #tpu.memory_space<vmem>>
      %dma_wait3A_289 = tpu.memref_squeeze %dma_wait3A_288 : memref<1x64x32xf32, #tpu.memory_space<vmem>> -> memref<64x32xf32, #tpu.memory_space<vmem>>
      tpu.wait_dma2 semaphore(%run_scoped3A_265 : memref<!tpu.dma_semaphore, #tpu.memory_space<semaphore_mem>>) src(%dma_wait3A_289 : memref<64x32xf32, #tpu.memory_space<vmem>>) dst(%dma_wait3A_285 : memref<64x32xf32, #tpu.memory_space<vmem_shared>>)
      tpu.yield
    }) : () -> ()
    %eq3A = arith.constant 15 : i32
    %eq3A_57 = arith.cmpi eq, %arg1, %eq3A : i32
    %convert_element_type3A = arith.extui %eq3A_57 : i1 to i32
    %cond3A = arith.constant 0 : i32
    %cond3A_58 = arith.cmpi ne, %convert_element_type3A, %cond3A : i32
    scf.if %cond3A_58 {
      %run_scoped3A_265 = arith.constant 0 : i32
      "tpu.region"() ({
        %run_scoped3A_267 = tpu.sem_alloc : memref<!tpu.dma_semaphore, #tpu.memory_space<semaphore_mem>>
        %dma_start3A_268 = arith.constant 0 : i32
        %dma_start3A_269 = arith.constant 0 : i32
        %dma_start3A_270 = tpu.memref_slice %arg18[%run_scoped3A_265, %dma_start3A_268, %dma_start3A_269] : memref<2x80x128xf32, #tpu.memory_space<vmem>> -> memref<1x16x128xf32, #tpu.memory_space<vmem>>
        %dma_start3A_271 = tpu.memref_squeeze %dma_start3A_270 : memref<1x16x128xf32, #tpu.memory_space<vmem>> -> memref<16x128xf32, #tpu.memory_space<vmem>>
        %dma_start3A_272 = arith.constant 9984 : i32
        %dma_start3A_273 = arith.constant 0 : i32
        %dma_start3A_274 = tpu.memref_slice %arg20[%dma_start3A_272, %dma_start3A_273] : memref<10000x128xf32, #tpu.memory_space<vmem_shared>> -> memref<16x128xf32, #tpu.memory_space<vmem_shared>>
        %dma_start3A_275 = arith.constant 9984 : i32
        %dma_start3A_276 = arith.constant 0 : i32
        %dma_start3A_277 = tpu.memref_slice %arg20[%dma_start3A_275, %dma_start3A_276] : memref<10000x128xf32, #tpu.memory_space<vmem_shared>> -> memref<16x128xf32, #tpu.memory_space<vmem_shared>>
        %dma_start3A_278 = arith.constant 0 : i32
        %dma_start3A_279 = arith.constant 0 : i32
        %dma_start3A_280 = tpu.memref_slice %arg18[%run_scoped3A_265, %dma_start3A_278, %dma_start3A_279] : memref<2x80x128xf32, #tpu.memory_space<vmem>> -> memref<1x16x128xf32, #tpu.memory_space<vmem>>
        %dma_start3A_281 = tpu.memref_squeeze %dma_start3A_280 : memref<1x16x128xf32, #tpu.memory_space<vmem>> -> memref<16x128xf32, #tpu.memory_space<vmem>>
        tpu.enqueue_dma source(%dma_start3A_281 : memref<16x128xf32, #tpu.memory_space<vmem>>) target(%dma_start3A_277 : memref<16x128xf32, #tpu.memory_space<vmem_shared>>) target_semaphore(%run_scoped3A_267 : memref<!tpu.dma_semaphore, #tpu.memory_space<semaphore_mem>>)
        %dma_wait3A_282 = arith.constant 0 : i32
        %dma_wait3A_283 = arith.constant 0 : i32
        %dma_wait3A_284 = tpu.memref_slice %arg18[%run_scoped3A_265, %dma_wait3A_282, %dma_wait3A_283] : memref<2x80x128xf32, #tpu.memory_space<vmem>> -> memref<1x16x128xf32, #tpu.memory_space<vmem>>
        %dma_wait3A_285 = tpu.memref_squeeze %dma_wait3A_284 : memref<1x16x128xf32, #tpu.memory_space<vmem>> -> memref<16x128xf32, #tpu.memory_space<vmem>>
        %dma_wait3A_286 = arith.constant 9984 : i32
        %dma_wait3A_287 = arith.constant 0 : i32
        %dma_wait3A_288 = tpu.memref_slice %arg20[%dma_wait3A_286, %dma_wait3A_287] : memref<10000x128xf32, #tpu.memory_space<vmem_shared>> -> memref<16x128xf32, #tpu.memory_space<vmem_shared>>
        %dma_wait3A_289 = arith.constant 9984 : i32
        %dma_wait3A_290 = arith.constant 0 : i32
        %dma_wait3A_291 = tpu.memref_slice %arg20[%dma_wait3A_289, %dma_wait3A_290] : memref<10000x128xf32, #tpu.memory_space<vmem_shared>> -> memref<16x128xf32, #tpu.memory_space<vmem_shared>>
        %dma_wait3A_292 = arith.constant 0 : i32
        %dma_wait3A_293 = arith.constant 0 : i32
        %dma_wait3A_294 = tpu.memref_slice %arg18[%run_scoped3A_265, %dma_wait3A_292, %dma_wait3A_293] : memref<2x80x128xf32, #tpu.memory_space<vmem>> -> memref<1x16x128xf32, #tpu.memory_space<vmem>>
        %dma_wait3A_295 = tpu.memref_squeeze %dma_wait3A_294 : memref<1x16x128xf32, #tpu.memory_space<vmem>> -> memref<16x128xf32, #tpu.memory_space<vmem>>
        tpu.wait_dma2 semaphore(%run_scoped3A_267 : memref<!tpu.dma_semaphore, #tpu.memory_space<semaphore_mem>>) src(%dma_wait3A_295 : memref<16x128xf32, #tpu.memory_space<vmem>>) dst(%dma_wait3A_291 : memref<16x128xf32, #tpu.memory_space<vmem_shared>>)
        tpu.yield
      }) : () -> ()
      %run_scoped3A_266 = arith.constant 0 : i32
      "tpu.region"() ({
        %run_scoped3A_267 = tpu.sem_alloc : memref<!tpu.dma_semaphore, #tpu.memory_space<semaphore_mem>>
        %dma_start3A_268 = arith.constant 0 : i32
        %dma_start3A_269 = arith.constant 0 : i32
        %dma_start3A_270 = tpu.memref_slice %arg19[%run_scoped3A_266, %dma_start3A_268, %dma_start3A_269] : memref<2x80x32xf32, #tpu.memory_space<vmem>> -> memref<1x16x32xf32, #tpu.memory_space<vmem>>
        %dma_start3A_271 = tpu.memref_squeeze %dma_start3A_270 : memref<1x16x32xf32, #tpu.memory_space<vmem>> -> memref<16x32xf32, #tpu.memory_space<vmem>>
        %dma_start3A_272 = arith.constant 9984 : i32
        %dma_start3A_273 = arith.constant 0 : i32
        %dma_start3A_274 = tpu.memref_slice %arg21[%dma_start3A_272, %dma_start3A_273] : memref<10000x32xf32, #tpu.memory_space<vmem_shared>> -> memref<16x32xf32, #tpu.memory_space<vmem_shared>>
        %dma_start3A_275 = arith.constant 9984 : i32
        %dma_start3A_276 = arith.constant 0 : i32
        %dma_start3A_277 = tpu.memref_slice %arg21[%dma_start3A_275, %dma_start3A_276] : memref<10000x32xf32, #tpu.memory_space<vmem_shared>> -> memref<16x32xf32, #tpu.memory_space<vmem_shared>>
        %dma_start3A_278 = arith.constant 0 : i32
        %dma_start3A_279 = arith.constant 0 : i32
        %dma_start3A_280 = tpu.memref_slice %arg19[%run_scoped3A_266, %dma_start3A_278, %dma_start3A_279] : memref<2x80x32xf32, #tpu.memory_space<vmem>> -> memref<1x16x32xf32, #tpu.memory_space<vmem>>
        %dma_start3A_281 = tpu.memref_squeeze %dma_start3A_280 : memref<1x16x32xf32, #tpu.memory_space<vmem>> -> memref<16x32xf32, #tpu.memory_space<vmem>>
        tpu.enqueue_dma source(%dma_start3A_281 : memref<16x32xf32, #tpu.memory_space<vmem>>) target(%dma_start3A_277 : memref<16x32xf32, #tpu.memory_space<vmem_shared>>) target_semaphore(%run_scoped3A_267 : memref<!tpu.dma_semaphore, #tpu.memory_space<semaphore_mem>>)
        %dma_wait3A_282 = arith.constant 0 : i32
        %dma_wait3A_283 = arith.constant 0 : i32
        %dma_wait3A_284 = tpu.memref_slice %arg19[%run_scoped3A_266, %dma_wait3A_282, %dma_wait3A_283] : memref<2x80x32xf32, #tpu.memory_space<vmem>> -> memref<1x16x32xf32, #tpu.memory_space<vmem>>
        %dma_wait3A_285 = tpu.memref_squeeze %dma_wait3A_284 : memref<1x16x32xf32, #tpu.memory_space<vmem>> -> memref<16x32xf32, #tpu.memory_space<vmem>>
        %dma_wait3A_286 = arith.constant 9984 : i32
        %dma_wait3A_287 = arith.constant 0 : i32
        %dma_wait3A_288 = tpu.memref_slice %arg21[%dma_wait3A_286, %dma_wait3A_287] : memref<10000x32xf32, #tpu.memory_space<vmem_shared>> -> memref<16x32xf32, #tpu.memory_space<vmem_shared>>
        %dma_wait3A_289 = arith.constant 9984 : i32
        %dma_wait3A_290 = arith.constant 0 : i32
        %dma_wait3A_291 = tpu.memref_slice %arg21[%dma_wait3A_289, %dma_wait3A_290] : memref<10000x32xf32, #tpu.memory_space<vmem_shared>> -> memref<16x32xf32, #tpu.memory_space<vmem_shared>>
        %dma_wait3A_292 = arith.constant 0 : i32
        %dma_wait3A_293 = arith.constant 0 : i32
        %dma_wait3A_294 = tpu.memref_slice %arg19[%run_scoped3A_266, %dma_wait3A_292, %dma_wait3A_293] : memref<2x80x32xf32, #tpu.memory_space<vmem>> -> memref<1x16x32xf32, #tpu.memory_space<vmem>>
        %dma_wait3A_295 = tpu.memref_squeeze %dma_wait3A_294 : memref<1x16x32xf32, #tpu.memory_space<vmem>> -> memref<16x32xf32, #tpu.memory_space<vmem>>
        tpu.wait_dma2 semaphore(%run_scoped3A_267 : memref<!tpu.dma_semaphore, #tpu.memory_space<semaphore_mem>>) src(%dma_wait3A_295 : memref<16x32xf32, #tpu.memory_space<vmem>>) dst(%dma_wait3A_291 : memref<16x32xf32, #tpu.memory_space<vmem_shared>>)
        tpu.yield
      }) : () -> ()
    } else {
    }
    %barrier3A = arith.constant 0 : index
    tpu.barrier barrier_id(%barrier3A)
    %add3A_59 = arith.constant 0 : i32
    %add3A_60 = arith.addi %mul3A_2, %add3A_59 : i32
    %multiple_of3A = tpu.assume_multiple %add3A_60, 80 : i32
    %dma_start3A = arith.constant 0 : i32
    %dma_start3A_61 = arith.constant 0 : i32
    %dma_start3A_62 = tpu.memref_slice %arg11[%dma_start3A, %dma_start3A_61] : memref<4x80xi32, #tpu.memory_space<vmem>> -> memref<1x80xi32, #tpu.memory_space<vmem>>
    %dma_start3A_63 = tpu.memref_squeeze %dma_start3A_62 : memref<1x80xi32, #tpu.memory_space<vmem>> -> memref<80xi32, #tpu.memory_space<vmem>>
    %dma_start3A_64 = tpu.memref_slice %arg2[%multiple_of3A] : memref<320000xi32, #tpu.memory_space<hbm>> -> memref<80xi32, #tpu.memory_space<hbm>>
    %dma_start3A_65 = arith.constant 0 : i32
    %dma_start3A_66 = tpu.memref_slice %arg11[%dma_start3A, %dma_start3A_65] : memref<4x80xi32, #tpu.memory_space<vmem>> -> memref<1x80xi32, #tpu.memory_space<vmem>>
    %dma_start3A_67 = tpu.memref_squeeze %dma_start3A_66 : memref<1x80xi32, #tpu.memory_space<vmem>> -> memref<80xi32, #tpu.memory_space<vmem>>
    %dma_start3A_68 = tpu.memref_slice %arg2[%multiple_of3A] : memref<320000xi32, #tpu.memory_space<hbm>> -> memref<80xi32, #tpu.memory_space<hbm>>
    tpu.enqueue_dma source(%dma_start3A_68 : memref<80xi32, #tpu.memory_space<hbm>>) target(%dma_start3A_67 : memref<80xi32, #tpu.memory_space<vmem>>) target_semaphore(%arg22 : memref<!tpu.dma_semaphore, #tpu.memory_space<semaphore_mem>>)
    %dma_start3A_69 = arith.constant 0 : i32
    %dma_start3A_70 = arith.constant 0 : i32
    %dma_start3A_71 = tpu.memref_slice %arg12[%dma_start3A_69, %dma_start3A_70] : memref<4x80xi32, #tpu.memory_space<vmem>> -> memref<1x80xi32, #tpu.memory_space<vmem>>
    %dma_start3A_72 = tpu.memref_squeeze %dma_start3A_71 : memref<1x80xi32, #tpu.memory_space<vmem>> -> memref<80xi32, #tpu.memory_space<vmem>>
    %dma_start3A_73 = tpu.memref_slice %arg3[%multiple_of3A] : memref<320000xi32, #tpu.memory_space<hbm>> -> memref<80xi32, #tpu.memory_space<hbm>>
    %dma_start3A_74 = arith.constant 0 : i32
    %dma_start3A_75 = tpu.memref_slice %arg12[%dma_start3A_69, %dma_start3A_74] : memref<4x80xi32, #tpu.memory_space<vmem>> -> memref<1x80xi32, #tpu.memory_space<vmem>>
    %dma_start3A_76 = tpu.memref_squeeze %dma_start3A_75 : memref<1x80xi32, #tpu.memory_space<vmem>> -> memref<80xi32, #tpu.memory_space<vmem>>
    %dma_start3A_77 = tpu.memref_slice %arg3[%multiple_of3A] : memref<320000xi32, #tpu.memory_space<hbm>> -> memref<80xi32, #tpu.memory_space<hbm>>
    tpu.enqueue_dma source(%dma_start3A_77 : memref<80xi32, #tpu.memory_space<hbm>>) target(%dma_start3A_76 : memref<80xi32, #tpu.memory_space<vmem>>) target_semaphore(%arg22 : memref<!tpu.dma_semaphore, #tpu.memory_space<semaphore_mem>>)
    %add3A_78 = arith.constant 80 : i32
    %add3A_79 = arith.addi %mul3A_2, %add3A_78 : i32
    %multiple_of3A_80 = tpu.assume_multiple %add3A_79, 80 : i32
    %dma_start3A_81 = arith.constant 1 : i32
    %dma_start3A_82 = arith.constant 0 : i32
    %dma_start3A_83 = tpu.memref_slice %arg11[%dma_start3A_81, %dma_start3A_82] : memref<4x80xi32, #tpu.memory_space<vmem>> -> memref<1x80xi32, #tpu.memory_space<vmem>>
    %dma_start3A_84 = tpu.memref_squeeze %dma_start3A_83 : memref<1x80xi32, #tpu.memory_space<vmem>> -> memref<80xi32, #tpu.memory_space<vmem>>
    %dma_start3A_85 = tpu.memref_slice %arg2[%multiple_of3A_80] : memref<320000xi32, #tpu.memory_space<hbm>> -> memref<80xi32, #tpu.memory_space<hbm>>
    %dma_start3A_86 = arith.constant 0 : i32
    %dma_start3A_87 = tpu.memref_slice %arg11[%dma_start3A_81, %dma_start3A_86] : memref<4x80xi32, #tpu.memory_space<vmem>> -> memref<1x80xi32, #tpu.memory_space<vmem>>
    %dma_start3A_88 = tpu.memref_squeeze %dma_start3A_87 : memref<1x80xi32, #tpu.memory_space<vmem>> -> memref<80xi32, #tpu.memory_space<vmem>>
    %dma_start3A_89 = tpu.memref_slice %arg2[%multiple_of3A_80] : memref<320000xi32, #tpu.memory_space<hbm>> -> memref<80xi32, #tpu.memory_space<hbm>>
    tpu.enqueue_dma source(%dma_start3A_89 : memref<80xi32, #tpu.memory_space<hbm>>) target(%dma_start3A_88 : memref<80xi32, #tpu.memory_space<vmem>>) target_semaphore(%arg22 : memref<!tpu.dma_semaphore, #tpu.memory_space<semaphore_mem>>)
    %dma_start3A_90 = arith.constant 1 : i32
    %dma_start3A_91 = arith.constant 0 : i32
    %dma_start3A_92 = tpu.memref_slice %arg12[%dma_start3A_90, %dma_start3A_91] : memref<4x80xi32, #tpu.memory_space<vmem>> -> memref<1x80xi32, #tpu.memory_space<vmem>>
    %dma_start3A_93 = tpu.memref_squeeze %dma_start3A_92 : memref<1x80xi32, #tpu.memory_space<vmem>> -> memref<80xi32, #tpu.memory_space<vmem>>
    %dma_start3A_94 = tpu.memref_slice %arg3[%multiple_of3A_80] : memref<320000xi32, #tpu.memory_space<hbm>> -> memref<80xi32, #tpu.memory_space<hbm>>
    %dma_start3A_95 = arith.constant 0 : i32
    %dma_start3A_96 = tpu.memref_slice %arg12[%dma_start3A_90, %dma_start3A_95] : memref<4x80xi32, #tpu.memory_space<vmem>> -> memref<1x80xi32, #tpu.memory_space<vmem>>
    %dma_start3A_97 = tpu.memref_squeeze %dma_start3A_96 : memref<1x80xi32, #tpu.memory_space<vmem>> -> memref<80xi32, #tpu.memory_space<vmem>>
    %dma_start3A_98 = tpu.memref_slice %arg3[%multiple_of3A_80] : memref<320000xi32, #tpu.memory_space<hbm>> -> memref<80xi32, #tpu.memory_space<hbm>>
    tpu.enqueue_dma source(%dma_start3A_98 : memref<80xi32, #tpu.memory_space<hbm>>) target(%dma_start3A_97 : memref<80xi32, #tpu.memory_space<vmem>>) target_semaphore(%arg22 : memref<!tpu.dma_semaphore, #tpu.memory_space<semaphore_mem>>)
    %add3A_99 = arith.constant 0 : i32
    %add3A_100 = arith.addi %mul3A_2, %add3A_99 : i32
    %multiple_of3A_101 = tpu.assume_multiple %add3A_100, 80 : i32
    %dma_wait3A = arith.constant 0 : i32
    %dma_wait3A_102 = arith.constant 0 : i32
    %dma_wait3A_103 = tpu.memref_slice %arg11[%dma_wait3A, %dma_wait3A_102] : memref<4x80xi32, #tpu.memory_space<vmem>> -> memref<1x80xi32, #tpu.memory_space<vmem>>
    %dma_wait3A_104 = tpu.memref_squeeze %dma_wait3A_103 : memref<1x80xi32, #tpu.memory_space<vmem>> -> memref<80xi32, #tpu.memory_space<vmem>>
    %dma_wait3A_105 = tpu.memref_slice %arg2[%multiple_of3A_101] : memref<320000xi32, #tpu.memory_space<hbm>> -> memref<80xi32, #tpu.memory_space<hbm>>
    %dma_wait3A_106 = arith.constant 0 : i32
    %dma_wait3A_107 = tpu.memref_slice %arg11[%dma_wait3A, %dma_wait3A_106] : memref<4x80xi32, #tpu.memory_space<vmem>> -> memref<1x80xi32, #tpu.memory_space<vmem>>
    %dma_wait3A_108 = tpu.memref_squeeze %dma_wait3A_107 : memref<1x80xi32, #tpu.memory_space<vmem>> -> memref<80xi32, #tpu.memory_space<vmem>>
    %dma_wait3A_109 = tpu.memref_slice %arg2[%multiple_of3A_101] : memref<320000xi32, #tpu.memory_space<hbm>> -> memref<80xi32, #tpu.memory_space<hbm>>
    tpu.wait_dma2 semaphore(%arg22 : memref<!tpu.dma_semaphore, #tpu.memory_space<semaphore_mem>>) src(%dma_wait3A_109 : memref<80xi32, #tpu.memory_space<hbm>>) dst(%dma_wait3A_108 : memref<80xi32, #tpu.memory_space<vmem>>)
    %dma_wait3A_110 = arith.constant 0 : i32
    %dma_wait3A_111 = arith.constant 0 : i32
    %dma_wait3A_112 = tpu.memref_slice %arg12[%dma_wait3A_110, %dma_wait3A_111] : memref<4x80xi32, #tpu.memory_space<vmem>> -> memref<1x80xi32, #tpu.memory_space<vmem>>
    %dma_wait3A_113 = tpu.memref_squeeze %dma_wait3A_112 : memref<1x80xi32, #tpu.memory_space<vmem>> -> memref<80xi32, #tpu.memory_space<vmem>>
    %dma_wait3A_114 = tpu.memref_slice %arg3[%multiple_of3A_101] : memref<320000xi32, #tpu.memory_space<hbm>> -> memref<80xi32, #tpu.memory_space<hbm>>
    %dma_wait3A_115 = arith.constant 0 : i32
    %dma_wait3A_116 = tpu.memref_slice %arg12[%dma_wait3A_110, %dma_wait3A_115] : memref<4x80xi32, #tpu.memory_space<vmem>> -> memref<1x80xi32, #tpu.memory_space<vmem>>
    %dma_wait3A_117 = tpu.memref_squeeze %dma_wait3A_116 : memref<1x80xi32, #tpu.memory_space<vmem>> -> memref<80xi32, #tpu.memory_space<vmem>>
    %dma_wait3A_118 = tpu.memref_slice %arg3[%multiple_of3A_101] : memref<320000xi32, #tpu.memory_space<hbm>> -> memref<80xi32, #tpu.memory_space<hbm>>
    tpu.wait_dma2 semaphore(%arg22 : memref<!tpu.dma_semaphore, #tpu.memory_space<semaphore_mem>>) src(%dma_wait3A_118 : memref<80xi32, #tpu.memory_space<hbm>>) dst(%dma_wait3A_117 : memref<80xi32, #tpu.memory_space<vmem>>)
    %add3A_119 = arith.constant 0 : i32
    %add3A_120 = arith.addi %mul3A_2, %add3A_119 : i32
    %multiple_of3A_121 = tpu.assume_multiple %add3A_120, 80 : i32
    %add3A_122 = arith.constant 0 : i32
    %add3A_123 = arith.addi %mul3A_2, %add3A_122 : i32
    %jit3A = arith.constant 8 : i32
    %div3A = arith.divsi %add3A_123, %jit3A : i32
    %sign3A = arith.constant 0 : i32
    %sign3A_124 = arith.cmpi sgt, %add3A_123, %sign3A : i32
    %sign3A_125 = arith.extui %sign3A_124 : i1 to i32
    %sign3A_126 = arith.constant 0 : i32
    %sign3A_127 = arith.cmpi slt, %add3A_123, %sign3A_126 : i32
    %sign3A_128 = arith.extui %sign3A_127 : i1 to i32
    %sign3A_129 = arith.subi %sign3A_125, %sign3A_128 : i32
    %sign3A_130 = arith.constant 0 : i32
    %sign3A_131 = arith.cmpi sgt, %jit3A, %sign3A_130 : i32
    %sign3A_132 = arith.extui %sign3A_131 : i1 to i32
    %sign3A_133 = arith.constant 0 : i32
    %sign3A_134 = arith.cmpi slt, %jit3A, %sign3A_133 : i32
    %sign3A_135 = arith.extui %sign3A_134 : i1 to i32
    %sign3A_136 = arith.subi %sign3A_132, %sign3A_135 : i32
    %ne3A = arith.cmpi ne, %sign3A_129, %sign3A_136 : i32
    %rem3A = arith.remsi %add3A_123, %jit3A : i32
    %ne3A_137 = arith.constant 0 : i32
    %ne3A_138 = arith.cmpi ne, %rem3A, %ne3A_137 : i32
    %and3A = arith.andi %ne3A, %ne3A_138 : i1
    %sub3A = arith.constant 1 : i32
    %sub3A_139 = arith.subi %div3A, %sub3A : i32
    %select_n3A = arith.select %and3A, %sub3A_139, %div3A : i32
    %multiple_of3A_140 = tpu.assume_multiple %select_n3A, 2 : i32
    %dma_start3A_141 = arith.constant 0 : i32
    %dma_start3A_142 = arith.constant 0 : i32
    %dma_start3A_143 = arith.constant 0 : i32
    %dma_start3A_144 = tpu.memref_slice %arg14[%dma_start3A_141, %dma_start3A_142, %dma_start3A_143] : memref<2x80x16xf32, #tpu.memory_space<vmem>> -> memref<1x80x16xf32, #tpu.memory_space<vmem>>
    %dma_start3A_145 = tpu.memref_squeeze %dma_start3A_144 : memref<1x80x16xf32, #tpu.memory_space<vmem>> -> memref<80x16xf32, #tpu.memory_space<vmem>>
    %dma_start3A_146 = arith.constant 0 : i32
    %dma_start3A_147 = tpu.memref_slice %arg4[%multiple_of3A_121, %dma_start3A_146] : memref<320000x16xf32, #tpu.memory_space<hbm>> -> memref<80x16xf32, #tpu.memory_space<hbm>>
    %dma_start3A_148 = arith.constant 0 : i32
    %dma_start3A_149 = arith.constant 0 : i32
    %dma_start3A_150 = tpu.memref_slice %arg14[%dma_start3A_141, %dma_start3A_148, %dma_start3A_149] : memref<2x80x16xf32, #tpu.memory_space<vmem>> -> memref<1x80x16xf32, #tpu.memory_space<vmem>>
    %dma_start3A_151 = tpu.memref_squeeze %dma_start3A_150 : memref<1x80x16xf32, #tpu.memory_space<vmem>> -> memref<80x16xf32, #tpu.memory_space<vmem>>
    %dma_start3A_152 = arith.constant 0 : i32
    %dma_start3A_153 = tpu.memref_slice %arg4[%multiple_of3A_121, %dma_start3A_152] : memref<320000x16xf32, #tpu.memory_space<hbm>> -> memref<80x16xf32, #tpu.memory_space<hbm>>
    tpu.enqueue_dma source(%dma_start3A_153 : memref<80x16xf32, #tpu.memory_space<hbm>>) target(%dma_start3A_151 : memref<80x16xf32, #tpu.memory_space<vmem>>) target_semaphore(%arg23 : memref<!tpu.dma_semaphore, #tpu.memory_space<semaphore_mem>>)
    %dma_start3A_154 = arith.constant 0 : i32
    %dma_start3A_155 = arith.constant 0 : i32
    %dma_start3A_156 = tpu.memref_slice %arg13[%dma_start3A_154, %dma_start3A_155] : memref<20x64xf32, #tpu.memory_space<vmem>> -> memref<10x64xf32, #tpu.memory_space<vmem>>
    %dma_start3A_157 = arith.constant 0 : i32
    %dma_start3A_158 = tpu.memref_slice %arg5[%multiple_of3A_140, %dma_start3A_157] : memref<40000x128xf32, #tpu.memory_space<hbm>> -> memref<10x64xf32, #tpu.memory_space<hbm>>
    %dma_start3A_159 = arith.constant 0 : i32
    %dma_start3A_160 = arith.constant 0 : i32
    %dma_start3A_161 = tpu.memref_slice %arg13[%dma_start3A_159, %dma_start3A_160] : memref<20x64xf32, #tpu.memory_space<vmem>> -> memref<10x64xf32, #tpu.memory_space<vmem>>
    %dma_start3A_162 = arith.constant 0 : i32
    %dma_start3A_163 = tpu.memref_slice %arg5[%multiple_of3A_140, %dma_start3A_162] : memref<40000x128xf32, #tpu.memory_space<hbm>> -> memref<10x64xf32, #tpu.memory_space<hbm>>
    tpu.enqueue_dma source(%dma_start3A_163 : memref<10x64xf32, #tpu.memory_space<hbm>>) target(%dma_start3A_161 : memref<10x64xf32, #tpu.memory_space<vmem>>) target_semaphore(%arg23 : memref<!tpu.dma_semaphore, #tpu.memory_space<semaphore_mem>>)
    %dma_start3A_164 = arith.constant 0 : i32
    %dma_start3A_165 = arith.constant 0 : i32
    %dma_start3A_166 = arith.constant 0 : i32
    %dma_start3A_167 = arith.constant 0 : i32
    %dma_start3A_168 = tpu.memref_slice %arg18[%dma_start3A_165, %dma_start3A_166, %dma_start3A_167] : memref<2x80x128xf32, #tpu.memory_space<vmem>> -> memref<1x80x128xf32, #tpu.memory_space<vmem>>
    %dma_start3A_169 = tpu.memref_squeeze %dma_start3A_168 : memref<1x80x128xf32, #tpu.memory_space<vmem>> -> memref<80x128xf32, #tpu.memory_space<vmem>>
    %dma_start3A_170 = arith.constant 0 : i32
    %dma_start3A_171 = tpu.memref_slice %arg12[%dma_start3A_164, %dma_start3A_170] : memref<4x80xi32, #tpu.memory_space<vmem>> -> memref<1x80xi32, #tpu.memory_space<vmem>>
    %dma_start3A_172 = tpu.memref_squeeze %dma_start3A_171 : memref<1x80xi32, #tpu.memory_space<vmem>> -> memref<80xi32, #tpu.memory_space<vmem>>
    %dma_start3A_173 = arith.constant 0 : i32
    %dma_start3A_174 = arith.constant 0 : i32
    %dma_start3A_175 = tpu.memref_slice %arg6[%dma_start3A_173, %dma_start3A_174] : memref<10000x128xf32, #tpu.memory_space<hbm>> -> memref<10000x128xf32, #tpu.memory_space<hbm>>
    tpu.enqueue_indirect_dma source(%dma_start3A_175 : memref<10000x128xf32, #tpu.memory_space<hbm>>) target(%dma_start3A_169 : memref<80x128xf32, #tpu.memory_space<vmem>>) offsets(%dma_start3A_172 : memref<80xi32, #tpu.memory_space<vmem>>) semaphore(%arg24 : memref<!tpu.dma_semaphore, #tpu.memory_space<semaphore_mem>>)
    %dma_start3A_176 = arith.constant 0 : i32
    %dma_start3A_177 = arith.constant 0 : i32
    %dma_start3A_178 = arith.constant 0 : i32
    %dma_start3A_179 = tpu.memref_slice %arg15[%dma_start3A_177, %dma_start3A_178] : memref<2x80xf32, #tpu.memory_space<vmem>> -> memref<1x80xf32, #tpu.memory_space<vmem>>
    %dma_start3A_180 = tpu.memref_squeeze %dma_start3A_179 : memref<1x80xf32, #tpu.memory_space<vmem>> -> memref<80xf32, #tpu.memory_space<vmem>>
    %dma_start3A_181 = arith.constant 0 : i32
    %dma_start3A_182 = tpu.memref_slice %arg11[%dma_start3A_176, %dma_start3A_181] : memref<4x80xi32, #tpu.memory_space<vmem>> -> memref<1x80xi32, #tpu.memory_space<vmem>>
    %dma_start3A_183 = tpu.memref_squeeze %dma_start3A_182 : memref<1x80xi32, #tpu.memory_space<vmem>> -> memref<80xi32, #tpu.memory_space<vmem>>
    %dma_start3A_184 = arith.constant 0 : i32
    %dma_start3A_185 = tpu.memref_slice %arg7[%dma_start3A_184] : memref<10000xf32, #tpu.memory_space<hbm>> -> memref<10000xf32, #tpu.memory_space<hbm>>
    tpu.enqueue_indirect_dma source(%dma_start3A_185 : memref<10000xf32, #tpu.memory_space<hbm>>) target(%dma_start3A_180 : memref<80xf32, #tpu.memory_space<vmem>>) offsets(%dma_start3A_183 : memref<80xi32, #tpu.memory_space<vmem>>) semaphore(%arg24 : memref<!tpu.dma_semaphore, #tpu.memory_space<semaphore_mem>>)
    %dma_start3A_186 = arith.constant 0 : i32
    %dma_start3A_187 = arith.constant 0 : i32
    %dma_start3A_188 = arith.constant 0 : i32
    %dma_start3A_189 = tpu.memref_slice %arg16[%dma_start3A_187, %dma_start3A_188] : memref<2x80xf32, #tpu.memory_space<vmem>> -> memref<1x80xf32, #tpu.memory_space<vmem>>
    %dma_start3A_190 = tpu.memref_squeeze %dma_start3A_189 : memref<1x80xf32, #tpu.memory_space<vmem>> -> memref<80xf32, #tpu.memory_space<vmem>>
    %dma_start3A_191 = arith.constant 0 : i32
    %dma_start3A_192 = tpu.memref_slice %arg12[%dma_start3A_186, %dma_start3A_191] : memref<4x80xi32, #tpu.memory_space<vmem>> -> memref<1x80xi32, #tpu.memory_space<vmem>>
    %dma_start3A_193 = tpu.memref_squeeze %dma_start3A_192 : memref<1x80xi32, #tpu.memory_space<vmem>> -> memref<80xi32, #tpu.memory_space<vmem>>
    %dma_start3A_194 = arith.constant 0 : i32
    %dma_start3A_195 = tpu.memref_slice %arg8[%dma_start3A_194] : memref<10000xf32, #tpu.memory_space<hbm>> -> memref<10000xf32, #tpu.memory_space<hbm>>
    tpu.enqueue_indirect_dma source(%dma_start3A_195 : memref<10000xf32, #tpu.memory_space<hbm>>) target(%dma_start3A_190 : memref<80xf32, #tpu.memory_space<vmem>>) offsets(%dma_start3A_193 : memref<80xi32, #tpu.memory_space<vmem>>) semaphore(%arg24 : memref<!tpu.dma_semaphore, #tpu.memory_space<semaphore_mem>>)
    %scan3A_196 = arith.constant 0 : i32
    %scan3A_197 = arith.constant 0 : i32
    %scan3A_198 = arith.constant 125 : i32
    %scan3A_199 = arith.addi %scan3A_197, %scan3A_198 : i32
    %scan3A_200 = arith.constant 1 : i32
    %scan3A_201 = scf.for %scan3A_265 = %scan3A_197 to %scan3A_199 step %scan3A_200 iter_args(%scan3A_266 = %scan3A_196) -> (i32)  : i32 {
      %and3A_267 = arith.constant 1 : i32
      %and3A_268 = arith.andi %scan3A_265, %and3A_267 : i32
      %add3A_269 = arith.constant 1 : i32
      %add3A_270 = arith.addi %scan3A_265, %add3A_269 : i32
      %lt3A = arith.constant 125 : i32
      %lt3A_271 = arith.cmpi slt, %add3A_270, %lt3A : i32
      %convert_element_type3A_272 = arith.extui %lt3A_271 : i1 to i32
      %cond3A_273 = arith.constant 0 : i32
      %cond3A_274 = arith.cmpi ne, %convert_element_type3A_272, %cond3A_273 : i32
      scf.if %cond3A_274 {
        %add3A_569 = arith.constant 1 : i32
        %add3A_570 = arith.addi %scan3A_265, %add3A_569 : i32
        %and3A_571 = arith.constant 3 : i32
        %and3A_572 = arith.andi %add3A_570, %and3A_571 : i32
        %mul3A_573 = arith.constant 80 : i32
        %mul3A_574 = arith.muli %add3A_570, %mul3A_573 : i32
        %add3A_575 = arith.addi %mul3A_2, %mul3A_574 : i32
        %multiple_of3A_576 = tpu.assume_multiple %add3A_575, 80 : i32
        %dma_wait3A_577 = arith.constant 0 : i32
        %dma_wait3A_578 = tpu.memref_slice %arg11[%and3A_572, %dma_wait3A_577] : memref<4x80xi32, #tpu.memory_space<vmem>> -> memref<1x80xi32, #tpu.memory_space<vmem>>
        %dma_wait3A_579 = tpu.memref_squeeze %dma_wait3A_578 : memref<1x80xi32, #tpu.memory_space<vmem>> -> memref<80xi32, #tpu.memory_space<vmem>>
        %dma_wait3A_580 = tpu.memref_slice %arg2[%multiple_of3A_576] : memref<320000xi32, #tpu.memory_space<hbm>> -> memref<80xi32, #tpu.memory_space<hbm>>
        %dma_wait3A_581 = arith.constant 0 : i32
        %dma_wait3A_582 = tpu.memref_slice %arg11[%and3A_572, %dma_wait3A_581] : memref<4x80xi32, #tpu.memory_space<vmem>> -> memref<1x80xi32, #tpu.memory_space<vmem>>
        %dma_wait3A_583 = tpu.memref_squeeze %dma_wait3A_582 : memref<1x80xi32, #tpu.memory_space<vmem>> -> memref<80xi32, #tpu.memory_space<vmem>>
        %dma_wait3A_584 = tpu.memref_slice %arg2[%multiple_of3A_576] : memref<320000xi32, #tpu.memory_space<hbm>> -> memref<80xi32, #tpu.memory_space<hbm>>
        tpu.wait_dma2 semaphore(%arg22 : memref<!tpu.dma_semaphore, #tpu.memory_space<semaphore_mem>>) src(%dma_wait3A_584 : memref<80xi32, #tpu.memory_space<hbm>>) dst(%dma_wait3A_583 : memref<80xi32, #tpu.memory_space<vmem>>)
        %dma_wait3A_585 = arith.constant 0 : i32
        %dma_wait3A_586 = tpu.memref_slice %arg12[%and3A_572, %dma_wait3A_585] : memref<4x80xi32, #tpu.memory_space<vmem>> -> memref<1x80xi32, #tpu.memory_space<vmem>>
        %dma_wait3A_587 = tpu.memref_squeeze %dma_wait3A_586 : memref<1x80xi32, #tpu.memory_space<vmem>> -> memref<80xi32, #tpu.memory_space<vmem>>
        %dma_wait3A_588 = tpu.memref_slice %arg3[%multiple_of3A_576] : memref<320000xi32, #tpu.memory_space<hbm>> -> memref<80xi32, #tpu.memory_space<hbm>>
        %dma_wait3A_589 = arith.constant 0 : i32
        %dma_wait3A_590 = tpu.memref_slice %arg12[%and3A_572, %dma_wait3A_589] : memref<4x80xi32, #tpu.memory_space<vmem>> -> memref<1x80xi32, #tpu.memory_space<vmem>>
        %dma_wait3A_591 = tpu.memref_squeeze %dma_wait3A_590 : memref<1x80xi32, #tpu.memory_space<vmem>> -> memref<80xi32, #tpu.memory_space<vmem>>
        %dma_wait3A_592 = tpu.memref_slice %arg3[%multiple_of3A_576] : memref<320000xi32, #tpu.memory_space<hbm>> -> memref<80xi32, #tpu.memory_space<hbm>>
        tpu.wait_dma2 semaphore(%arg22 : memref<!tpu.dma_semaphore, #tpu.memory_space<semaphore_mem>>) src(%dma_wait3A_592 : memref<80xi32, #tpu.memory_space<hbm>>) dst(%dma_wait3A_591 : memref<80xi32, #tpu.memory_space<vmem>>)
      } else {
      }
      %ge3A = arith.constant 1 : i32
      %ge3A_275 = arith.cmpi sge, %scan3A_265, %ge3A : i32
      %convert_element_type3A_276 = arith.extui %ge3A_275 : i1 to i32
      %cond3A_277 = arith.constant 0 : i32
      %cond3A_278 = arith.cmpi ne, %convert_element_type3A_276, %cond3A_277 : i32
      scf.if %cond3A_278 {
        %sub3A_569 = arith.constant 1 : i32
        %sub3A_570 = arith.subi %scan3A_265, %sub3A_569 : i32
        %and3A_571 = arith.constant 3 : i32
        %and3A_572 = arith.andi %sub3A_570, %and3A_571 : i32
        %and3A_573 = arith.constant 1 : i32
        %and3A_574 = arith.andi %sub3A_570, %and3A_573 : i32
        %dma_wait3A_575 = arith.constant 0 : i32
        %dma_wait3A_576 = arith.constant 0 : i32
        %dma_wait3A_577 = tpu.memref_slice %arg18[%and3A_574, %dma_wait3A_575, %dma_wait3A_576] : memref<2x80x128xf32, #tpu.memory_space<vmem>> -> memref<1x80x128xf32, #tpu.memory_space<vmem>>
        %dma_wait3A_578 = tpu.memref_squeeze %dma_wait3A_577 : memref<1x80x128xf32, #tpu.memory_space<vmem>> -> memref<80x128xf32, #tpu.memory_space<vmem>>
        %dma_wait3A_579 = arith.constant 0 : i32
        %dma_wait3A_580 = tpu.memref_slice %arg11[%and3A_572, %dma_wait3A_579] : memref<4x80xi32, #tpu.memory_space<vmem>> -> memref<1x80xi32, #tpu.memory_space<vmem>>
        %dma_wait3A_581 = tpu.memref_squeeze %dma_wait3A_580 : memref<1x80xi32, #tpu.memory_space<vmem>> -> memref<80xi32, #tpu.memory_space<vmem>>
        %dma_wait3A_582 = arith.constant 0 : i32
        %dma_wait3A_583 = arith.constant 0 : i32
        %dma_wait3A_584 = tpu.memref_slice %arg20[%dma_wait3A_582, %dma_wait3A_583] : memref<10000x128xf32, #tpu.memory_space<vmem_shared>> -> memref<10000x128xf32, #tpu.memory_space<vmem_shared>>
        tpu.wait_indirect_dma semaphore(%arg25 : memref<!tpu.dma_semaphore, #tpu.memory_space<semaphore_mem>>) src(%dma_wait3A_578 : memref<80x128xf32, #tpu.memory_space<vmem>>) dst(%dma_wait3A_584 : memref<10000x128xf32, #tpu.memory_space<vmem_shared>>)
        %dma_wait3A_585 = arith.constant 0 : i32
        %dma_wait3A_586 = arith.constant 0 : i32
        %dma_wait3A_587 = tpu.memref_slice %arg19[%and3A_574, %dma_wait3A_585, %dma_wait3A_586] : memref<2x80x32xf32, #tpu.memory_space<vmem>> -> memref<1x80x32xf32, #tpu.memory_space<vmem>>
        %dma_wait3A_588 = tpu.memref_squeeze %dma_wait3A_587 : memref<1x80x32xf32, #tpu.memory_space<vmem>> -> memref<80x32xf32, #tpu.memory_space<vmem>>
        %dma_wait3A_589 = arith.constant 0 : i32
        %dma_wait3A_590 = tpu.memref_slice %arg11[%and3A_572, %dma_wait3A_589] : memref<4x80xi32, #tpu.memory_space<vmem>> -> memref<1x80xi32, #tpu.memory_space<vmem>>
        %dma_wait3A_591 = tpu.memref_squeeze %dma_wait3A_590 : memref<1x80xi32, #tpu.memory_space<vmem>> -> memref<80xi32, #tpu.memory_space<vmem>>
        %dma_wait3A_592 = arith.constant 0 : i32
        %dma_wait3A_593 = arith.constant 0 : i32
        %dma_wait3A_594 = tpu.memref_slice %arg21[%dma_wait3A_592, %dma_wait3A_593] : memref<10000x32xf32, #tpu.memory_space<vmem_shared>> -> memref<10000x32xf32, #tpu.memory_space<vmem_shared>>
        tpu.wait_indirect_dma semaphore(%arg25 : memref<!tpu.dma_semaphore, #tpu.memory_space<semaphore_mem>>) src(%dma_wait3A_588 : memref<80x32xf32, #tpu.memory_space<vmem>>) dst(%dma_wait3A_594 : memref<10000x32xf32, #tpu.memory_space<vmem_shared>>)
      } else {
      }
      %add3A_279 = arith.constant 1 : i32
      %add3A_280 = arith.addi %scan3A_265, %add3A_279 : i32
      %lt3A_281 = arith.constant 125 : i32
      %lt3A_282 = arith.cmpi slt, %add3A_280, %lt3A_281 : i32
      %convert_element_type3A_283 = arith.extui %lt3A_282 : i1 to i32
      %cond3A_284 = arith.constant 0 : i32
      %cond3A_285 = arith.cmpi ne, %convert_element_type3A_283, %cond3A_284 : i32
      scf.if %cond3A_285 {
        %add3A_569 = arith.constant 1 : i32
        %add3A_570 = arith.addi %scan3A_265, %add3A_569 : i32
        %and3A_571 = arith.constant 1 : i32
        %and3A_572 = arith.andi %add3A_570, %and3A_571 : i32
        %mul3A_573 = arith.constant 80 : i32
        %mul3A_574 = arith.muli %add3A_570, %mul3A_573 : i32
        %add3A_575 = arith.addi %mul3A_2, %mul3A_574 : i32
        %multiple_of3A_576 = tpu.assume_multiple %add3A_575, 80 : i32
        %mul3A_577 = arith.constant 80 : i32
        %mul3A_578 = arith.muli %add3A_570, %mul3A_577 : i32
        %add3A_579 = arith.addi %mul3A_2, %mul3A_578 : i32
        %jit3A_580 = arith.constant 8 : i32
        %div3A_581 = arith.divsi %add3A_579, %jit3A_580 : i32
        %sign3A_582 = arith.constant 0 : i32
        %sign3A_583 = arith.cmpi sgt, %add3A_579, %sign3A_582 : i32
        %sign3A_584 = arith.extui %sign3A_583 : i1 to i32
        %sign3A_585 = arith.constant 0 : i32
        %sign3A_586 = arith.cmpi slt, %add3A_579, %sign3A_585 : i32
        %sign3A_587 = arith.extui %sign3A_586 : i1 to i32
        %sign3A_588 = arith.subi %sign3A_584, %sign3A_587 : i32
        %sign3A_589 = arith.constant 0 : i32
        %sign3A_590 = arith.cmpi sgt, %jit3A_580, %sign3A_589 : i32
        %sign3A_591 = arith.extui %sign3A_590 : i1 to i32
        %sign3A_592 = arith.constant 0 : i32
        %sign3A_593 = arith.cmpi slt, %jit3A_580, %sign3A_592 : i32
        %sign3A_594 = arith.extui %sign3A_593 : i1 to i32
        %sign3A_595 = arith.subi %sign3A_591, %sign3A_594 : i32
        %ne3A_596 = arith.cmpi ne, %sign3A_588, %sign3A_595 : i32
        %rem3A_597 = arith.remsi %add3A_579, %jit3A_580 : i32
        %ne3A_598 = arith.constant 0 : i32
        %ne3A_599 = arith.cmpi ne, %rem3A_597, %ne3A_598 : i32
        %and3A_600 = arith.andi %ne3A_596, %ne3A_599 : i1
        %sub3A_601 = arith.constant 1 : i32
        %sub3A_602 = arith.subi %div3A_581, %sub3A_601 : i32
        %select_n3A_603 = arith.select %and3A_600, %sub3A_602, %div3A_581 : i32
        %multiple_of3A_604 = tpu.assume_multiple %select_n3A_603, 2 : i32
        %mul3A_605 = arith.constant 10 : i32
        %mul3A_606 = arith.muli %and3A_572, %mul3A_605 : i32
        %dma_start3A_607 = arith.constant 0 : i32
        %dma_start3A_608 = arith.constant 0 : i32
        %dma_start3A_609 = tpu.memref_slice %arg14[%and3A_572, %dma_start3A_607, %dma_start3A_608] : memref<2x80x16xf32, #tpu.memory_space<vmem>> -> memref<1x80x16xf32, #tpu.memory_space<vmem>>
        %dma_start3A_610 = tpu.memref_squeeze %dma_start3A_609 : memref<1x80x16xf32, #tpu.memory_space<vmem>> -> memref<80x16xf32, #tpu.memory_space<vmem>>
        %dma_start3A_611 = arith.constant 0 : i32
        %dma_start3A_612 = tpu.memref_slice %arg4[%multiple_of3A_576, %dma_start3A_611] : memref<320000x16xf32, #tpu.memory_space<hbm>> -> memref<80x16xf32, #tpu.memory_space<hbm>>
        %dma_start3A_613 = arith.constant 0 : i32
        %dma_start3A_614 = arith.constant 0 : i32
        %dma_start3A_615 = tpu.memref_slice %arg14[%and3A_572, %dma_start3A_613, %dma_start3A_614] : memref<2x80x16xf32, #tpu.memory_space<vmem>> -> memref<1x80x16xf32, #tpu.memory_space<vmem>>
        %dma_start3A_616 = tpu.memref_squeeze %dma_start3A_615 : memref<1x80x16xf32, #tpu.memory_space<vmem>> -> memref<80x16xf32, #tpu.memory_space<vmem>>
        %dma_start3A_617 = arith.constant 0 : i32
        %dma_start3A_618 = tpu.memref_slice %arg4[%multiple_of3A_576, %dma_start3A_617] : memref<320000x16xf32, #tpu.memory_space<hbm>> -> memref<80x16xf32, #tpu.memory_space<hbm>>
        tpu.enqueue_dma source(%dma_start3A_618 : memref<80x16xf32, #tpu.memory_space<hbm>>) target(%dma_start3A_616 : memref<80x16xf32, #tpu.memory_space<vmem>>) target_semaphore(%arg23 : memref<!tpu.dma_semaphore, #tpu.memory_space<semaphore_mem>>)
        %dma_start3A_619 = arith.constant 0 : i32
        %dma_start3A_620 = tpu.memref_slice %arg13[%mul3A_606, %dma_start3A_619] : memref<20x64xf32, #tpu.memory_space<vmem>> -> memref<10x64xf32, #tpu.memory_space<vmem>>
        %dma_start3A_621 = arith.constant 0 : i32
        %dma_start3A_622 = tpu.memref_slice %arg5[%multiple_of3A_604, %dma_start3A_621] : memref<40000x128xf32, #tpu.memory_space<hbm>> -> memref<10x64xf32, #tpu.memory_space<hbm>>
        %dma_start3A_623 = arith.constant 0 : i32
        %dma_start3A_624 = tpu.memref_slice %arg13[%mul3A_606, %dma_start3A_623] : memref<20x64xf32, #tpu.memory_space<vmem>> -> memref<10x64xf32, #tpu.memory_space<vmem>>
        %dma_start3A_625 = arith.constant 0 : i32
        %dma_start3A_626 = tpu.memref_slice %arg5[%multiple_of3A_604, %dma_start3A_625] : memref<40000x128xf32, #tpu.memory_space<hbm>> -> memref<10x64xf32, #tpu.memory_space<hbm>>
        tpu.enqueue_dma source(%dma_start3A_626 : memref<10x64xf32, #tpu.memory_space<hbm>>) target(%dma_start3A_624 : memref<10x64xf32, #tpu.memory_space<vmem>>) target_semaphore(%arg23 : memref<!tpu.dma_semaphore, #tpu.memory_space<semaphore_mem>>)
        %and3A_627 = arith.constant 3 : i32
        %and3A_628 = arith.andi %add3A_570, %and3A_627 : i32
        %and3A_629 = arith.constant 1 : i32
        %and3A_630 = arith.andi %add3A_570, %and3A_629 : i32
        %dma_start3A_631 = arith.constant 0 : i32
        %dma_start3A_632 = arith.constant 0 : i32
        %dma_start3A_633 = tpu.memref_slice %arg18[%and3A_630, %dma_start3A_631, %dma_start3A_632] : memref<2x80x128xf32, #tpu.memory_space<vmem>> -> memref<1x80x128xf32, #tpu.memory_space<vmem>>
        %dma_start3A_634 = tpu.memref_squeeze %dma_start3A_633 : memref<1x80x128xf32, #tpu.memory_space<vmem>> -> memref<80x128xf32, #tpu.memory_space<vmem>>
        %dma_start3A_635 = arith.constant 0 : i32
        %dma_start3A_636 = tpu.memref_slice %arg12[%and3A_628, %dma_start3A_635] : memref<4x80xi32, #tpu.memory_space<vmem>> -> memref<1x80xi32, #tpu.memory_space<vmem>>
        %dma_start3A_637 = tpu.memref_squeeze %dma_start3A_636 : memref<1x80xi32, #tpu.memory_space<vmem>> -> memref<80xi32, #tpu.memory_space<vmem>>
        %dma_start3A_638 = arith.constant 0 : i32
        %dma_start3A_639 = arith.constant 0 : i32
        %dma_start3A_640 = tpu.memref_slice %arg6[%dma_start3A_638, %dma_start3A_639] : memref<10000x128xf32, #tpu.memory_space<hbm>> -> memref<10000x128xf32, #tpu.memory_space<hbm>>
        tpu.enqueue_indirect_dma source(%dma_start3A_640 : memref<10000x128xf32, #tpu.memory_space<hbm>>) target(%dma_start3A_634 : memref<80x128xf32, #tpu.memory_space<vmem>>) offsets(%dma_start3A_637 : memref<80xi32, #tpu.memory_space<vmem>>) semaphore(%arg24 : memref<!tpu.dma_semaphore, #tpu.memory_space<semaphore_mem>>)
        %dma_start3A_641 = arith.constant 0 : i32
        %dma_start3A_642 = tpu.memref_slice %arg15[%and3A_630, %dma_start3A_641] : memref<2x80xf32, #tpu.memory_space<vmem>> -> memref<1x80xf32, #tpu.memory_space<vmem>>
        %dma_start3A_643 = tpu.memref_squeeze %dma_start3A_642 : memref<1x80xf32, #tpu.memory_space<vmem>> -> memref<80xf32, #tpu.memory_space<vmem>>
        %dma_start3A_644 = arith.constant 0 : i32
        %dma_start3A_645 = tpu.memref_slice %arg11[%and3A_628, %dma_start3A_644] : memref<4x80xi32, #tpu.memory_space<vmem>> -> memref<1x80xi32, #tpu.memory_space<vmem>>
        %dma_start3A_646 = tpu.memref_squeeze %dma_start3A_645 : memref<1x80xi32, #tpu.memory_space<vmem>> -> memref<80xi32, #tpu.memory_space<vmem>>
        %dma_start3A_647 = arith.constant 0 : i32
        %dma_start3A_648 = tpu.memref_slice %arg7[%dma_start3A_647] : memref<10000xf32, #tpu.memory_space<hbm>> -> memref<10000xf32, #tpu.memory_space<hbm>>
        tpu.enqueue_indirect_dma source(%dma_start3A_648 : memref<10000xf32, #tpu.memory_space<hbm>>) target(%dma_start3A_643 : memref<80xf32, #tpu.memory_space<vmem>>) offsets(%dma_start3A_646 : memref<80xi32, #tpu.memory_space<vmem>>) semaphore(%arg24 : memref<!tpu.dma_semaphore, #tpu.memory_space<semaphore_mem>>)
        %dma_start3A_649 = arith.constant 0 : i32
        %dma_start3A_650 = tpu.memref_slice %arg16[%and3A_630, %dma_start3A_649] : memref<2x80xf32, #tpu.memory_space<vmem>> -> memref<1x80xf32, #tpu.memory_space<vmem>>
        %dma_start3A_651 = tpu.memref_squeeze %dma_start3A_650 : memref<1x80xf32, #tpu.memory_space<vmem>> -> memref<80xf32, #tpu.memory_space<vmem>>
        %dma_start3A_652 = arith.constant 0 : i32
        %dma_start3A_653 = tpu.memref_slice %arg12[%and3A_628, %dma_start3A_652] : memref<4x80xi32, #tpu.memory_space<vmem>> -> memref<1x80xi32, #tpu.memory_space<vmem>>
        %dma_start3A_654 = tpu.memref_squeeze %dma_start3A_653 : memref<1x80xi32, #tpu.memory_space<vmem>> -> memref<80xi32, #tpu.memory_space<vmem>>
        %dma_start3A_655 = arith.constant 0 : i32
        %dma_start3A_656 = tpu.memref_slice %arg8[%dma_start3A_655] : memref<10000xf32, #tpu.memory_space<hbm>> -> memref<10000xf32, #tpu.memory_space<hbm>>
        tpu.enqueue_indirect_dma source(%dma_start3A_656 : memref<10000xf32, #tpu.memory_space<hbm>>) target(%dma_start3A_651 : memref<80xf32, #tpu.memory_space<vmem>>) offsets(%dma_start3A_654 : memref<80xi32, #tpu.memory_space<vmem>>) semaphore(%arg24 : memref<!tpu.dma_semaphore, #tpu.memory_space<semaphore_mem>>)
      } else {
      }
      %and3A_286 = arith.constant 1 : i32
      %and3A_287 = arith.andi %scan3A_265, %and3A_286 : i32
      %mul3A_288 = arith.constant 80 : i32
      %mul3A_289 = arith.muli %scan3A_265, %mul3A_288 : i32
      %add3A_290 = arith.addi %mul3A_2, %mul3A_289 : i32
      %multiple_of3A_291 = tpu.assume_multiple %add3A_290, 80 : i32
      %mul3A_292 = arith.constant 80 : i32
      %mul3A_293 = arith.muli %scan3A_265, %mul3A_292 : i32
      %add3A_294 = arith.addi %mul3A_2, %mul3A_293 : i32
      %jit3A_295 = arith.constant 8 : i32
      %div3A_296 = arith.divsi %add3A_294, %jit3A_295 : i32
      %sign3A_297 = arith.constant 0 : i32
      %sign3A_298 = arith.cmpi sgt, %add3A_294, %sign3A_297 : i32
      %sign3A_299 = arith.extui %sign3A_298 : i1 to i32
      %sign3A_300 = arith.constant 0 : i32
      %sign3A_301 = arith.cmpi slt, %add3A_294, %sign3A_300 : i32
      %sign3A_302 = arith.extui %sign3A_301 : i1 to i32
      %sign3A_303 = arith.subi %sign3A_299, %sign3A_302 : i32
      %sign3A_304 = arith.constant 0 : i32
      %sign3A_305 = arith.cmpi sgt, %jit3A_295, %sign3A_304 : i32
      %sign3A_306 = arith.extui %sign3A_305 : i1 to i32
      %sign3A_307 = arith.constant 0 : i32
      %sign3A_308 = arith.cmpi slt, %jit3A_295, %sign3A_307 : i32
      %sign3A_309 = arith.extui %sign3A_308 : i1 to i32
      %sign3A_310 = arith.subi %sign3A_306, %sign3A_309 : i32
      %ne3A_311 = arith.cmpi ne, %sign3A_303, %sign3A_310 : i32
      %rem3A_312 = arith.remsi %add3A_294, %jit3A_295 : i32
      %ne3A_313 = arith.constant 0 : i32
      %ne3A_314 = arith.cmpi ne, %rem3A_312, %ne3A_313 : i32
      %and3A_315 = arith.andi %ne3A_311, %ne3A_314 : i1
      %sub3A_316 = arith.constant 1 : i32
      %sub3A_317 = arith.subi %div3A_296, %sub3A_316 : i32
      %select_n3A_318 = arith.select %and3A_315, %sub3A_317, %div3A_296 : i32
      %multiple_of3A_319 = tpu.assume_multiple %select_n3A_318, 2 : i32
      %mul3A_320 = arith.constant 10 : i32
      %mul3A_321 = arith.muli %and3A_287, %mul3A_320 : i32
      %dma_wait3A_322 = arith.constant 0 : i32
      %dma_wait3A_323 = arith.constant 0 : i32
      %dma_wait3A_324 = tpu.memref_slice %arg14[%and3A_287, %dma_wait3A_322, %dma_wait3A_323] : memref<2x80x16xf32, #tpu.memory_space<vmem>> -> memref<1x80x16xf32, #tpu.memory_space<vmem>>
      %dma_wait3A_325 = tpu.memref_squeeze %dma_wait3A_324 : memref<1x80x16xf32, #tpu.memory_space<vmem>> -> memref<80x16xf32, #tpu.memory_space<vmem>>
      %dma_wait3A_326 = arith.constant 0 : i32
      %dma_wait3A_327 = tpu.memref_slice %arg4[%multiple_of3A_291, %dma_wait3A_326] : memref<320000x16xf32, #tpu.memory_space<hbm>> -> memref<80x16xf32, #tpu.memory_space<hbm>>
      %dma_wait3A_328 = arith.constant 0 : i32
      %dma_wait3A_329 = arith.constant 0 : i32
      %dma_wait3A_330 = tpu.memref_slice %arg14[%and3A_287, %dma_wait3A_328, %dma_wait3A_329] : memref<2x80x16xf32, #tpu.memory_space<vmem>> -> memref<1x80x16xf32, #tpu.memory_space<vmem>>
      %dma_wait3A_331 = tpu.memref_squeeze %dma_wait3A_330 : memref<1x80x16xf32, #tpu.memory_space<vmem>> -> memref<80x16xf32, #tpu.memory_space<vmem>>
      %dma_wait3A_332 = arith.constant 0 : i32
      %dma_wait3A_333 = tpu.memref_slice %arg4[%multiple_of3A_291, %dma_wait3A_332] : memref<320000x16xf32, #tpu.memory_space<hbm>> -> memref<80x16xf32, #tpu.memory_space<hbm>>
      tpu.wait_dma2 semaphore(%arg23 : memref<!tpu.dma_semaphore, #tpu.memory_space<semaphore_mem>>) src(%dma_wait3A_333 : memref<80x16xf32, #tpu.memory_space<hbm>>) dst(%dma_wait3A_331 : memref<80x16xf32, #tpu.memory_space<vmem>>)
      %dma_wait3A_334 = arith.constant 0 : i32
      %dma_wait3A_335 = tpu.memref_slice %arg13[%mul3A_321, %dma_wait3A_334] : memref<20x64xf32, #tpu.memory_space<vmem>> -> memref<10x64xf32, #tpu.memory_space<vmem>>
      %dma_wait3A_336 = arith.constant 0 : i32
      %dma_wait3A_337 = tpu.memref_slice %arg5[%multiple_of3A_319, %dma_wait3A_336] : memref<40000x128xf32, #tpu.memory_space<hbm>> -> memref<10x64xf32, #tpu.memory_space<hbm>>
      %dma_wait3A_338 = arith.constant 0 : i32
      %dma_wait3A_339 = tpu.memref_slice %arg13[%mul3A_321, %dma_wait3A_338] : memref<20x64xf32, #tpu.memory_space<vmem>> -> memref<10x64xf32, #tpu.memory_space<vmem>>
      %dma_wait3A_340 = arith.constant 0 : i32
      %dma_wait3A_341 = tpu.memref_slice %arg5[%multiple_of3A_319, %dma_wait3A_340] : memref<40000x128xf32, #tpu.memory_space<hbm>> -> memref<10x64xf32, #tpu.memory_space<hbm>>
      tpu.wait_dma2 semaphore(%arg23 : memref<!tpu.dma_semaphore, #tpu.memory_space<semaphore_mem>>) src(%dma_wait3A_341 : memref<10x64xf32, #tpu.memory_space<hbm>>) dst(%dma_wait3A_339 : memref<10x64xf32, #tpu.memory_space<vmem>>)
      %and3A_342 = arith.constant 3 : i32
      %and3A_343 = arith.andi %scan3A_265, %and3A_342 : i32
      %and3A_344 = arith.constant 1 : i32
      %and3A_345 = arith.andi %scan3A_265, %and3A_344 : i32
      %dma_wait3A_346 = arith.constant 0 : i32
      %dma_wait3A_347 = arith.constant 0 : i32
      %dma_wait3A_348 = tpu.memref_slice %arg18[%and3A_345, %dma_wait3A_346, %dma_wait3A_347] : memref<2x80x128xf32, #tpu.memory_space<vmem>> -> memref<1x80x128xf32, #tpu.memory_space<vmem>>
      %dma_wait3A_349 = tpu.memref_squeeze %dma_wait3A_348 : memref<1x80x128xf32, #tpu.memory_space<vmem>> -> memref<80x128xf32, #tpu.memory_space<vmem>>
      %dma_wait3A_350 = arith.constant 0 : i32
      %dma_wait3A_351 = tpu.memref_slice %arg12[%and3A_343, %dma_wait3A_350] : memref<4x80xi32, #tpu.memory_space<vmem>> -> memref<1x80xi32, #tpu.memory_space<vmem>>
      %dma_wait3A_352 = tpu.memref_squeeze %dma_wait3A_351 : memref<1x80xi32, #tpu.memory_space<vmem>> -> memref<80xi32, #tpu.memory_space<vmem>>
      %dma_wait3A_353 = arith.constant 0 : i32
      %dma_wait3A_354 = arith.constant 0 : i32
      %dma_wait3A_355 = tpu.memref_slice %arg6[%dma_wait3A_353, %dma_wait3A_354] : memref<10000x128xf32, #tpu.memory_space<hbm>> -> memref<10000x128xf32, #tpu.memory_space<hbm>>
      tpu.wait_indirect_dma semaphore(%arg24 : memref<!tpu.dma_semaphore, #tpu.memory_space<semaphore_mem>>) src(%dma_wait3A_355 : memref<10000x128xf32, #tpu.memory_space<hbm>>) dst(%dma_wait3A_349 : memref<80x128xf32, #tpu.memory_space<vmem>>)
      %dma_wait3A_356 = arith.constant 0 : i32
      %dma_wait3A_357 = tpu.memref_slice %arg15[%and3A_345, %dma_wait3A_356] : memref<2x80xf32, #tpu.memory_space<vmem>> -> memref<1x80xf32, #tpu.memory_space<vmem>>
      %dma_wait3A_358 = tpu.memref_squeeze %dma_wait3A_357 : memref<1x80xf32, #tpu.memory_space<vmem>> -> memref<80xf32, #tpu.memory_space<vmem>>
      %dma_wait3A_359 = arith.constant 0 : i32
      %dma_wait3A_360 = tpu.memref_slice %arg11[%and3A_343, %dma_wait3A_359] : memref<4x80xi32, #tpu.memory_space<vmem>> -> memref<1x80xi32, #tpu.memory_space<vmem>>
      %dma_wait3A_361 = tpu.memref_squeeze %dma_wait3A_360 : memref<1x80xi32, #tpu.memory_space<vmem>> -> memref<80xi32, #tpu.memory_space<vmem>>
      %dma_wait3A_362 = arith.constant 0 : i32
      %dma_wait3A_363 = tpu.memref_slice %arg7[%dma_wait3A_362] : memref<10000xf32, #tpu.memory_space<hbm>> -> memref<10000xf32, #tpu.memory_space<hbm>>
      tpu.wait_indirect_dma semaphore(%arg24 : memref<!tpu.dma_semaphore, #tpu.memory_space<semaphore_mem>>) src(%dma_wait3A_363 : memref<10000xf32, #tpu.memory_space<hbm>>) dst(%dma_wait3A_358 : memref<80xf32, #tpu.memory_space<vmem>>)
      %dma_wait3A_364 = arith.constant 0 : i32
      %dma_wait3A_365 = tpu.memref_slice %arg16[%and3A_345, %dma_wait3A_364] : memref<2x80xf32, #tpu.memory_space<vmem>> -> memref<1x80xf32, #tpu.memory_space<vmem>>
      %dma_wait3A_366 = tpu.memref_squeeze %dma_wait3A_365 : memref<1x80xf32, #tpu.memory_space<vmem>> -> memref<80xf32, #tpu.memory_space<vmem>>
      %dma_wait3A_367 = arith.constant 0 : i32
      %dma_wait3A_368 = tpu.memref_slice %arg12[%and3A_343, %dma_wait3A_367] : memref<4x80xi32, #tpu.memory_space<vmem>> -> memref<1x80xi32, #tpu.memory_space<vmem>>
      %dma_wait3A_369 = tpu.memref_squeeze %dma_wait3A_368 : memref<1x80xi32, #tpu.memory_space<vmem>> -> memref<80xi32, #tpu.memory_space<vmem>>
      %dma_wait3A_370 = arith.constant 0 : i32
      %dma_wait3A_371 = tpu.memref_slice %arg8[%dma_wait3A_370] : memref<10000xf32, #tpu.memory_space<hbm>> -> memref<10000xf32, #tpu.memory_space<hbm>>
      tpu.wait_indirect_dma semaphore(%arg24 : memref<!tpu.dma_semaphore, #tpu.memory_space<semaphore_mem>>) src(%dma_wait3A_371 : memref<10000xf32, #tpu.memory_space<hbm>>) dst(%dma_wait3A_366 : memref<80xf32, #tpu.memory_space<vmem>>)
      %iota3A = tpu.iota {dimensions = array<i32: 0>} : vector<16xi32>
      %broadcast_in_dim3A_372 = arith.constant 16 : i32
      %broadcast_in_dim3A_373 = vector.broadcast %broadcast_in_dim3A_372 : i32 to vector<16xi32>
      %broadcast_in_dim3A_374 = vector.broadcast %and3A_268 : i32 to vector<16xi32>
      %mul3A_375 = arith.constant 10 : i32
      %mul3A_376 = arith.muli %and3A_268, %mul3A_375 : i32
      %add3A_377 = arith.constant 0 : i32
      %add3A_378 = vector.broadcast %add3A_377 : i32 to vector<16xi32>
      %add3A_379 = arith.addi %iota3A, %add3A_378 : vector<16xi32>
      %shift_right_arithmetic3A = arith.constant 3 : i32
      %shift_right_arithmetic3A_380 = vector.broadcast %shift_right_arithmetic3A : i32 to vector<16xi32>
      %shift_right_arithmetic3A_381 = arith.shrsi %iota3A, %shift_right_arithmetic3A_380 : vector<16xi32>
      %add3A_382 = arith.constant 0 : i32
      %add3A_383 = arith.addi %mul3A_376, %add3A_382 : i32
      %add3A_384 = vector.broadcast %add3A_383 : i32 to vector<16xi32>
      %add3A_385 = arith.addi %shift_right_arithmetic3A_381, %add3A_384 : vector<16xi32>
      %and3A_386 = arith.constant 7 : i32
      %and3A_387 = vector.broadcast %and3A_386 : i32 to vector<16xi32>
      %and3A_388 = arith.andi %iota3A, %and3A_387 : vector<16xi32>
      %gather3A = tpu.vector_load_idx %arg13[%add3A_385, %and3A_388] : memref<20x64xf32, #tpu.memory_space<vmem>>[vector<16xi32>, vector<16xi32>], vector<16xf32>,
      %get3A = arith.index_cast %and3A_268 : i32 to index
      %get3A_389 = arith.constant 0 : index
      %get3A_390 = tpu.vector_load %arg15[%get3A, %get3A_389] {strides = array<i32>} : memref<2x80xf32, #tpu.memory_space<vmem>>, vector<16xf32>,
      %get3A_391 = arith.index_cast %and3A_268 : i32 to index
      %get3A_392 = arith.constant 0 : index
      %get3A_393 = tpu.vector_load %arg16[%get3A_391, %get3A_392] {strides = array<i32>} : memref<2x80xf32, #tpu.memory_space<vmem>>, vector<16xf32>,
      %add3A_394 = arith.addf %get3A_390, %get3A_393 : vector<16xf32>
      %add3A_395 = arith.addf %add3A_394, %gather3A : vector<16xf32>
      %neg3A = arith.constant 0.000000e+00 : f32
      %neg3A_396 = vector.broadcast %neg3A : f32 to vector<16xf32>
      %neg3A_397 = arith.subf %neg3A_396, %add3A_395 : vector<16xf32>
      %mul3A_398 = arith.constant -2.000000e-01 : f32
      %mul3A_399 = vector.broadcast %mul3A_398 : f32 to vector<16xf32>
      %mul3A_400 = arith.mulf %mul3A_399, %add3A_395 : vector<16xf32>
      %min3A = arith.minimumf %neg3A_397, %mul3A_400 : vector<16xf32>
      %exp3A = math.exp %min3A : vector<16xf32>
      %swap3A = arith.constant 0 : index
      %swap3A_401 = tpu.vector_load %arg17[%swap3A] {strides = array<i32>} : memref<80xf32, #tpu.memory_space<vmem>>, vector<16xf32>,
      tpu.vector_store %arg17[%swap3A], %exp3A {strides = array<i32>} : memref<80xf32, #tpu.memory_space<vmem>>, vector<16xf32>,
      tpu.vector_store_idx %arg19[%broadcast_in_dim3A_374, %add3A_379, %broadcast_in_dim3A_373], %exp3A : memref<2x80x32xf32, #tpu.memory_space<vmem>>[vector<16xi32>, vector<16xi32>, vector<16xi32>], vector<16xf32>,
      %add3A_402 = arith.constant 16 : i32
      %add3A_403 = vector.broadcast %add3A_402 : i32 to vector<16xi32>
      %add3A_404 = arith.addi %iota3A, %add3A_403 : vector<16xi32>
      %shift_right_arithmetic3A_405 = arith.constant 3 : i32
      %shift_right_arithmetic3A_406 = vector.broadcast %shift_right_arithmetic3A_405 : i32 to vector<16xi32>
      %shift_right_arithmetic3A_407 = arith.shrsi %iota3A, %shift_right_arithmetic3A_406 : vector<16xi32>
      %add3A_408 = arith.constant 2 : i32
      %add3A_409 = arith.addi %mul3A_376, %add3A_408 : i32
      %add3A_410 = vector.broadcast %add3A_409 : i32 to vector<16xi32>
      %add3A_411 = arith.addi %shift_right_arithmetic3A_407, %add3A_410 : vector<16xi32>
      %and3A_412 = arith.constant 7 : i32
      %and3A_413 = vector.broadcast %and3A_412 : i32 to vector<16xi32>
      %and3A_414 = arith.andi %iota3A, %and3A_413 : vector<16xi32>
      %gather3A_415 = tpu.vector_load_idx %arg13[%add3A_411, %and3A_414] : memref<20x64xf32, #tpu.memory_space<vmem>>[vector<16xi32>, vector<16xi32>], vector<16xf32>,
      %get3A_416 = arith.index_cast %and3A_268 : i32 to index
      %get3A_417 = arith.constant 16 : index
      %get3A_418 = tpu.vector_load %arg15[%get3A_416, %get3A_417] {strides = array<i32>} : memref<2x80xf32, #tpu.memory_space<vmem>>, vector<16xf32>,
      %get3A_419 = arith.index_cast %and3A_268 : i32 to index
      %get3A_420 = arith.constant 16 : index
      %get3A_421 = tpu.vector_load %arg16[%get3A_419, %get3A_420] {strides = array<i32>} : memref<2x80xf32, #tpu.memory_space<vmem>>, vector<16xf32>,
      %add3A_422 = arith.addf %get3A_418, %get3A_421 : vector<16xf32>
      %add3A_423 = arith.addf %add3A_422, %gather3A_415 : vector<16xf32>
      %neg3A_424 = arith.constant 0.000000e+00 : f32
      %neg3A_425 = vector.broadcast %neg3A_424 : f32 to vector<16xf32>
      %neg3A_426 = arith.subf %neg3A_425, %add3A_423 : vector<16xf32>
      %mul3A_427 = arith.constant -2.000000e-01 : f32
      %mul3A_428 = vector.broadcast %mul3A_427 : f32 to vector<16xf32>
      %mul3A_429 = arith.mulf %mul3A_428, %add3A_423 : vector<16xf32>
      %min3A_430 = arith.minimumf %neg3A_426, %mul3A_429 : vector<16xf32>
      %exp3A_431 = math.exp %min3A_430 : vector<16xf32>
      %swap3A_432 = arith.constant 16 : index
      %swap3A_433 = tpu.vector_load %arg17[%swap3A_432] {strides = array<i32>} : memref<80xf32, #tpu.memory_space<vmem>>, vector<16xf32>,
      tpu.vector_store %arg17[%swap3A_432], %exp3A_431 {strides = array<i32>} : memref<80xf32, #tpu.memory_space<vmem>>, vector<16xf32>,
      tpu.vector_store_idx %arg19[%broadcast_in_dim3A_374, %add3A_404, %broadcast_in_dim3A_373], %exp3A_431 : memref<2x80x32xf32, #tpu.memory_space<vmem>>[vector<16xi32>, vector<16xi32>, vector<16xi32>], vector<16xf32>,
      %add3A_434 = arith.constant 32 : i32
      %add3A_435 = vector.broadcast %add3A_434 : i32 to vector<16xi32>
      %add3A_436 = arith.addi %iota3A, %add3A_435 : vector<16xi32>
      %shift_right_arithmetic3A_437 = arith.constant 3 : i32
      %shift_right_arithmetic3A_438 = vector.broadcast %shift_right_arithmetic3A_437 : i32 to vector<16xi32>
      %shift_right_arithmetic3A_439 = arith.shrsi %iota3A, %shift_right_arithmetic3A_438 : vector<16xi32>
      %add3A_440 = arith.constant 4 : i32
      %add3A_441 = arith.addi %mul3A_376, %add3A_440 : i32
      %add3A_442 = vector.broadcast %add3A_441 : i32 to vector<16xi32>
      %add3A_443 = arith.addi %shift_right_arithmetic3A_439, %add3A_442 : vector<16xi32>
      %and3A_444 = arith.constant 7 : i32
      %and3A_445 = vector.broadcast %and3A_444 : i32 to vector<16xi32>
      %and3A_446 = arith.andi %iota3A, %and3A_445 : vector<16xi32>
      %gather3A_447 = tpu.vector_load_idx %arg13[%add3A_443, %and3A_446] : memref<20x64xf32, #tpu.memory_space<vmem>>[vector<16xi32>, vector<16xi32>], vector<16xf32>,
      %get3A_448 = arith.index_cast %and3A_268 : i32 to index
      %get3A_449 = arith.constant 32 : index
      %get3A_450 = tpu.vector_load %arg15[%get3A_448, %get3A_449] {strides = array<i32>} : memref<2x80xf32, #tpu.memory_space<vmem>>, vector<16xf32>,
      %get3A_451 = arith.index_cast %and3A_268 : i32 to index
      %get3A_452 = arith.constant 32 : index
      %get3A_453 = tpu.vector_load %arg16[%get3A_451, %get3A_452] {strides = array<i32>} : memref<2x80xf32, #tpu.memory_space<vmem>>, vector<16xf32>,
      %add3A_454 = arith.addf %get3A_450, %get3A_453 : vector<16xf32>
      %add3A_455 = arith.addf %add3A_454, %gather3A_447 : vector<16xf32>
      %neg3A_456 = arith.constant 0.000000e+00 : f32
      %neg3A_457 = vector.broadcast %neg3A_456 : f32 to vector<16xf32>
      %neg3A_458 = arith.subf %neg3A_457, %add3A_455 : vector<16xf32>
      %mul3A_459 = arith.constant -2.000000e-01 : f32
      %mul3A_460 = vector.broadcast %mul3A_459 : f32 to vector<16xf32>
      %mul3A_461 = arith.mulf %mul3A_460, %add3A_455 : vector<16xf32>
      %min3A_462 = arith.minimumf %neg3A_458, %mul3A_461 : vector<16xf32>
      %exp3A_463 = math.exp %min3A_462 : vector<16xf32>
      %swap3A_464 = arith.constant 32 : index
      %swap3A_465 = tpu.vector_load %arg17[%swap3A_464] {strides = array<i32>} : memref<80xf32, #tpu.memory_space<vmem>>, vector<16xf32>,
      tpu.vector_store %arg17[%swap3A_464], %exp3A_463 {strides = array<i32>} : memref<80xf32, #tpu.memory_space<vmem>>, vector<16xf32>,
      tpu.vector_store_idx %arg19[%broadcast_in_dim3A_374, %add3A_436, %broadcast_in_dim3A_373], %exp3A_463 : memref<2x80x32xf32, #tpu.memory_space<vmem>>[vector<16xi32>, vector<16xi32>, vector<16xi32>], vector<16xf32>,
      %add3A_466 = arith.constant 48 : i32
      %add3A_467 = vector.broadcast %add3A_466 : i32 to vector<16xi32>
      %add3A_468 = arith.addi %iota3A, %add3A_467 : vector<16xi32>
      %shift_right_arithmetic3A_469 = arith.constant 3 : i32
      %shift_right_arithmetic3A_470 = vector.broadcast %shift_right_arithmetic3A_469 : i32 to vector<16xi32>
      %shift_right_arithmetic3A_471 = arith.shrsi %iota3A, %shift_right_arithmetic3A_470 : vector<16xi32>
      %add3A_472 = arith.constant 6 : i32
      %add3A_473 = arith.addi %mul3A_376, %add3A_472 : i32
      %add3A_474 = vector.broadcast %add3A_473 : i32 to vector<16xi32>
      %add3A_475 = arith.addi %shift_right_arithmetic3A_471, %add3A_474 : vector<16xi32>
      %and3A_476 = arith.constant 7 : i32
      %and3A_477 = vector.broadcast %and3A_476 : i32 to vector<16xi32>
      %and3A_478 = arith.andi %iota3A, %and3A_477 : vector<16xi32>
      %gather3A_479 = tpu.vector_load_idx %arg13[%add3A_475, %and3A_478] : memref<20x64xf32, #tpu.memory_space<vmem>>[vector<16xi32>, vector<16xi32>], vector<16xf32>,
      %get3A_480 = arith.index_cast %and3A_268 : i32 to index
      %get3A_481 = arith.constant 48 : index
      %get3A_482 = tpu.vector_load %arg15[%get3A_480, %get3A_481] {strides = array<i32>} : memref<2x80xf32, #tpu.memory_space<vmem>>, vector<16xf32>,
      %get3A_483 = arith.index_cast %and3A_268 : i32 to index
      %get3A_484 = arith.constant 48 : index
      %get3A_485 = tpu.vector_load %arg16[%get3A_483, %get3A_484] {strides = array<i32>} : memref<2x80xf32, #tpu.memory_space<vmem>>, vector<16xf32>,
      %add3A_486 = arith.addf %get3A_482, %get3A_485 : vector<16xf32>
      %add3A_487 = arith.addf %add3A_486, %gather3A_479 : vector<16xf32>
      %neg3A_488 = arith.constant 0.000000e+00 : f32
      %neg3A_489 = vector.broadcast %neg3A_488 : f32 to vector<16xf32>
      %neg3A_490 = arith.subf %neg3A_489, %add3A_487 : vector<16xf32>
      %mul3A_491 = arith.constant -2.000000e-01 : f32
      %mul3A_492 = vector.broadcast %mul3A_491 : f32 to vector<16xf32>
      %mul3A_493 = arith.mulf %mul3A_492, %add3A_487 : vector<16xf32>
      %min3A_494 = arith.minimumf %neg3A_490, %mul3A_493 : vector<16xf32>
      %exp3A_495 = math.exp %min3A_494 : vector<16xf32>
      %swap3A_496 = arith.constant 48 : index
      %swap3A_497 = tpu.vector_load %arg17[%swap3A_496] {strides = array<i32>} : memref<80xf32, #tpu.memory_space<vmem>>, vector<16xf32>,
      tpu.vector_store %arg17[%swap3A_496], %exp3A_495 {strides = array<i32>} : memref<80xf32, #tpu.memory_space<vmem>>, vector<16xf32>,
      tpu.vector_store_idx %arg19[%broadcast_in_dim3A_374, %add3A_468, %broadcast_in_dim3A_373], %exp3A_495 : memref<2x80x32xf32, #tpu.memory_space<vmem>>[vector<16xi32>, vector<16xi32>, vector<16xi32>], vector<16xf32>,
      %add3A_498 = arith.constant 64 : i32
      %add3A_499 = vector.broadcast %add3A_498 : i32 to vector<16xi32>
      %add3A_500 = arith.addi %iota3A, %add3A_499 : vector<16xi32>
      %shift_right_arithmetic3A_501 = arith.constant 3 : i32
      %shift_right_arithmetic3A_502 = vector.broadcast %shift_right_arithmetic3A_501 : i32 to vector<16xi32>
      %shift_right_arithmetic3A_503 = arith.shrsi %iota3A, %shift_right_arithmetic3A_502 : vector<16xi32>
      %add3A_504 = arith.constant 8 : i32
      %add3A_505 = arith.addi %mul3A_376, %add3A_504 : i32
      %add3A_506 = vector.broadcast %add3A_505 : i32 to vector<16xi32>
      %add3A_507 = arith.addi %shift_right_arithmetic3A_503, %add3A_506 : vector<16xi32>
      %and3A_508 = arith.constant 7 : i32
      %and3A_509 = vector.broadcast %and3A_508 : i32 to vector<16xi32>
      %and3A_510 = arith.andi %iota3A, %and3A_509 : vector<16xi32>
      %gather3A_511 = tpu.vector_load_idx %arg13[%add3A_507, %and3A_510] : memref<20x64xf32, #tpu.memory_space<vmem>>[vector<16xi32>, vector<16xi32>], vector<16xf32>,
      %get3A_512 = arith.index_cast %and3A_268 : i32 to index
      %get3A_513 = arith.constant 64 : index
      %get3A_514 = tpu.vector_load %arg15[%get3A_512, %get3A_513] {strides = array<i32>} : memref<2x80xf32, #tpu.memory_space<vmem>>, vector<16xf32>,
      %get3A_515 = arith.index_cast %and3A_268 : i32 to index
      %get3A_516 = arith.constant 64 : index
      %get3A_517 = tpu.vector_load %arg16[%get3A_515, %get3A_516] {strides = array<i32>} : memref<2x80xf32, #tpu.memory_space<vmem>>, vector<16xf32>,
      %add3A_518 = arith.addf %get3A_514, %get3A_517 : vector<16xf32>
      %add3A_519 = arith.addf %add3A_518, %gather3A_511 : vector<16xf32>
      %neg3A_520 = arith.constant 0.000000e+00 : f32
      %neg3A_521 = vector.broadcast %neg3A_520 : f32 to vector<16xf32>
      %neg3A_522 = arith.subf %neg3A_521, %add3A_519 : vector<16xf32>
      %mul3A_523 = arith.constant -2.000000e-01 : f32
      %mul3A_524 = vector.broadcast %mul3A_523 : f32 to vector<16xf32>
      %mul3A_525 = arith.mulf %mul3A_524, %add3A_519 : vector<16xf32>
      %min3A_526 = arith.minimumf %neg3A_522, %mul3A_525 : vector<16xf32>
      %exp3A_527 = math.exp %min3A_526 : vector<16xf32>
      %swap3A_528 = arith.constant 64 : index
      %swap3A_529 = tpu.vector_load %arg17[%swap3A_528] {strides = array<i32>} : memref<80xf32, #tpu.memory_space<vmem>>, vector<16xf32>,
      tpu.vector_store %arg17[%swap3A_528], %exp3A_527 {strides = array<i32>} : memref<80xf32, #tpu.memory_space<vmem>>, vector<16xf32>,
      tpu.vector_store_idx %arg19[%broadcast_in_dim3A_374, %add3A_500, %broadcast_in_dim3A_373], %exp3A_527 : memref<2x80x32xf32, #tpu.memory_space<vmem>>[vector<16xi32>, vector<16xi32>, vector<16xi32>], vector<16xf32>,
      %scan3A_530 = arith.constant 0 : i32
      %scan3A_531 = arith.constant 0 : i32
      %scan3A_532 = arith.constant 80 : i32
      %scan3A_533 = arith.addi %scan3A_531, %scan3A_532 : i32
      %scan3A_534 = arith.constant 1 : i32
      %scan3A_535 = scf.for %scan3A_569 = %scan3A_531 to %scan3A_533 step %scan3A_534 iter_args(%scan3A_570 = %scan3A_530) -> (i32)  : i32 {
        %broadcast_in_dim3A_571 = vector.broadcast %scan3A_569 : i32 to vector<16xi32>
        %gather3A_572 = tpu.vector_load_idx %arg17[%broadcast_in_dim3A_571] : memref<80xf32, #tpu.memory_space<vmem>>[vector<16xi32>], vector<16xf32>,
        %get3A_573 = arith.index_cast %and3A_268 : i32 to index
        %get3A_574 = arith.index_cast %scan3A_569 : i32 to index
        %get3A_575 = arith.constant 0 : index
        %get3A_576 = tpu.vector_load %arg18[%get3A_573, %get3A_574, %get3A_575] {strides = array<i32>} : memref<2x80x128xf32, #tpu.memory_space<vmem>>, vector<16xf32>,
        %mul3A_577 = arith.mulf %gather3A_572, %get3A_576 : vector<16xf32>
        %swap3A_578 = arith.index_cast %and3A_268 : i32 to index
        %swap3A_579 = arith.index_cast %scan3A_569 : i32 to index
        %swap3A_580 = arith.constant 0 : index
        %swap3A_581 = tpu.vector_load %arg18[%swap3A_578, %swap3A_579, %swap3A_580] {strides = array<i32>} : memref<2x80x128xf32, #tpu.memory_space<vmem>>, vector<16xf32>,
        tpu.vector_store %arg18[%swap3A_578, %swap3A_579, %swap3A_580], %mul3A_577 {strides = array<i32>} : memref<2x80x128xf32, #tpu.memory_space<vmem>>, vector<16xf32>,
        %get3A_582 = arith.index_cast %and3A_268 : i32 to index
        %get3A_583 = arith.index_cast %scan3A_569 : i32 to index
        %get3A_584 = arith.constant 16 : index
        %get3A_585 = tpu.vector_load %arg18[%get3A_582, %get3A_583, %get3A_584] {strides = array<i32>} : memref<2x80x128xf32, #tpu.memory_space<vmem>>, vector<16xf32>,
        %mul3A_586 = arith.mulf %gather3A_572, %get3A_585 : vector<16xf32>
        %swap3A_587 = arith.index_cast %and3A_268 : i32 to index
        %swap3A_588 = arith.index_cast %scan3A_569 : i32 to index
        %swap3A_589 = arith.constant 16 : index
        %swap3A_590 = tpu.vector_load %arg18[%swap3A_587, %swap3A_588, %swap3A_589] {strides = array<i32>} : memref<2x80x128xf32, #tpu.memory_space<vmem>>, vector<16xf32>,
        tpu.vector_store %arg18[%swap3A_587, %swap3A_588, %swap3A_589], %mul3A_586 {strides = array<i32>} : memref<2x80x128xf32, #tpu.memory_space<vmem>>, vector<16xf32>,
        %get3A_591 = arith.index_cast %and3A_268 : i32 to index
        %get3A_592 = arith.index_cast %scan3A_569 : i32 to index
        %get3A_593 = arith.constant 32 : index
        %get3A_594 = tpu.vector_load %arg18[%get3A_591, %get3A_592, %get3A_593] {strides = array<i32>} : memref<2x80x128xf32, #tpu.memory_space<vmem>>, vector<16xf32>,
        %mul3A_595 = arith.mulf %gather3A_572, %get3A_594 : vector<16xf32>
        %swap3A_596 = arith.index_cast %and3A_268 : i32 to index
        %swap3A_597 = arith.index_cast %scan3A_569 : i32 to index
        %swap3A_598 = arith.constant 32 : index
        %swap3A_599 = tpu.vector_load %arg18[%swap3A_596, %swap3A_597, %swap3A_598] {strides = array<i32>} : memref<2x80x128xf32, #tpu.memory_space<vmem>>, vector<16xf32>,
        tpu.vector_store %arg18[%swap3A_596, %swap3A_597, %swap3A_598], %mul3A_595 {strides = array<i32>} : memref<2x80x128xf32, #tpu.memory_space<vmem>>, vector<16xf32>,
        %get3A_600 = arith.index_cast %and3A_268 : i32 to index
        %get3A_601 = arith.index_cast %scan3A_569 : i32 to index
        %get3A_602 = arith.constant 48 : index
        %get3A_603 = tpu.vector_load %arg18[%get3A_600, %get3A_601, %get3A_602] {strides = array<i32>} : memref<2x80x128xf32, #tpu.memory_space<vmem>>, vector<16xf32>,
        %mul3A_604 = arith.mulf %gather3A_572, %get3A_603 : vector<16xf32>
        %swap3A_605 = arith.index_cast %and3A_268 : i32 to index
        %swap3A_606 = arith.index_cast %scan3A_569 : i32 to index
        %swap3A_607 = arith.constant 48 : index
        %swap3A_608 = tpu.vector_load %arg18[%swap3A_605, %swap3A_606, %swap3A_607] {strides = array<i32>} : memref<2x80x128xf32, #tpu.memory_space<vmem>>, vector<16xf32>,
        tpu.vector_store %arg18[%swap3A_605, %swap3A_606, %swap3A_607], %mul3A_604 {strides = array<i32>} : memref<2x80x128xf32, #tpu.memory_space<vmem>>, vector<16xf32>,
        %get3A_609 = arith.index_cast %and3A_268 : i32 to index
        %get3A_610 = arith.index_cast %scan3A_569 : i32 to index
        %get3A_611 = arith.constant 64 : index
        %get3A_612 = tpu.vector_load %arg18[%get3A_609, %get3A_610, %get3A_611] {strides = array<i32>} : memref<2x80x128xf32, #tpu.memory_space<vmem>>, vector<16xf32>,
        %mul3A_613 = arith.mulf %gather3A_572, %get3A_612 : vector<16xf32>
        %swap3A_614 = arith.index_cast %and3A_268 : i32 to index
        %swap3A_615 = arith.index_cast %scan3A_569 : i32 to index
        %swap3A_616 = arith.constant 64 : index
        %swap3A_617 = tpu.vector_load %arg18[%swap3A_614, %swap3A_615, %swap3A_616] {strides = array<i32>} : memref<2x80x128xf32, #tpu.memory_space<vmem>>, vector<16xf32>,
        tpu.vector_store %arg18[%swap3A_614, %swap3A_615, %swap3A_616], %mul3A_613 {strides = array<i32>} : memref<2x80x128xf32, #tpu.memory_space<vmem>>, vector<16xf32>,
        %get3A_618 = arith.index_cast %and3A_268 : i32 to index
        %get3A_619 = arith.index_cast %scan3A_569 : i32 to index
        %get3A_620 = arith.constant 80 : index
        %get3A_621 = tpu.vector_load %arg18[%get3A_618, %get3A_619, %get3A_620] {strides = array<i32>} : memref<2x80x128xf32, #tpu.memory_space<vmem>>, vector<16xf32>,
        %mul3A_622 = arith.mulf %gather3A_572, %get3A_621 : vector<16xf32>
        %swap3A_623 = arith.index_cast %and3A_268 : i32 to index
        %swap3A_624 = arith.index_cast %scan3A_569 : i32 to index
        %swap3A_625 = arith.constant 80 : index
        %swap3A_626 = tpu.vector_load %arg18[%swap3A_623, %swap3A_624, %swap3A_625] {strides = array<i32>} : memref<2x80x128xf32, #tpu.memory_space<vmem>>, vector<16xf32>,
        tpu.vector_store %arg18[%swap3A_623, %swap3A_624, %swap3A_625], %mul3A_622 {strides = array<i32>} : memref<2x80x128xf32, #tpu.memory_space<vmem>>, vector<16xf32>,
        %get3A_627 = arith.index_cast %and3A_268 : i32 to index
        %get3A_628 = arith.index_cast %scan3A_569 : i32 to index
        %get3A_629 = arith.constant 96 : index
        %get3A_630 = tpu.vector_load %arg18[%get3A_627, %get3A_628, %get3A_629] {strides = array<i32>} : memref<2x80x128xf32, #tpu.memory_space<vmem>>, vector<16xf32>,
        %mul3A_631 = arith.mulf %gather3A_572, %get3A_630 : vector<16xf32>
        %swap3A_632 = arith.index_cast %and3A_268 : i32 to index
        %swap3A_633 = arith.index_cast %scan3A_569 : i32 to index
        %swap3A_634 = arith.constant 96 : index
        %swap3A_635 = tpu.vector_load %arg18[%swap3A_632, %swap3A_633, %swap3A_634] {strides = array<i32>} : memref<2x80x128xf32, #tpu.memory_space<vmem>>, vector<16xf32>,
        tpu.vector_store %arg18[%swap3A_632, %swap3A_633, %swap3A_634], %mul3A_631 {strides = array<i32>} : memref<2x80x128xf32, #tpu.memory_space<vmem>>, vector<16xf32>,
        %get3A_636 = arith.index_cast %and3A_268 : i32 to index
        %get3A_637 = arith.index_cast %scan3A_569 : i32 to index
        %get3A_638 = arith.constant 112 : index
        %get3A_639 = tpu.vector_load %arg18[%get3A_636, %get3A_637, %get3A_638] {strides = array<i32>} : memref<2x80x128xf32, #tpu.memory_space<vmem>>, vector<16xf32>,
        %mul3A_640 = arith.mulf %gather3A_572, %get3A_639 : vector<16xf32>
        %swap3A_641 = arith.index_cast %and3A_268 : i32 to index
        %swap3A_642 = arith.index_cast %scan3A_569 : i32 to index
        %swap3A_643 = arith.constant 112 : index
        %swap3A_644 = tpu.vector_load %arg18[%swap3A_641, %swap3A_642, %swap3A_643] {strides = array<i32>} : memref<2x80x128xf32, #tpu.memory_space<vmem>>, vector<16xf32>,
        tpu.vector_store %arg18[%swap3A_641, %swap3A_642, %swap3A_643], %mul3A_640 {strides = array<i32>} : memref<2x80x128xf32, #tpu.memory_space<vmem>>, vector<16xf32>,
        %get3A_645 = arith.index_cast %and3A_268 : i32 to index
        %get3A_646 = arith.index_cast %scan3A_569 : i32 to index
        %get3A_647 = arith.constant 0 : index
        %get3A_648 = tpu.vector_load %arg14[%get3A_645, %get3A_646, %get3A_647] {strides = array<i32>} : memref<2x80x16xf32, #tpu.memory_space<vmem>>, vector<16xf32>,
        %mul3A_649 = arith.mulf %gather3A_572, %get3A_648 : vector<16xf32>
        %swap3A_650 = arith.index_cast %and3A_268 : i32 to index
        %swap3A_651 = arith.index_cast %scan3A_569 : i32 to index
        %swap3A_652 = arith.constant 0 : index
        %swap3A_653 = tpu.vector_load %arg19[%swap3A_650, %swap3A_651, %swap3A_652] {strides = array<i32>} : memref<2x80x32xf32, #tpu.memory_space<vmem>>, vector<16xf32>,
        tpu.vector_store %arg19[%swap3A_650, %swap3A_651, %swap3A_652], %mul3A_649 {strides = array<i32>} : memref<2x80x32xf32, #tpu.memory_space<vmem>>, vector<16xf32>,
        %scan3A_654 = arith.constant 0 : i32
        scf.yield %scan3A_654 : i32
      }
      %scan3A_536 = arith.constant 80 : i32
      %and3A_537 = arith.constant 3 : i32
      %and3A_538 = arith.andi %scan3A_265, %and3A_537 : i32
      %and3A_539 = arith.constant 1 : i32
      %and3A_540 = arith.andi %scan3A_265, %and3A_539 : i32
      %dma_start3A_541 = arith.constant 0 : i32
      %dma_start3A_542 = arith.constant 0 : i32
      %dma_start3A_543 = tpu.memref_slice %arg18[%and3A_540, %dma_start3A_541, %dma_start3A_542] : memref<2x80x128xf32, #tpu.memory_space<vmem>> -> memref<1x80x128xf32, #tpu.memory_space<vmem>>
      %dma_start3A_544 = tpu.memref_squeeze %dma_start3A_543 : memref<1x80x128xf32, #tpu.memory_space<vmem>> -> memref<80x128xf32, #tpu.memory_space<vmem>>
      %dma_start3A_545 = arith.constant 0 : i32
      %dma_start3A_546 = tpu.memref_slice %arg11[%and3A_538, %dma_start3A_545] : memref<4x80xi32, #tpu.memory_space<vmem>> -> memref<1x80xi32, #tpu.memory_space<vmem>>
      %dma_start3A_547 = tpu.memref_squeeze %dma_start3A_546 : memref<1x80xi32, #tpu.memory_space<vmem>> -> memref<80xi32, #tpu.memory_space<vmem>>
      %dma_start3A_548 = arith.constant 0 : i32
      %dma_start3A_549 = arith.constant 0 : i32
      %dma_start3A_550 = tpu.memref_slice %arg20[%dma_start3A_548, %dma_start3A_549] : memref<10000x128xf32, #tpu.memory_space<vmem_shared>> -> memref<10000x128xf32, #tpu.memory_space<vmem_shared>>
      tpu.enqueue_indirect_dma source(%dma_start3A_544 : memref<80x128xf32, #tpu.memory_space<vmem>>) target(%dma_start3A_550 : memref<10000x128xf32, #tpu.memory_space<vmem_shared>>) offsets(%dma_start3A_547 : memref<80xi32, #tpu.memory_space<vmem>>) semaphore(%arg25 : memref<!tpu.dma_semaphore, #tpu.memory_space<semaphore_mem>>) {add = true}
      %dma_start3A_551 = arith.constant 0 : i32
      %dma_start3A_552 = arith.constant 0 : i32
      %dma_start3A_553 = tpu.memref_slice %arg19[%and3A_540, %dma_start3A_551, %dma_start3A_552] : memref<2x80x32xf32, #tpu.memory_space<vmem>> -> memref<1x80x32xf32, #tpu.memory_space<vmem>>
      %dma_start3A_554 = tpu.memref_squeeze %dma_start3A_553 : memref<1x80x32xf32, #tpu.memory_space<vmem>> -> memref<80x32xf32, #tpu.memory_space<vmem>>
      %dma_start3A_555 = arith.constant 0 : i32
      %dma_start3A_556 = tpu.memref_slice %arg11[%and3A_538, %dma_start3A_555] : memref<4x80xi32, #tpu.memory_space<vmem>> -> memref<1x80xi32, #tpu.memory_space<vmem>>
      %dma_start3A_557 = tpu.memref_squeeze %dma_start3A_556 : memref<1x80xi32, #tpu.memory_space<vmem>> -> memref<80xi32, #tpu.memory_space<vmem>>
      %dma_start3A_558 = arith.constant 0 : i32
      %dma_start3A_559 = arith.constant 0 : i32
      %dma_start3A_560 = tpu.memref_slice %arg21[%dma_start3A_558, %dma_start3A_559] : memref<10000x32xf32, #tpu.memory_space<vmem_shared>> -> memref<10000x32xf32, #tpu.memory_space<vmem_shared>>
      tpu.enqueue_indirect_dma source(%dma_start3A_554 : memref<80x32xf32, #tpu.memory_space<vmem>>) target(%dma_start3A_560 : memref<10000x32xf32, #tpu.memory_space<vmem_shared>>) offsets(%dma_start3A_557 : memref<80xi32, #tpu.memory_space<vmem>>) semaphore(%arg25 : memref<!tpu.dma_semaphore, #tpu.memory_space<semaphore_mem>>) {add = true}
      %add3A_561 = arith.constant 2 : i32
      %add3A_562 = arith.addi %scan3A_265, %add3A_561 : i32
      %lt3A_563 = arith.constant 125 : i32
      %lt3A_564 = arith.cmpi slt, %add3A_562, %lt3A_563 : i32
      %convert_element_type3A_565 = arith.extui %lt3A_564 : i1 to i32
      %cond3A_566 = arith.constant 0 : i32
      %cond3A_567 = arith.cmpi ne, %convert_element_type3A_565, %cond3A_566 : i32
      scf.if %cond3A_567 {
        %add3A_569 = arith.constant 2 : i32
        %add3A_570 = arith.addi %scan3A_265, %add3A_569 : i32
        %and3A_571 = arith.constant 3 : i32
        %and3A_572 = arith.andi %add3A_570, %and3A_571 : i32
        %mul3A_573 = arith.constant 80 : i32
        %mul3A_574 = arith.muli %add3A_570, %mul3A_573 : i32
        %add3A_575 = arith.addi %mul3A_2, %mul3A_574 : i32
        %multiple_of3A_576 = tpu.assume_multiple %add3A_575, 80 : i32
        %dma_start3A_577 = arith.constant 0 : i32
        %dma_start3A_578 = tpu.memref_slice %arg11[%and3A_572, %dma_start3A_577] : memref<4x80xi32, #tpu.memory_space<vmem>> -> memref<1x80xi32, #tpu.memory_space<vmem>>
        %dma_start3A_579 = tpu.memref_squeeze %dma_start3A_578 : memref<1x80xi32, #tpu.memory_space<vmem>> -> memref<80xi32, #tpu.memory_space<vmem>>
        %dma_start3A_580 = tpu.memref_slice %arg2[%multiple_of3A_576] : memref<320000xi32, #tpu.memory_space<hbm>> -> memref<80xi32, #tpu.memory_space<hbm>>
        %dma_start3A_581 = arith.constant 0 : i32
        %dma_start3A_582 = tpu.memref_slice %arg11[%and3A_572, %dma_start3A_581] : memref<4x80xi32, #tpu.memory_space<vmem>> -> memref<1x80xi32, #tpu.memory_space<vmem>>
        %dma_start3A_583 = tpu.memref_squeeze %dma_start3A_582 : memref<1x80xi32, #tpu.memory_space<vmem>> -> memref<80xi32, #tpu.memory_space<vmem>>
        %dma_start3A_584 = tpu.memref_slice %arg2[%multiple_of3A_576] : memref<320000xi32, #tpu.memory_space<hbm>> -> memref<80xi32, #tpu.memory_space<hbm>>
        tpu.enqueue_dma source(%dma_start3A_584 : memref<80xi32, #tpu.memory_space<hbm>>) target(%dma_start3A_583 : memref<80xi32, #tpu.memory_space<vmem>>) target_semaphore(%arg22 : memref<!tpu.dma_semaphore, #tpu.memory_space<semaphore_mem>>)
        %dma_start3A_585 = arith.constant 0 : i32
        %dma_start3A_586 = tpu.memref_slice %arg12[%and3A_572, %dma_start3A_585] : memref<4x80xi32, #tpu.memory_space<vmem>> -> memref<1x80xi32, #tpu.memory_space<vmem>>
        %dma_start3A_587 = tpu.memref_squeeze %dma_start3A_586 : memref<1x80xi32, #tpu.memory_space<vmem>> -> memref<80xi32, #tpu.memory_space<vmem>>
        %dma_start3A_588 = tpu.memref_slice %arg3[%multiple_of3A_576] : memref<320000xi32, #tpu.memory_space<hbm>> -> memref<80xi32, #tpu.memory_space<hbm>>
        %dma_start3A_589 = arith.constant 0 : i32
        %dma_start3A_590 = tpu.memref_slice %arg12[%and3A_572, %dma_start3A_589] : memref<4x80xi32, #tpu.memory_space<vmem>> -> memref<1x80xi32, #tpu.memory_space<vmem>>
        %dma_start3A_591 = tpu.memref_squeeze %dma_start3A_590 : memref<1x80xi32, #tpu.memory_space<vmem>> -> memref<80xi32, #tpu.memory_space<vmem>>
        %dma_start3A_592 = tpu.memref_slice %arg3[%multiple_of3A_576] : memref<320000xi32, #tpu.memory_space<hbm>> -> memref<80xi32, #tpu.memory_space<hbm>>
        tpu.enqueue_dma source(%dma_start3A_592 : memref<80xi32, #tpu.memory_space<hbm>>) target(%dma_start3A_591 : memref<80xi32, #tpu.memory_space<vmem>>) target_semaphore(%arg22 : memref<!tpu.dma_semaphore, #tpu.memory_space<semaphore_mem>>)
      } else {
      }
      %scan3A_568 = arith.constant 0 : i32
      scf.yield %scan3A_568 : i32
    }
    %scan3A_202 = arith.constant 125 : i32
    %dma_wait3A_203 = arith.constant 0 : i32
    %dma_wait3A_204 = arith.constant 0 : i32
    %dma_wait3A_205 = arith.constant 0 : i32
    %dma_wait3A_206 = arith.constant 0 : i32
    %dma_wait3A_207 = tpu.memref_slice %arg18[%dma_wait3A_203, %dma_wait3A_205, %dma_wait3A_206] : memref<2x80x128xf32, #tpu.memory_space<vmem>> -> memref<1x80x128xf32, #tpu.memory_space<vmem>>
    %dma_wait3A_208 = tpu.memref_squeeze %dma_wait3A_207 : memref<1x80x128xf32, #tpu.memory_space<vmem>> -> memref<80x128xf32, #tpu.memory_space<vmem>>
    %dma_wait3A_209 = arith.constant 0 : i32
    %dma_wait3A_210 = tpu.memref_slice %arg11[%dma_wait3A_204, %dma_wait3A_209] : memref<4x80xi32, #tpu.memory_space<vmem>> -> memref<1x80xi32, #tpu.memory_space<vmem>>
    %dma_wait3A_211 = tpu.memref_squeeze %dma_wait3A_210 : memref<1x80xi32, #tpu.memory_space<vmem>> -> memref<80xi32, #tpu.memory_space<vmem>>
    %dma_wait3A_212 = arith.constant 0 : i32
    %dma_wait3A_213 = arith.constant 0 : i32
    %dma_wait3A_214 = tpu.memref_slice %arg20[%dma_wait3A_212, %dma_wait3A_213] : memref<10000x128xf32, #tpu.memory_space<vmem_shared>> -> memref<10000x128xf32, #tpu.memory_space<vmem_shared>>
    tpu.wait_indirect_dma semaphore(%arg25 : memref<!tpu.dma_semaphore, #tpu.memory_space<semaphore_mem>>) src(%dma_wait3A_208 : memref<80x128xf32, #tpu.memory_space<vmem>>) dst(%dma_wait3A_214 : memref<10000x128xf32, #tpu.memory_space<vmem_shared>>)
    %dma_wait3A_215 = arith.constant 0 : i32
    %dma_wait3A_216 = arith.constant 0 : i32
    %dma_wait3A_217 = arith.constant 0 : i32
    %dma_wait3A_218 = arith.constant 0 : i32
    %dma_wait3A_219 = tpu.memref_slice %arg19[%dma_wait3A_215, %dma_wait3A_217, %dma_wait3A_218] : memref<2x80x32xf32, #tpu.memory_space<vmem>> -> memref<1x80x32xf32, #tpu.memory_space<vmem>>
    %dma_wait3A_220 = tpu.memref_squeeze %dma_wait3A_219 : memref<1x80x32xf32, #tpu.memory_space<vmem>> -> memref<80x32xf32, #tpu.memory_space<vmem>>
    %dma_wait3A_221 = arith.constant 0 : i32
    %dma_wait3A_222 = tpu.memref_slice %arg11[%dma_wait3A_216, %dma_wait3A_221] : memref<4x80xi32, #tpu.memory_space<vmem>> -> memref<1x80xi32, #tpu.memory_space<vmem>>
    %dma_wait3A_223 = tpu.memref_squeeze %dma_wait3A_222 : memref<1x80xi32, #tpu.memory_space<vmem>> -> memref<80xi32, #tpu.memory_space<vmem>>
    %dma_wait3A_224 = arith.constant 0 : i32
    %dma_wait3A_225 = arith.constant 0 : i32
    %dma_wait3A_226 = tpu.memref_slice %arg21[%dma_wait3A_224, %dma_wait3A_225] : memref<10000x32xf32, #tpu.memory_space<vmem_shared>> -> memref<10000x32xf32, #tpu.memory_space<vmem_shared>>
    tpu.wait_indirect_dma semaphore(%arg25 : memref<!tpu.dma_semaphore, #tpu.memory_space<semaphore_mem>>) src(%dma_wait3A_220 : memref<80x32xf32, #tpu.memory_space<vmem>>) dst(%dma_wait3A_226 : memref<10000x32xf32, #tpu.memory_space<vmem_shared>>)
    %barrier3A_227 = arith.constant 0 : index
    tpu.barrier barrier_id(%barrier3A_227)
    %mul3A_228 = arith.constant 624 : i32
    %mul3A_229 = arith.muli %arg1, %mul3A_228 : i32
    %add3A_230 = arith.constant 0 : i32
    %add3A_231 = arith.addi %mul3A_229, %add3A_230 : i32
    "tpu.region"() ({
      %run_scoped3A_265 = tpu.sem_alloc : memref<!tpu.dma_semaphore, #tpu.memory_space<semaphore_mem>>
      %dma_start3A_266 = arith.constant 0 : i32
      %dma_start3A_267 = tpu.memref_slice %arg9[%arg0, %add3A_231, %dma_start3A_266] : memref<2x10000x128xf32, #tpu.memory_space<hbm>> -> memref<1x80x128xf32, #tpu.memory_space<hbm>>
      %dma_start3A_268 = tpu.memref_squeeze %dma_start3A_267 : memref<1x80x128xf32, #tpu.memory_space<hbm>> -> memref<80x128xf32, #tpu.memory_space<hbm>>
      %dma_start3A_269 = arith.constant 0 : i32
      %dma_start3A_270 = tpu.memref_slice %arg20[%add3A_231, %dma_start3A_269] : memref<10000x128xf32, #tpu.memory_space<vmem_shared>> -> memref<80x128xf32, #tpu.memory_space<vmem_shared>>
      tpu.enqueue_dma source(%dma_start3A_270 : memref<80x128xf32, #tpu.memory_space<vmem_shared>>) target(%dma_start3A_268 : memref<80x128xf32, #tpu.memory_space<hbm>>) target_semaphore(%run_scoped3A_265 : memref<!tpu.dma_semaphore, #tpu.memory_space<semaphore_mem>>)
      %dma_wait3A_271 = arith.constant 0 : i32
      %dma_wait3A_272 = tpu.memref_slice %arg9[%arg0, %add3A_231, %dma_wait3A_271] : memref<2x10000x128xf32, #tpu.memory_space<hbm>> -> memref<1x80x128xf32, #tpu.memory_space<hbm>>
      %dma_wait3A_273 = tpu.memref_squeeze %dma_wait3A_272 : memref<1x80x128xf32, #tpu.memory_space<hbm>> -> memref<80x128xf32, #tpu.memory_space<hbm>>
      %dma_wait3A_274 = arith.constant 0 : i32
      %dma_wait3A_275 = tpu.memref_slice %arg20[%add3A_231, %dma_wait3A_274] : memref<10000x128xf32, #tpu.memory_space<vmem_shared>> -> memref<80x128xf32, #tpu.memory_space<vmem_shared>>
      tpu.wait_dma2 semaphore(%run_scoped3A_265 : memref<!tpu.dma_semaphore, #tpu.memory_space<semaphore_mem>>) src(%dma_wait3A_275 : memref<80x128xf32, #tpu.memory_space<vmem_shared>>) dst(%dma_wait3A_273 : memref<80x128xf32, #tpu.memory_space<hbm>>)
      tpu.yield
    }) : () -> ()
    "tpu.region"() ({
      %run_scoped3A_265 = tpu.sem_alloc : memref<!tpu.dma_semaphore, #tpu.memory_space<semaphore_mem>>
      %dma_start3A_266 = arith.constant 0 : i32
      %dma_start3A_267 = tpu.memref_slice %arg10[%arg0, %add3A_231, %dma_start3A_266] : memref<2x10000x32xf32, #tpu.memory_space<hbm>> -> memref<1x80x32xf32, #tpu.memory_space<hbm>>
      %dma_start3A_268 = tpu.memref_squeeze %dma_start3A_267 : memref<1x80x32xf32, #tpu.memory_space<hbm>> -> memref<80x32xf32, #tpu.memory_space<hbm>>
      %dma_start3A_269 = arith.constant 0 : i32
      %dma_start3A_270 = tpu.memref_slice %arg21[%add3A_231, %dma_start3A_269] : memref<10000x32xf32, #tpu.memory_space<vmem_shared>> -> memref<80x32xf32, #tpu.memory_space<vmem_shared>>
      tpu.enqueue_dma source(%dma_start3A_270 : memref<80x32xf32, #tpu.memory_space<vmem_shared>>) target(%dma_start3A_268 : memref<80x32xf32, #tpu.memory_space<hbm>>) target_semaphore(%run_scoped3A_265 : memref<!tpu.dma_semaphore, #tpu.memory_space<semaphore_mem>>)
      %dma_wait3A_271 = arith.constant 0 : i32
      %dma_wait3A_272 = tpu.memref_slice %arg10[%arg0, %add3A_231, %dma_wait3A_271] : memref<2x10000x32xf32, #tpu.memory_space<hbm>> -> memref<1x80x32xf32, #tpu.memory_space<hbm>>
      %dma_wait3A_273 = tpu.memref_squeeze %dma_wait3A_272 : memref<1x80x32xf32, #tpu.memory_space<hbm>> -> memref<80x32xf32, #tpu.memory_space<hbm>>
      %dma_wait3A_274 = arith.constant 0 : i32
      %dma_wait3A_275 = tpu.memref_slice %arg21[%add3A_231, %dma_wait3A_274] : memref<10000x32xf32, #tpu.memory_space<vmem_shared>> -> memref<80x32xf32, #tpu.memory_space<vmem_shared>>
      tpu.wait_dma2 semaphore(%run_scoped3A_265 : memref<!tpu.dma_semaphore, #tpu.memory_space<semaphore_mem>>) src(%dma_wait3A_275 : memref<80x32xf32, #tpu.memory_space<vmem_shared>>) dst(%dma_wait3A_273 : memref<80x32xf32, #tpu.memory_space<hbm>>)
      tpu.yield
    }) : () -> ()
    %mul3A_232 = arith.constant 624 : i32
    %mul3A_233 = arith.muli %arg1, %mul3A_232 : i32
    %add3A_234 = arith.constant 80 : i32
    %add3A_235 = arith.addi %mul3A_233, %add3A_234 : i32
    "tpu.region"() ({
      %run_scoped3A_265 = tpu.sem_alloc : memref<!tpu.dma_semaphore, #tpu.memory_space<semaphore_mem>>
      %dma_start3A_266 = arith.constant 0 : i32
      %dma_start3A_267 = tpu.memref_slice %arg9[%arg0, %add3A_235, %dma_start3A_266] : memref<2x10000x128xf32, #tpu.memory_space<hbm>> -> memref<1x80x128xf32, #tpu.memory_space<hbm>>
      %dma_start3A_268 = tpu.memref_squeeze %dma_start3A_267 : memref<1x80x128xf32, #tpu.memory_space<hbm>> -> memref<80x128xf32, #tpu.memory_space<hbm>>
      %dma_start3A_269 = arith.constant 0 : i32
      %dma_start3A_270 = tpu.memref_slice %arg20[%add3A_235, %dma_start3A_269] : memref<10000x128xf32, #tpu.memory_space<vmem_shared>> -> memref<80x128xf32, #tpu.memory_space<vmem_shared>>
      tpu.enqueue_dma source(%dma_start3A_270 : memref<80x128xf32, #tpu.memory_space<vmem_shared>>) target(%dma_start3A_268 : memref<80x128xf32, #tpu.memory_space<hbm>>) target_semaphore(%run_scoped3A_265 : memref<!tpu.dma_semaphore, #tpu.memory_space<semaphore_mem>>)
      %dma_wait3A_271 = arith.constant 0 : i32
      %dma_wait3A_272 = tpu.memref_slice %arg9[%arg0, %add3A_235, %dma_wait3A_271] : memref<2x10000x128xf32, #tpu.memory_space<hbm>> -> memref<1x80x128xf32, #tpu.memory_space<hbm>>
      %dma_wait3A_273 = tpu.memref_squeeze %dma_wait3A_272 : memref<1x80x128xf32, #tpu.memory_space<hbm>> -> memref<80x128xf32, #tpu.memory_space<hbm>>
      %dma_wait3A_274 = arith.constant 0 : i32
      %dma_wait3A_275 = tpu.memref_slice %arg20[%add3A_235, %dma_wait3A_274] : memref<10000x128xf32, #tpu.memory_space<vmem_shared>> -> memref<80x128xf32, #tpu.memory_space<vmem_shared>>
      tpu.wait_dma2 semaphore(%run_scoped3A_265 : memref<!tpu.dma_semaphore, #tpu.memory_space<semaphore_mem>>) src(%dma_wait3A_275 : memref<80x128xf32, #tpu.memory_space<vmem_shared>>) dst(%dma_wait3A_273 : memref<80x128xf32, #tpu.memory_space<hbm>>)
      tpu.yield
    }) : () -> ()
    "tpu.region"() ({
      %run_scoped3A_265 = tpu.sem_alloc : memref<!tpu.dma_semaphore, #tpu.memory_space<semaphore_mem>>
      %dma_start3A_266 = arith.constant 0 : i32
      %dma_start3A_267 = tpu.memref_slice %arg10[%arg0, %add3A_235, %dma_start3A_266] : memref<2x10000x32xf32, #tpu.memory_space<hbm>> -> memref<1x80x32xf32, #tpu.memory_space<hbm>>
      %dma_start3A_268 = tpu.memref_squeeze %dma_start3A_267 : memref<1x80x32xf32, #tpu.memory_space<hbm>> -> memref<80x32xf32, #tpu.memory_space<hbm>>
      %dma_start3A_269 = arith.constant 0 : i32
      %dma_start3A_270 = tpu.memref_slice %arg21[%add3A_235, %dma_start3A_269] : memref<10000x32xf32, #tpu.memory_space<vmem_shared>> -> memref<80x32xf32, #tpu.memory_space<vmem_shared>>
      tpu.enqueue_dma source(%dma_start3A_270 : memref<80x32xf32, #tpu.memory_space<vmem_shared>>) target(%dma_start3A_268 : memref<80x32xf32, #tpu.memory_space<hbm>>) target_semaphore(%run_scoped3A_265 : memref<!tpu.dma_semaphore, #tpu.memory_space<semaphore_mem>>)
      %dma_wait3A_271 = arith.constant 0 : i32
      %dma_wait3A_272 = tpu.memref_slice %arg10[%arg0, %add3A_235, %dma_wait3A_271] : memref<2x10000x32xf32, #tpu.memory_space<hbm>> -> memref<1x80x32xf32, #tpu.memory_space<hbm>>
      %dma_wait3A_273 = tpu.memref_squeeze %dma_wait3A_272 : memref<1x80x32xf32, #tpu.memory_space<hbm>> -> memref<80x32xf32, #tpu.memory_space<hbm>>
      %dma_wait3A_274 = arith.constant 0 : i32
      %dma_wait3A_275 = tpu.memref_slice %arg21[%add3A_235, %dma_wait3A_274] : memref<10000x32xf32, #tpu.memory_space<vmem_shared>> -> memref<80x32xf32, #tpu.memory_space<vmem_shared>>
      tpu.wait_dma2 semaphore(%run_scoped3A_265 : memref<!tpu.dma_semaphore, #tpu.memory_space<semaphore_mem>>) src(%dma_wait3A_275 : memref<80x32xf32, #tpu.memory_space<vmem_shared>>) dst(%dma_wait3A_273 : memref<80x32xf32, #tpu.memory_space<hbm>>)
      tpu.yield
    }) : () -> ()
    %mul3A_236 = arith.constant 624 : i32
    %mul3A_237 = arith.muli %arg1, %mul3A_236 : i32
    %add3A_238 = arith.constant 160 : i32
    %add3A_239 = arith.addi %mul3A_237, %add3A_238 : i32
    "tpu.region"() ({
      %run_scoped3A_265 = tpu.sem_alloc : memref<!tpu.dma_semaphore, #tpu.memory_space<semaphore_mem>>
      %dma_start3A_266 = arith.constant 0 : i32
      %dma_start3A_267 = tpu.memref_slice %arg9[%arg0, %add3A_239, %dma_start3A_266] : memref<2x10000x128xf32, #tpu.memory_space<hbm>> -> memref<1x80x128xf32, #tpu.memory_space<hbm>>
      %dma_start3A_268 = tpu.memref_squeeze %dma_start3A_267 : memref<1x80x128xf32, #tpu.memory_space<hbm>> -> memref<80x128xf32, #tpu.memory_space<hbm>>
      %dma_start3A_269 = arith.constant 0 : i32
      %dma_start3A_270 = tpu.memref_slice %arg20[%add3A_239, %dma_start3A_269] : memref<10000x128xf32, #tpu.memory_space<vmem_shared>> -> memref<80x128xf32, #tpu.memory_space<vmem_shared>>
      tpu.enqueue_dma source(%dma_start3A_270 : memref<80x128xf32, #tpu.memory_space<vmem_shared>>) target(%dma_start3A_268 : memref<80x128xf32, #tpu.memory_space<hbm>>) target_semaphore(%run_scoped3A_265 : memref<!tpu.dma_semaphore, #tpu.memory_space<semaphore_mem>>)
      %dma_wait3A_271 = arith.constant 0 : i32
      %dma_wait3A_272 = tpu.memref_slice %arg9[%arg0, %add3A_239, %dma_wait3A_271] : memref<2x10000x128xf32, #tpu.memory_space<hbm>> -> memref<1x80x128xf32, #tpu.memory_space<hbm>>
      %dma_wait3A_273 = tpu.memref_squeeze %dma_wait3A_272 : memref<1x80x128xf32, #tpu.memory_space<hbm>> -> memref<80x128xf32, #tpu.memory_space<hbm>>
      %dma_wait3A_274 = arith.constant 0 : i32
      %dma_wait3A_275 = tpu.memref_slice %arg20[%add3A_239, %dma_wait3A_274] : memref<10000x128xf32, #tpu.memory_space<vmem_shared>> -> memref<80x128xf32, #tpu.memory_space<vmem_shared>>
      tpu.wait_dma2 semaphore(%run_scoped3A_265 : memref<!tpu.dma_semaphore, #tpu.memory_space<semaphore_mem>>) src(%dma_wait3A_275 : memref<80x128xf32, #tpu.memory_space<vmem_shared>>) dst(%dma_wait3A_273 : memref<80x128xf32, #tpu.memory_space<hbm>>)
      tpu.yield
    }) : () -> ()
    "tpu.region"() ({
      %run_scoped3A_265 = tpu.sem_alloc : memref<!tpu.dma_semaphore, #tpu.memory_space<semaphore_mem>>
      %dma_start3A_266 = arith.constant 0 : i32
      %dma_start3A_267 = tpu.memref_slice %arg10[%arg0, %add3A_239, %dma_start3A_266] : memref<2x10000x32xf32, #tpu.memory_space<hbm>> -> memref<1x80x32xf32, #tpu.memory_space<hbm>>
      %dma_start3A_268 = tpu.memref_squeeze %dma_start3A_267 : memref<1x80x32xf32, #tpu.memory_space<hbm>> -> memref<80x32xf32, #tpu.memory_space<hbm>>
      %dma_start3A_269 = arith.constant 0 : i32
      %dma_start3A_270 = tpu.memref_slice %arg21[%add3A_239, %dma_start3A_269] : memref<10000x32xf32, #tpu.memory_space<vmem_shared>> -> memref<80x32xf32, #tpu.memory_space<vmem_shared>>
      tpu.enqueue_dma source(%dma_start3A_270 : memref<80x32xf32, #tpu.memory_space<vmem_shared>>) target(%dma_start3A_268 : memref<80x32xf32, #tpu.memory_space<hbm>>) target_semaphore(%run_scoped3A_265 : memref<!tpu.dma_semaphore, #tpu.memory_space<semaphore_mem>>)
      %dma_wait3A_271 = arith.constant 0 : i32
      %dma_wait3A_272 = tpu.memref_slice %arg10[%arg0, %add3A_239, %dma_wait3A_271] : memref<2x10000x32xf32, #tpu.memory_space<hbm>> -> memref<1x80x32xf32, #tpu.memory_space<hbm>>
      %dma_wait3A_273 = tpu.memref_squeeze %dma_wait3A_272 : memref<1x80x32xf32, #tpu.memory_space<hbm>> -> memref<80x32xf32, #tpu.memory_space<hbm>>
      %dma_wait3A_274 = arith.constant 0 : i32
      %dma_wait3A_275 = tpu.memref_slice %arg21[%add3A_239, %dma_wait3A_274] : memref<10000x32xf32, #tpu.memory_space<vmem_shared>> -> memref<80x32xf32, #tpu.memory_space<vmem_shared>>
      tpu.wait_dma2 semaphore(%run_scoped3A_265 : memref<!tpu.dma_semaphore, #tpu.memory_space<semaphore_mem>>) src(%dma_wait3A_275 : memref<80x32xf32, #tpu.memory_space<vmem_shared>>) dst(%dma_wait3A_273 : memref<80x32xf32, #tpu.memory_space<hbm>>)
      tpu.yield
    }) : () -> ()
    %mul3A_240 = arith.constant 624 : i32
    %mul3A_241 = arith.muli %arg1, %mul3A_240 : i32
    %add3A_242 = arith.constant 240 : i32
    %add3A_243 = arith.addi %mul3A_241, %add3A_242 : i32
    "tpu.region"() ({
      %run_scoped3A_265 = tpu.sem_alloc : memref<!tpu.dma_semaphore, #tpu.memory_space<semaphore_mem>>
      %dma_start3A_266 = arith.constant 0 : i32
      %dma_start3A_267 = tpu.memref_slice %arg9[%arg0, %add3A_243, %dma_start3A_266] : memref<2x10000x128xf32, #tpu.memory_space<hbm>> -> memref<1x80x128xf32, #tpu.memory_space<hbm>>
      %dma_start3A_268 = tpu.memref_squeeze %dma_start3A_267 : memref<1x80x128xf32, #tpu.memory_space<hbm>> -> memref<80x128xf32, #tpu.memory_space<hbm>>
      %dma_start3A_269 = arith.constant 0 : i32
      %dma_start3A_270 = tpu.memref_slice %arg20[%add3A_243, %dma_start3A_269] : memref<10000x128xf32, #tpu.memory_space<vmem_shared>> -> memref<80x128xf32, #tpu.memory_space<vmem_shared>>
      tpu.enqueue_dma source(%dma_start3A_270 : memref<80x128xf32, #tpu.memory_space<vmem_shared>>) target(%dma_start3A_268 : memref<80x128xf32, #tpu.memory_space<hbm>>) target_semaphore(%run_scoped3A_265 : memref<!tpu.dma_semaphore, #tpu.memory_space<semaphore_mem>>)
      %dma_wait3A_271 = arith.constant 0 : i32
      %dma_wait3A_272 = tpu.memref_slice %arg9[%arg0, %add3A_243, %dma_wait3A_271] : memref<2x10000x128xf32, #tpu.memory_space<hbm>> -> memref<1x80x128xf32, #tpu.memory_space<hbm>>
      %dma_wait3A_273 = tpu.memref_squeeze %dma_wait3A_272 : memref<1x80x128xf32, #tpu.memory_space<hbm>> -> memref<80x128xf32, #tpu.memory_space<hbm>>
      %dma_wait3A_274 = arith.constant 0 : i32
      %dma_wait3A_275 = tpu.memref_slice %arg20[%add3A_243, %dma_wait3A_274] : memref<10000x128xf32, #tpu.memory_space<vmem_shared>> -> memref<80x128xf32, #tpu.memory_space<vmem_shared>>
      tpu.wait_dma2 semaphore(%run_scoped3A_265 : memref<!tpu.dma_semaphore, #tpu.memory_space<semaphore_mem>>) src(%dma_wait3A_275 : memref<80x128xf32, #tpu.memory_space<vmem_shared>>) dst(%dma_wait3A_273 : memref<80x128xf32, #tpu.memory_space<hbm>>)
      tpu.yield
    }) : () -> ()
    "tpu.region"() ({
      %run_scoped3A_265 = tpu.sem_alloc : memref<!tpu.dma_semaphore, #tpu.memory_space<semaphore_mem>>
      %dma_start3A_266 = arith.constant 0 : i32
      %dma_start3A_267 = tpu.memref_slice %arg10[%arg0, %add3A_243, %dma_start3A_266] : memref<2x10000x32xf32, #tpu.memory_space<hbm>> -> memref<1x80x32xf32, #tpu.memory_space<hbm>>
      %dma_start3A_268 = tpu.memref_squeeze %dma_start3A_267 : memref<1x80x32xf32, #tpu.memory_space<hbm>> -> memref<80x32xf32, #tpu.memory_space<hbm>>
      %dma_start3A_269 = arith.constant 0 : i32
      %dma_start3A_270 = tpu.memref_slice %arg21[%add3A_243, %dma_start3A_269] : memref<10000x32xf32, #tpu.memory_space<vmem_shared>> -> memref<80x32xf32, #tpu.memory_space<vmem_shared>>
      tpu.enqueue_dma source(%dma_start3A_270 : memref<80x32xf32, #tpu.memory_space<vmem_shared>>) target(%dma_start3A_268 : memref<80x32xf32, #tpu.memory_space<hbm>>) target_semaphore(%run_scoped3A_265 : memref<!tpu.dma_semaphore, #tpu.memory_space<semaphore_mem>>)
      %dma_wait3A_271 = arith.constant 0 : i32
      %dma_wait3A_272 = tpu.memref_slice %arg10[%arg0, %add3A_243, %dma_wait3A_271] : memref<2x10000x32xf32, #tpu.memory_space<hbm>> -> memref<1x80x32xf32, #tpu.memory_space<hbm>>
      %dma_wait3A_273 = tpu.memref_squeeze %dma_wait3A_272 : memref<1x80x32xf32, #tpu.memory_space<hbm>> -> memref<80x32xf32, #tpu.memory_space<hbm>>
      %dma_wait3A_274 = arith.constant 0 : i32
      %dma_wait3A_275 = tpu.memref_slice %arg21[%add3A_243, %dma_wait3A_274] : memref<10000x32xf32, #tpu.memory_space<vmem_shared>> -> memref<80x32xf32, #tpu.memory_space<vmem_shared>>
      tpu.wait_dma2 semaphore(%run_scoped3A_265 : memref<!tpu.dma_semaphore, #tpu.memory_space<semaphore_mem>>) src(%dma_wait3A_275 : memref<80x32xf32, #tpu.memory_space<vmem_shared>>) dst(%dma_wait3A_273 : memref<80x32xf32, #tpu.memory_space<hbm>>)
      tpu.yield
    }) : () -> ()
    %mul3A_244 = arith.constant 624 : i32
    %mul3A_245 = arith.muli %arg1, %mul3A_244 : i32
    %add3A_246 = arith.constant 320 : i32
    %add3A_247 = arith.addi %mul3A_245, %add3A_246 : i32
    "tpu.region"() ({
      %run_scoped3A_265 = tpu.sem_alloc : memref<!tpu.dma_semaphore, #tpu.memory_space<semaphore_mem>>
      %dma_start3A_266 = arith.constant 0 : i32
      %dma_start3A_267 = tpu.memref_slice %arg9[%arg0, %add3A_247, %dma_start3A_266] : memref<2x10000x128xf32, #tpu.memory_space<hbm>> -> memref<1x80x128xf32, #tpu.memory_space<hbm>>
      %dma_start3A_268 = tpu.memref_squeeze %dma_start3A_267 : memref<1x80x128xf32, #tpu.memory_space<hbm>> -> memref<80x128xf32, #tpu.memory_space<hbm>>
      %dma_start3A_269 = arith.constant 0 : i32
      %dma_start3A_270 = tpu.memref_slice %arg20[%add3A_247, %dma_start3A_269] : memref<10000x128xf32, #tpu.memory_space<vmem_shared>> -> memref<80x128xf32, #tpu.memory_space<vmem_shared>>
      tpu.enqueue_dma source(%dma_start3A_270 : memref<80x128xf32, #tpu.memory_space<vmem_shared>>) target(%dma_start3A_268 : memref<80x128xf32, #tpu.memory_space<hbm>>) target_semaphore(%run_scoped3A_265 : memref<!tpu.dma_semaphore, #tpu.memory_space<semaphore_mem>>)
      %dma_wait3A_271 = arith.constant 0 : i32
      %dma_wait3A_272 = tpu.memref_slice %arg9[%arg0, %add3A_247, %dma_wait3A_271] : memref<2x10000x128xf32, #tpu.memory_space<hbm>> -> memref<1x80x128xf32, #tpu.memory_space<hbm>>
      %dma_wait3A_273 = tpu.memref_squeeze %dma_wait3A_272 : memref<1x80x128xf32, #tpu.memory_space<hbm>> -> memref<80x128xf32, #tpu.memory_space<hbm>>
      %dma_wait3A_274 = arith.constant 0 : i32
      %dma_wait3A_275 = tpu.memref_slice %arg20[%add3A_247, %dma_wait3A_274] : memref<10000x128xf32, #tpu.memory_space<vmem_shared>> -> memref<80x128xf32, #tpu.memory_space<vmem_shared>>
      tpu.wait_dma2 semaphore(%run_scoped3A_265 : memref<!tpu.dma_semaphore, #tpu.memory_space<semaphore_mem>>) src(%dma_wait3A_275 : memref<80x128xf32, #tpu.memory_space<vmem_shared>>) dst(%dma_wait3A_273 : memref<80x128xf32, #tpu.memory_space<hbm>>)
      tpu.yield
    }) : () -> ()
    "tpu.region"() ({
      %run_scoped3A_265 = tpu.sem_alloc : memref<!tpu.dma_semaphore, #tpu.memory_space<semaphore_mem>>
      %dma_start3A_266 = arith.constant 0 : i32
      %dma_start3A_267 = tpu.memref_slice %arg10[%arg0, %add3A_247, %dma_start3A_266] : memref<2x10000x32xf32, #tpu.memory_space<hbm>> -> memref<1x80x32xf32, #tpu.memory_space<hbm>>
      %dma_start3A_268 = tpu.memref_squeeze %dma_start3A_267 : memref<1x80x32xf32, #tpu.memory_space<hbm>> -> memref<80x32xf32, #tpu.memory_space<hbm>>
      %dma_start3A_269 = arith.constant 0 : i32
      %dma_start3A_270 = tpu.memref_slice %arg21[%add3A_247, %dma_start3A_269] : memref<10000x32xf32, #tpu.memory_space<vmem_shared>> -> memref<80x32xf32, #tpu.memory_space<vmem_shared>>
      tpu.enqueue_dma source(%dma_start3A_270 : memref<80x32xf32, #tpu.memory_space<vmem_shared>>) target(%dma_start3A_268 : memref<80x32xf32, #tpu.memory_space<hbm>>) target_semaphore(%run_scoped3A_265 : memref<!tpu.dma_semaphore, #tpu.memory_space<semaphore_mem>>)
      %dma_wait3A_271 = arith.constant 0 : i32
      %dma_wait3A_272 = tpu.memref_slice %arg10[%arg0, %add3A_247, %dma_wait3A_271] : memref<2x10000x32xf32, #tpu.memory_space<hbm>> -> memref<1x80x32xf32, #tpu.memory_space<hbm>>
      %dma_wait3A_273 = tpu.memref_squeeze %dma_wait3A_272 : memref<1x80x32xf32, #tpu.memory_space<hbm>> -> memref<80x32xf32, #tpu.memory_space<hbm>>
      %dma_wait3A_274 = arith.constant 0 : i32
      %dma_wait3A_275 = tpu.memref_slice %arg21[%add3A_247, %dma_wait3A_274] : memref<10000x32xf32, #tpu.memory_space<vmem_shared>> -> memref<80x32xf32, #tpu.memory_space<vmem_shared>>
      tpu.wait_dma2 semaphore(%run_scoped3A_265 : memref<!tpu.dma_semaphore, #tpu.memory_space<semaphore_mem>>) src(%dma_wait3A_275 : memref<80x32xf32, #tpu.memory_space<vmem_shared>>) dst(%dma_wait3A_273 : memref<80x32xf32, #tpu.memory_space<hbm>>)
      tpu.yield
    }) : () -> ()
    %mul3A_248 = arith.constant 624 : i32
    %mul3A_249 = arith.muli %arg1, %mul3A_248 : i32
    %add3A_250 = arith.constant 400 : i32
    %add3A_251 = arith.addi %mul3A_249, %add3A_250 : i32
    "tpu.region"() ({
      %run_scoped3A_265 = tpu.sem_alloc : memref<!tpu.dma_semaphore, #tpu.memory_space<semaphore_mem>>
      %dma_start3A_266 = arith.constant 0 : i32
      %dma_start3A_267 = tpu.memref_slice %arg9[%arg0, %add3A_251, %dma_start3A_266] : memref<2x10000x128xf32, #tpu.memory_space<hbm>> -> memref<1x80x128xf32, #tpu.memory_space<hbm>>
      %dma_start3A_268 = tpu.memref_squeeze %dma_start3A_267 : memref<1x80x128xf32, #tpu.memory_space<hbm>> -> memref<80x128xf32, #tpu.memory_space<hbm>>
      %dma_start3A_269 = arith.constant 0 : i32
      %dma_start3A_270 = tpu.memref_slice %arg20[%add3A_251, %dma_start3A_269] : memref<10000x128xf32, #tpu.memory_space<vmem_shared>> -> memref<80x128xf32, #tpu.memory_space<vmem_shared>>
      tpu.enqueue_dma source(%dma_start3A_270 : memref<80x128xf32, #tpu.memory_space<vmem_shared>>) target(%dma_start3A_268 : memref<80x128xf32, #tpu.memory_space<hbm>>) target_semaphore(%run_scoped3A_265 : memref<!tpu.dma_semaphore, #tpu.memory_space<semaphore_mem>>)
      %dma_wait3A_271 = arith.constant 0 : i32
      %dma_wait3A_272 = tpu.memref_slice %arg9[%arg0, %add3A_251, %dma_wait3A_271] : memref<2x10000x128xf32, #tpu.memory_space<hbm>> -> memref<1x80x128xf32, #tpu.memory_space<hbm>>
      %dma_wait3A_273 = tpu.memref_squeeze %dma_wait3A_272 : memref<1x80x128xf32, #tpu.memory_space<hbm>> -> memref<80x128xf32, #tpu.memory_space<hbm>>
      %dma_wait3A_274 = arith.constant 0 : i32
      %dma_wait3A_275 = tpu.memref_slice %arg20[%add3A_251, %dma_wait3A_274] : memref<10000x128xf32, #tpu.memory_space<vmem_shared>> -> memref<80x128xf32, #tpu.memory_space<vmem_shared>>
      tpu.wait_dma2 semaphore(%run_scoped3A_265 : memref<!tpu.dma_semaphore, #tpu.memory_space<semaphore_mem>>) src(%dma_wait3A_275 : memref<80x128xf32, #tpu.memory_space<vmem_shared>>) dst(%dma_wait3A_273 : memref<80x128xf32, #tpu.memory_space<hbm>>)
      tpu.yield
    }) : () -> ()
    "tpu.region"() ({
      %run_scoped3A_265 = tpu.sem_alloc : memref<!tpu.dma_semaphore, #tpu.memory_space<semaphore_mem>>
      %dma_start3A_266 = arith.constant 0 : i32
      %dma_start3A_267 = tpu.memref_slice %arg10[%arg0, %add3A_251, %dma_start3A_266] : memref<2x10000x32xf32, #tpu.memory_space<hbm>> -> memref<1x80x32xf32, #tpu.memory_space<hbm>>
      %dma_start3A_268 = tpu.memref_squeeze %dma_start3A_267 : memref<1x80x32xf32, #tpu.memory_space<hbm>> -> memref<80x32xf32, #tpu.memory_space<hbm>>
      %dma_start3A_269 = arith.constant 0 : i32
      %dma_start3A_270 = tpu.memref_slice %arg21[%add3A_251, %dma_start3A_269] : memref<10000x32xf32, #tpu.memory_space<vmem_shared>> -> memref<80x32xf32, #tpu.memory_space<vmem_shared>>
      tpu.enqueue_dma source(%dma_start3A_270 : memref<80x32xf32, #tpu.memory_space<vmem_shared>>) target(%dma_start3A_268 : memref<80x32xf32, #tpu.memory_space<hbm>>) target_semaphore(%run_scoped3A_265 : memref<!tpu.dma_semaphore, #tpu.memory_space<semaphore_mem>>)
      %dma_wait3A_271 = arith.constant 0 : i32
      %dma_wait3A_272 = tpu.memref_slice %arg10[%arg0, %add3A_251, %dma_wait3A_271] : memref<2x10000x32xf32, #tpu.memory_space<hbm>> -> memref<1x80x32xf32, #tpu.memory_space<hbm>>
      %dma_wait3A_273 = tpu.memref_squeeze %dma_wait3A_272 : memref<1x80x32xf32, #tpu.memory_space<hbm>> -> memref<80x32xf32, #tpu.memory_space<hbm>>
      %dma_wait3A_274 = arith.constant 0 : i32
      %dma_wait3A_275 = tpu.memref_slice %arg21[%add3A_251, %dma_wait3A_274] : memref<10000x32xf32, #tpu.memory_space<vmem_shared>> -> memref<80x32xf32, #tpu.memory_space<vmem_shared>>
      tpu.wait_dma2 semaphore(%run_scoped3A_265 : memref<!tpu.dma_semaphore, #tpu.memory_space<semaphore_mem>>) src(%dma_wait3A_275 : memref<80x32xf32, #tpu.memory_space<vmem_shared>>) dst(%dma_wait3A_273 : memref<80x32xf32, #tpu.memory_space<hbm>>)
      tpu.yield
    }) : () -> ()
    %mul3A_252 = arith.constant 624 : i32
    %mul3A_253 = arith.muli %arg1, %mul3A_252 : i32
    %add3A_254 = arith.constant 480 : i32
    %add3A_255 = arith.addi %mul3A_253, %add3A_254 : i32
    "tpu.region"() ({
      %run_scoped3A_265 = tpu.sem_alloc : memref<!tpu.dma_semaphore, #tpu.memory_space<semaphore_mem>>
      %dma_start3A_266 = arith.constant 0 : i32
      %dma_start3A_267 = tpu.memref_slice %arg9[%arg0, %add3A_255, %dma_start3A_266] : memref<2x10000x128xf32, #tpu.memory_space<hbm>> -> memref<1x80x128xf32, #tpu.memory_space<hbm>>
      %dma_start3A_268 = tpu.memref_squeeze %dma_start3A_267 : memref<1x80x128xf32, #tpu.memory_space<hbm>> -> memref<80x128xf32, #tpu.memory_space<hbm>>
      %dma_start3A_269 = arith.constant 0 : i32
      %dma_start3A_270 = tpu.memref_slice %arg20[%add3A_255, %dma_start3A_269] : memref<10000x128xf32, #tpu.memory_space<vmem_shared>> -> memref<80x128xf32, #tpu.memory_space<vmem_shared>>
      tpu.enqueue_dma source(%dma_start3A_270 : memref<80x128xf32, #tpu.memory_space<vmem_shared>>) target(%dma_start3A_268 : memref<80x128xf32, #tpu.memory_space<hbm>>) target_semaphore(%run_scoped3A_265 : memref<!tpu.dma_semaphore, #tpu.memory_space<semaphore_mem>>)
      %dma_wait3A_271 = arith.constant 0 : i32
      %dma_wait3A_272 = tpu.memref_slice %arg9[%arg0, %add3A_255, %dma_wait3A_271] : memref<2x10000x128xf32, #tpu.memory_space<hbm>> -> memref<1x80x128xf32, #tpu.memory_space<hbm>>
      %dma_wait3A_273 = tpu.memref_squeeze %dma_wait3A_272 : memref<1x80x128xf32, #tpu.memory_space<hbm>> -> memref<80x128xf32, #tpu.memory_space<hbm>>
      %dma_wait3A_274 = arith.constant 0 : i32
      %dma_wait3A_275 = tpu.memref_slice %arg20[%add3A_255, %dma_wait3A_274] : memref<10000x128xf32, #tpu.memory_space<vmem_shared>> -> memref<80x128xf32, #tpu.memory_space<vmem_shared>>
      tpu.wait_dma2 semaphore(%run_scoped3A_265 : memref<!tpu.dma_semaphore, #tpu.memory_space<semaphore_mem>>) src(%dma_wait3A_275 : memref<80x128xf32, #tpu.memory_space<vmem_shared>>) dst(%dma_wait3A_273 : memref<80x128xf32, #tpu.memory_space<hbm>>)
      tpu.yield
    }) : () -> ()
    "tpu.region"() ({
      %run_scoped3A_265 = tpu.sem_alloc : memref<!tpu.dma_semaphore, #tpu.memory_space<semaphore_mem>>
      %dma_start3A_266 = arith.constant 0 : i32
      %dma_start3A_267 = tpu.memref_slice %arg10[%arg0, %add3A_255, %dma_start3A_266] : memref<2x10000x32xf32, #tpu.memory_space<hbm>> -> memref<1x80x32xf32, #tpu.memory_space<hbm>>
      %dma_start3A_268 = tpu.memref_squeeze %dma_start3A_267 : memref<1x80x32xf32, #tpu.memory_space<hbm>> -> memref<80x32xf32, #tpu.memory_space<hbm>>
      %dma_start3A_269 = arith.constant 0 : i32
      %dma_start3A_270 = tpu.memref_slice %arg21[%add3A_255, %dma_start3A_269] : memref<10000x32xf32, #tpu.memory_space<vmem_shared>> -> memref<80x32xf32, #tpu.memory_space<vmem_shared>>
      tpu.enqueue_dma source(%dma_start3A_270 : memref<80x32xf32, #tpu.memory_space<vmem_shared>>) target(%dma_start3A_268 : memref<80x32xf32, #tpu.memory_space<hbm>>) target_semaphore(%run_scoped3A_265 : memref<!tpu.dma_semaphore, #tpu.memory_space<semaphore_mem>>)
      %dma_wait3A_271 = arith.constant 0 : i32
      %dma_wait3A_272 = tpu.memref_slice %arg10[%arg0, %add3A_255, %dma_wait3A_271] : memref<2x10000x32xf32, #tpu.memory_space<hbm>> -> memref<1x80x32xf32, #tpu.memory_space<hbm>>
      %dma_wait3A_273 = tpu.memref_squeeze %dma_wait3A_272 : memref<1x80x32xf32, #tpu.memory_space<hbm>> -> memref<80x32xf32, #tpu.memory_space<hbm>>
      %dma_wait3A_274 = arith.constant 0 : i32
      %dma_wait3A_275 = tpu.memref_slice %arg21[%add3A_255, %dma_wait3A_274] : memref<10000x32xf32, #tpu.memory_space<vmem_shared>> -> memref<80x32xf32, #tpu.memory_space<vmem_shared>>
      tpu.wait_dma2 semaphore(%run_scoped3A_265 : memref<!tpu.dma_semaphore, #tpu.memory_space<semaphore_mem>>) src(%dma_wait3A_275 : memref<80x32xf32, #tpu.memory_space<vmem_shared>>) dst(%dma_wait3A_273 : memref<80x32xf32, #tpu.memory_space<hbm>>)
      tpu.yield
    }) : () -> ()
    %mul3A_256 = arith.constant 624 : i32
    %mul3A_257 = arith.muli %arg1, %mul3A_256 : i32
    %add3A_258 = arith.constant 560 : i32
    %add3A_259 = arith.addi %mul3A_257, %add3A_258 : i32
    "tpu.region"() ({
      %run_scoped3A_265 = tpu.sem_alloc : memref<!tpu.dma_semaphore, #tpu.memory_space<semaphore_mem>>
      %dma_start3A_266 = arith.constant 0 : i32
      %dma_start3A_267 = tpu.memref_slice %arg9[%arg0, %add3A_259, %dma_start3A_266] : memref<2x10000x128xf32, #tpu.memory_space<hbm>> -> memref<1x64x128xf32, #tpu.memory_space<hbm>>
      %dma_start3A_268 = tpu.memref_squeeze %dma_start3A_267 : memref<1x64x128xf32, #tpu.memory_space<hbm>> -> memref<64x128xf32, #tpu.memory_space<hbm>>
      %dma_start3A_269 = arith.constant 0 : i32
      %dma_start3A_270 = tpu.memref_slice %arg20[%add3A_259, %dma_start3A_269] : memref<10000x128xf32, #tpu.memory_space<vmem_shared>> -> memref<64x128xf32, #tpu.memory_space<vmem_shared>>
      tpu.enqueue_dma source(%dma_start3A_270 : memref<64x128xf32, #tpu.memory_space<vmem_shared>>) target(%dma_start3A_268 : memref<64x128xf32, #tpu.memory_space<hbm>>) target_semaphore(%run_scoped3A_265 : memref<!tpu.dma_semaphore, #tpu.memory_space<semaphore_mem>>)
      %dma_wait3A_271 = arith.constant 0 : i32
      %dma_wait3A_272 = tpu.memref_slice %arg9[%arg0, %add3A_259, %dma_wait3A_271] : memref<2x10000x128xf32, #tpu.memory_space<hbm>> -> memref<1x64x128xf32, #tpu.memory_space<hbm>>
      %dma_wait3A_273 = tpu.memref_squeeze %dma_wait3A_272 : memref<1x64x128xf32, #tpu.memory_space<hbm>> -> memref<64x128xf32, #tpu.memory_space<hbm>>
      %dma_wait3A_274 = arith.constant 0 : i32
      %dma_wait3A_275 = tpu.memref_slice %arg20[%add3A_259, %dma_wait3A_274] : memref<10000x128xf32, #tpu.memory_space<vmem_shared>> -> memref<64x128xf32, #tpu.memory_space<vmem_shared>>
      tpu.wait_dma2 semaphore(%run_scoped3A_265 : memref<!tpu.dma_semaphore, #tpu.memory_space<semaphore_mem>>) src(%dma_wait3A_275 : memref<64x128xf32, #tpu.memory_space<vmem_shared>>) dst(%dma_wait3A_273 : memref<64x128xf32, #tpu.memory_space<hbm>>)
      tpu.yield
    }) : () -> ()
    "tpu.region"() ({
      %run_scoped3A_265 = tpu.sem_alloc : memref<!tpu.dma_semaphore, #tpu.memory_space<semaphore_mem>>
      %dma_start3A_266 = arith.constant 0 : i32
      %dma_start3A_267 = tpu.memref_slice %arg10[%arg0, %add3A_259, %dma_start3A_266] : memref<2x10000x32xf32, #tpu.memory_space<hbm>> -> memref<1x64x32xf32, #tpu.memory_space<hbm>>
      %dma_start3A_268 = tpu.memref_squeeze %dma_start3A_267 : memref<1x64x32xf32, #tpu.memory_space<hbm>> -> memref<64x32xf32, #tpu.memory_space<hbm>>
      %dma_start3A_269 = arith.constant 0 : i32
      %dma_start3A_270 = tpu.memref_slice %arg21[%add3A_259, %dma_start3A_269] : memref<10000x32xf32, #tpu.memory_space<vmem_shared>> -> memref<64x32xf32, #tpu.memory_space<vmem_shared>>
      tpu.enqueue_dma source(%dma_start3A_270 : memref<64x32xf32, #tpu.memory_space<vmem_shared>>) target(%dma_start3A_268 : memref<64x32xf32, #tpu.memory_space<hbm>>) target_semaphore(%run_scoped3A_265 : memref<!tpu.dma_semaphore, #tpu.memory_space<semaphore_mem>>)
      %dma_wait3A_271 = arith.constant 0 : i32
      %dma_wait3A_272 = tpu.memref_slice %arg10[%arg0, %add3A_259, %dma_wait3A_271] : memref<2x10000x32xf32, #tpu.memory_space<hbm>> -> memref<1x64x32xf32, #tpu.memory_space<hbm>>
      %dma_wait3A_273 = tpu.memref_squeeze %dma_wait3A_272 : memref<1x64x32xf32, #tpu.memory_space<hbm>> -> memref<64x32xf32, #tpu.memory_space<hbm>>
      %dma_wait3A_274 = arith.constant 0 : i32
      %dma_wait3A_275 = tpu.memref_slice %arg21[%add3A_259, %dma_wait3A_274] : memref<10000x32xf32, #tpu.memory_space<vmem_shared>> -> memref<64x32xf32, #tpu.memory_space<vmem_shared>>
      tpu.wait_dma2 semaphore(%run_scoped3A_265 : memref<!tpu.dma_semaphore, #tpu.memory_space<semaphore_mem>>) src(%dma_wait3A_275 : memref<64x32xf32, #tpu.memory_space<vmem_shared>>) dst(%dma_wait3A_273 : memref<64x32xf32, #tpu.memory_space<hbm>>)
      tpu.yield
    }) : () -> ()
    %eq3A_260 = arith.constant 15 : i32
    %eq3A_261 = arith.cmpi eq, %arg1, %eq3A_260 : i32
    %convert_element_type3A_262 = arith.extui %eq3A_261 : i1 to i32
    %cond3A_263 = arith.constant 0 : i32
    %cond3A_264 = arith.cmpi ne, %convert_element_type3A_262, %cond3A_263 : i32
    scf.if %cond3A_264 {
      "tpu.region"() ({
        %run_scoped3A_265 = tpu.sem_alloc : memref<!tpu.dma_semaphore, #tpu.memory_space<semaphore_mem>>
        %dma_start3A_266 = arith.constant 9984 : i32
        %dma_start3A_267 = arith.constant 0 : i32
        %dma_start3A_268 = tpu.memref_slice %arg9[%arg0, %dma_start3A_266, %dma_start3A_267] : memref<2x10000x128xf32, #tpu.memory_space<hbm>> -> memref<1x16x128xf32, #tpu.memory_space<hbm>>
        %dma_start3A_269 = tpu.memref_squeeze %dma_start3A_268 : memref<1x16x128xf32, #tpu.memory_space<hbm>> -> memref<16x128xf32, #tpu.memory_space<hbm>>
        %dma_start3A_270 = arith.constant 9984 : i32
        %dma_start3A_271 = arith.constant 0 : i32
        %dma_start3A_272 = tpu.memref_slice %arg20[%dma_start3A_270, %dma_start3A_271] : memref<10000x128xf32, #tpu.memory_space<vmem_shared>> -> memref<16x128xf32, #tpu.memory_space<vmem_shared>>
        tpu.enqueue_dma source(%dma_start3A_272 : memref<16x128xf32, #tpu.memory_space<vmem_shared>>) target(%dma_start3A_269 : memref<16x128xf32, #tpu.memory_space<hbm>>) target_semaphore(%run_scoped3A_265 : memref<!tpu.dma_semaphore, #tpu.memory_space<semaphore_mem>>)
        %dma_wait3A_273 = arith.constant 9984 : i32
        %dma_wait3A_274 = arith.constant 0 : i32
        %dma_wait3A_275 = tpu.memref_slice %arg9[%arg0, %dma_wait3A_273, %dma_wait3A_274] : memref<2x10000x128xf32, #tpu.memory_space<hbm>> -> memref<1x16x128xf32, #tpu.memory_space<hbm>>
        %dma_wait3A_276 = tpu.memref_squeeze %dma_wait3A_275 : memref<1x16x128xf32, #tpu.memory_space<hbm>> -> memref<16x128xf32, #tpu.memory_space<hbm>>
        %dma_wait3A_277 = arith.constant 9984 : i32
        %dma_wait3A_278 = arith.constant 0 : i32
        %dma_wait3A_279 = tpu.memref_slice %arg20[%dma_wait3A_277, %dma_wait3A_278] : memref<10000x128xf32, #tpu.memory_space<vmem_shared>> -> memref<16x128xf32, #tpu.memory_space<vmem_shared>>
        tpu.wait_dma2 semaphore(%run_scoped3A_265 : memref<!tpu.dma_semaphore, #tpu.memory_space<semaphore_mem>>) src(%dma_wait3A_279 : memref<16x128xf32, #tpu.memory_space<vmem_shared>>) dst(%dma_wait3A_276 : memref<16x128xf32, #tpu.memory_space<hbm>>)
        tpu.yield
      }) : () -> ()
      "tpu.region"() ({
        %run_scoped3A_265 = tpu.sem_alloc : memref<!tpu.dma_semaphore, #tpu.memory_space<semaphore_mem>>
        %dma_start3A_266 = arith.constant 9984 : i32
        %dma_start3A_267 = arith.constant 0 : i32
        %dma_start3A_268 = tpu.memref_slice %arg10[%arg0, %dma_start3A_266, %dma_start3A_267] : memref<2x10000x32xf32, #tpu.memory_space<hbm>> -> memref<1x16x32xf32, #tpu.memory_space<hbm>>
        %dma_start3A_269 = tpu.memref_squeeze %dma_start3A_268 : memref<1x16x32xf32, #tpu.memory_space<hbm>> -> memref<16x32xf32, #tpu.memory_space<hbm>>
        %dma_start3A_270 = arith.constant 9984 : i32
        %dma_start3A_271 = arith.constant 0 : i32
        %dma_start3A_272 = tpu.memref_slice %arg21[%dma_start3A_270, %dma_start3A_271] : memref<10000x32xf32, #tpu.memory_space<vmem_shared>> -> memref<16x32xf32, #tpu.memory_space<vmem_shared>>
        tpu.enqueue_dma source(%dma_start3A_272 : memref<16x32xf32, #tpu.memory_space<vmem_shared>>) target(%dma_start3A_269 : memref<16x32xf32, #tpu.memory_space<hbm>>) target_semaphore(%run_scoped3A_265 : memref<!tpu.dma_semaphore, #tpu.memory_space<semaphore_mem>>)
        %dma_wait3A_273 = arith.constant 9984 : i32
        %dma_wait3A_274 = arith.constant 0 : i32
        %dma_wait3A_275 = tpu.memref_slice %arg10[%arg0, %dma_wait3A_273, %dma_wait3A_274] : memref<2x10000x32xf32, #tpu.memory_space<hbm>> -> memref<1x16x32xf32, #tpu.memory_space<hbm>>
        %dma_wait3A_276 = tpu.memref_squeeze %dma_wait3A_275 : memref<1x16x32xf32, #tpu.memory_space<hbm>> -> memref<16x32xf32, #tpu.memory_space<hbm>>
        %dma_wait3A_277 = arith.constant 9984 : i32
        %dma_wait3A_278 = arith.constant 0 : i32
        %dma_wait3A_279 = tpu.memref_slice %arg21[%dma_wait3A_277, %dma_wait3A_278] : memref<10000x32xf32, #tpu.memory_space<vmem_shared>> -> memref<16x32xf32, #tpu.memory_space<vmem_shared>>
        tpu.wait_dma2 semaphore(%run_scoped3A_265 : memref<!tpu.dma_semaphore, #tpu.memory_space<semaphore_mem>>) src(%dma_wait3A_279 : memref<16x32xf32, #tpu.memory_space<vmem_shared>>) dst(%dma_wait3A_276 : memref<16x32xf32, #tpu.memory_space<hbm>>)
        tpu.yield
      }) : () -> ()
    } else {
    }
    return
  }
}

module attributes {stable_mosaic.version = 14 : i64} {
  func.func @_pre_body(%arg0: i32, %arg1: memref<1000x128xf32, #tpu.memory_space<vmem>>, %arg2: memref<128x128xf32, #tpu.memory_space<vmem>>, %arg3: memref<128x128xf32, #tpu.memory_space<vmem>>, %arg4: memref<128x128xf32, #tpu.memory_space<vmem>>, %arg5: memref<4000x128xf32, #tpu.memory_space<vmem>>, %arg6: memref<128x128xf32, #tpu.memory_space<vmem>>, %arg7: memref<1000x128xf32, #tpu.memory_space<vmem>>, %arg8: memref<1000x128xf32, #tpu.memory_space<vmem>>, %arg9: memref<1000x128xf32, #tpu.memory_space<vmem>>, %arg10: memref<4000x128xf32, #tpu.memory_space<vmem>>) attributes {dimension_semantics = [#tpu.dimension_semantics<arbitrary>], iteration_bounds = array<i64: 10>, scalar_prefetch = 0 : i64, scratch_operands = 0 : i64, tpu.core_type = #tpu.core_type<tc>, window_params = [{transform_indices = @transform_0, window_bounds = array<i64: 1000, 128>}, {pipeline_mode = #tpu.pipeline_mode<synchronous>, transform_indices = @transform_1, window_bounds = array<i64: 128, 128>}, {pipeline_mode = #tpu.pipeline_mode<synchronous>, transform_indices = @transform_2, window_bounds = array<i64: 128, 128>}, {pipeline_mode = #tpu.pipeline_mode<synchronous>, transform_indices = @transform_3, window_bounds = array<i64: 128, 128>}, {transform_indices = @transform_4, window_bounds = array<i64: 4000, 128>}, {pipeline_mode = #tpu.pipeline_mode<synchronous>, transform_indices = @transform_5, window_bounds = array<i64: 128, 128>}, {transform_indices = @transform_6, window_bounds = array<i64: 1000, 128>}, {transform_indices = @transform_7, window_bounds = array<i64: 1000, 128>}, {transform_indices = @transform_8, window_bounds = array<i64: 1000, 128>}, {transform_indices = @transform_9, window_bounds = array<i64: 4000, 128>}]} {
    %get3A = arith.constant 0 : index
    %get3A_0 = arith.constant 0 : index
    %get3A_1 = vector.load %arg1[%get3A, %get3A_0] : memref<1000x128xf32, #tpu.memory_space<vmem>>, vector<1000x128xf32>
    %get3A_2 = arith.constant 0 : index
    %get3A_3 = arith.constant 0 : index
    %get3A_4 = vector.load %arg2[%get3A_2, %get3A_3] : memref<128x128xf32, #tpu.memory_space<vmem>>, vector<128x128xf32>
    %dot_general3A = arith.constant dense<0.000000e+00> : vector<1000x128xf32>
    %dot_general3A_5 = tpu.matmul %get3A_1, %get3A_4, %dot_general3A {dimension_numbers = #tpu.dot_dimension_numbers<[1], [0], [0], [1], [0, 0, 1, 1], [], []>, transpose_lhs_hint = false} : vector<1000x128xf32>, vector<128x128xf32>, vector<1000x128xf32> -> vector<1000x128xf32>
    %swap3A = arith.constant 0 : index
    %swap3A_6 = arith.constant 0 : index
    %swap3A_7 = vector.load %arg7[%swap3A, %swap3A_6] : memref<1000x128xf32, #tpu.memory_space<vmem>>, vector<1000x128xf32>
    tpu.vector_store %arg7[%swap3A, %swap3A_6], %dot_general3A_5 {strides = array<i32>} : memref<1000x128xf32, #tpu.memory_space<vmem>>, vector<1000x128xf32>,
    %get3A_8 = arith.constant 0 : index
    %get3A_9 = arith.constant 0 : index
    %get3A_10 = vector.load %arg3[%get3A_8, %get3A_9] : memref<128x128xf32, #tpu.memory_space<vmem>>, vector<128x128xf32>
    %dot_general3A_11 = arith.constant dense<0.000000e+00> : vector<1000x128xf32>
    %dot_general3A_12 = tpu.matmul %get3A_1, %get3A_10, %dot_general3A_11 {dimension_numbers = #tpu.dot_dimension_numbers<[1], [0], [0], [1], [0, 0, 1, 1], [], []>, transpose_lhs_hint = false} : vector<1000x128xf32>, vector<128x128xf32>, vector<1000x128xf32> -> vector<1000x128xf32>
    %swap3A_13 = arith.constant 0 : index
    %swap3A_14 = arith.constant 0 : index
    %swap3A_15 = vector.load %arg8[%swap3A_13, %swap3A_14] : memref<1000x128xf32, #tpu.memory_space<vmem>>, vector<1000x128xf32>
    tpu.vector_store %arg8[%swap3A_13, %swap3A_14], %dot_general3A_12 {strides = array<i32>} : memref<1000x128xf32, #tpu.memory_space<vmem>>, vector<1000x128xf32>,
    %get3A_16 = arith.constant 0 : index
    %get3A_17 = arith.constant 0 : index
    %get3A_18 = vector.load %arg4[%get3A_16, %get3A_17] : memref<128x128xf32, #tpu.memory_space<vmem>>, vector<128x128xf32>
    %dot_general3A_19 = arith.constant dense<0.000000e+00> : vector<1000x128xf32>
    %dot_general3A_20 = tpu.matmul %get3A_1, %get3A_18, %dot_general3A_19 {dimension_numbers = #tpu.dot_dimension_numbers<[1], [0], [0], [1], [0, 0, 1, 1], [], []>, transpose_lhs_hint = false} : vector<1000x128xf32>, vector<128x128xf32>, vector<1000x128xf32> -> vector<1000x128xf32>
    %swap3A_21 = arith.constant 0 : index
    %swap3A_22 = arith.constant 0 : index
    %swap3A_23 = vector.load %arg9[%swap3A_21, %swap3A_22] : memref<1000x128xf32, #tpu.memory_space<vmem>>, vector<1000x128xf32>
    tpu.vector_store %arg9[%swap3A_21, %swap3A_22], %dot_general3A_20 {strides = array<i32>} : memref<1000x128xf32, #tpu.memory_space<vmem>>, vector<1000x128xf32>,
    %get3A_24 = arith.constant 0 : index
    %get3A_25 = arith.constant 0 : index
    %get3A_26 = vector.load %arg5[%get3A_24, %get3A_25] : memref<4000x128xf32, #tpu.memory_space<vmem>>, vector<4000x128xf32>
    %get3A_27 = arith.constant 0 : index
    %get3A_28 = arith.constant 0 : index
    %get3A_29 = vector.load %arg6[%get3A_27, %get3A_28] : memref<128x128xf32, #tpu.memory_space<vmem>>, vector<128x128xf32>
    %dot_general3A_30 = arith.constant dense<0.000000e+00> : vector<4000x128xf32>
    %dot_general3A_31 = tpu.matmul %get3A_26, %get3A_29, %dot_general3A_30 {dimension_numbers = #tpu.dot_dimension_numbers<[1], [0], [0], [1], [0, 0, 1, 1], [], []>, transpose_lhs_hint = false} : vector<4000x128xf32>, vector<128x128xf32>, vector<4000x128xf32> -> vector<4000x128xf32>
    %swap3A_32 = arith.constant 0 : index
    %swap3A_33 = arith.constant 0 : index
    %swap3A_34 = vector.load %arg10[%swap3A_32, %swap3A_33] : memref<4000x128xf32, #tpu.memory_space<vmem>>, vector<4000x128xf32>
    tpu.vector_store %arg10[%swap3A_32, %swap3A_33], %dot_general3A_31 {strides = array<i32>} : memref<4000x128xf32, #tpu.memory_space<vmem>>, vector<4000x128xf32>,
    return
  }
  func.func @transform_0(%arg0: i32) -> (i32, i32) {
    %c0_i32 = arith.constant 0 : i32
    %c0_i32_0 = arith.constant 0 : i32
    return %arg0, %c0_i32 : i32, i32
  }
  func.func @transform_1(%arg0: i32) -> (i32, i32) {
    %c0_i32 = arith.constant 0 : i32
    %c0_i32_0 = arith.constant 0 : i32
    %c0_i32_1 = arith.constant 0 : i32
    return %c0_i32, %c0_i32_0 : i32, i32
  }
  func.func @transform_2(%arg0: i32) -> (i32, i32) {
    %c0_i32 = arith.constant 0 : i32
    %c0_i32_0 = arith.constant 0 : i32
    %c0_i32_1 = arith.constant 0 : i32
    return %c0_i32, %c0_i32_0 : i32, i32
  }
  func.func @transform_3(%arg0: i32) -> (i32, i32) {
    %c0_i32 = arith.constant 0 : i32
    %c0_i32_0 = arith.constant 0 : i32
    %c0_i32_1 = arith.constant 0 : i32
    return %c0_i32, %c0_i32_0 : i32, i32
  }
  func.func @transform_4(%arg0: i32) -> (i32, i32) {
    %c0_i32 = arith.constant 0 : i32
    %c0_i32_0 = arith.constant 0 : i32
    return %arg0, %c0_i32 : i32, i32
  }
  func.func @transform_5(%arg0: i32) -> (i32, i32) {
    %c0_i32 = arith.constant 0 : i32
    %c0_i32_0 = arith.constant 0 : i32
    %c0_i32_1 = arith.constant 0 : i32
    return %c0_i32, %c0_i32_0 : i32, i32
  }
  func.func @transform_6(%arg0: i32) -> (i32, i32) {
    %c0_i32 = arith.constant 0 : i32
    %c0_i32_0 = arith.constant 0 : i32
    return %arg0, %c0_i32 : i32, i32
  }
  func.func @transform_7(%arg0: i32) -> (i32, i32) {
    %c0_i32 = arith.constant 0 : i32
    %c0_i32_0 = arith.constant 0 : i32
    return %arg0, %c0_i32 : i32, i32
  }
  func.func @transform_8(%arg0: i32) -> (i32, i32) {
    %c0_i32 = arith.constant 0 : i32
    %c0_i32_0 = arith.constant 0 : i32
    return %arg0, %c0_i32 : i32, i32
  }
  func.func @transform_9(%arg0: i32) -> (i32, i32) {
    %c0_i32 = arith.constant 0 : i32
    %c0_i32_0 = arith.constant 0 : i32
    return %arg0, %c0_i32 : i32, i32
  }
}

module attributes {stable_mosaic.version = 14 : i64} {
  func.func @_post_body(%arg0: i32, %arg1: memref<2x1000x128xf32, #tpu.memory_space<vmem>>, %arg2: memref<2x1000x32xf32, #tpu.memory_space<vmem>>, %arg3: memref<1000x128xf32, #tpu.memory_space<vmem>>, %arg4: memref<16x128xf32, #tpu.memory_space<vmem>>, %arg5: memref<1000x128xf32, #tpu.memory_space<vmem>>) attributes {dimension_semantics = [#tpu.dimension_semantics<arbitrary>], iteration_bounds = array<i64: 10>, scalar_prefetch = 0 : i64, scratch_operands = 0 : i64, tpu.core_type = #tpu.core_type<tc>, window_params = [{transform_indices = @transform_0, window_bounds = array<i64: 2, 1000, 128>}, {transform_indices = @transform_1, window_bounds = array<i64: 2, 1000, 32>}, {transform_indices = @transform_2, window_bounds = array<i64: 1000, 128>}, {pipeline_mode = #tpu.pipeline_mode<synchronous>, transform_indices = @transform_3, window_bounds = array<i64: 16, 128>}, {transform_indices = @transform_4, window_bounds = array<i64: 1000, 128>}]} {
    %get3A = arith.constant 0 : index
    %get3A_0 = arith.constant 0 : index
    %get3A_1 = arith.constant 0 : index
    %get3A_2 = vector.load %arg1[%get3A, %get3A_0, %get3A_1] : memref<2x1000x128xf32, #tpu.memory_space<vmem>>, vector<1x1000x128xf32>
    %get3A_3 = vector.shape_cast %get3A_2 : vector<1x1000x128xf32> to vector<1000x128xf32>
    %get3A_4 = arith.constant 1 : index
    %get3A_5 = arith.constant 0 : index
    %get3A_6 = arith.constant 0 : index
    %get3A_7 = vector.load %arg1[%get3A_4, %get3A_5, %get3A_6] : memref<2x1000x128xf32, #tpu.memory_space<vmem>>, vector<1x1000x128xf32>
    %get3A_8 = vector.shape_cast %get3A_7 : vector<1x1000x128xf32> to vector<1000x128xf32>
    %add3A = arith.addf %get3A_3, %get3A_8 : vector<1000x128xf32>
    %get3A_9 = arith.constant 0 : index
    %get3A_10 = arith.constant 0 : index
    %get3A_11 = arith.constant 0 : index
    %get3A_12 = vector.load %arg2[%get3A_9, %get3A_10, %get3A_11] : memref<2x1000x32xf32, #tpu.memory_space<vmem>>, vector<1x1000x32xf32>
    %get3A_13 = vector.shape_cast %get3A_12 : vector<1x1000x32xf32> to vector<1000x32xf32>
    %get3A_14 = arith.constant 1 : index
    %get3A_15 = arith.constant 0 : index
    %get3A_16 = arith.constant 0 : index
    %get3A_17 = vector.load %arg2[%get3A_14, %get3A_15, %get3A_16] : memref<2x1000x32xf32, #tpu.memory_space<vmem>>, vector<1x1000x32xf32>
    %get3A_18 = vector.shape_cast %get3A_17 : vector<1x1000x32xf32> to vector<1000x32xf32>
    %add3A_19 = arith.addf %get3A_13, %get3A_18 : vector<1000x32xf32>
    %slice3A = vector.extract_strided_slice %add3A_19 {offsets = [0, 0], sizes = [1000, 16], strides = [1, 1]} : vector<1000x32xf32> to vector<1000x16xf32>
    %slice3A_20 = vector.extract_strided_slice %add3A_19 {offsets = [0, 16], sizes = [1000, 1], strides = [1, 1]} : vector<1000x32xf32> to vector<1000x1xf32>
    %eq3A = arith.constant 0.000000e+00 : f32
    %eq3A_21 = vector.broadcast %eq3A : f32 to vector<1000x1xf32>
    %eq3A_22 = arith.cmpf oeq, %slice3A_20, %eq3A_21 : vector<1000x1xf32>
    %jit3A = arith.constant 9.99999996E-13 : f32
    %broadcast_in_dim3A = vector.broadcast %jit3A : f32 to vector<1000x1xf32>
    %select_n3A = arith.select %eq3A_22, %broadcast_in_dim3A, %slice3A_20 : vector<1000x1xi1>, vector<1000x1xf32>
    %gt3A = arith.constant 0.000000e+00 : f32
    %gt3A_23 = vector.broadcast %gt3A : f32 to vector<1000x1xf32>
    %gt3A_24 = arith.cmpf ogt, %slice3A_20, %gt3A_23 : vector<1000x1xf32>
    %jit3A_25 = arith.constant 1.000000e+00 : f32
    %jit3A_26 = arith.constant 0.000000e+00 : f32
    %broadcast_in_dim3A_27 = vector.broadcast %jit3A_25 : f32 to vector<1000x1xf32>
    %broadcast_in_dim3A_28 = vector.broadcast %jit3A_26 : f32 to vector<1000x1xf32>
    %select_n3A_29 = arith.select %gt3A_24, %broadcast_in_dim3A_27, %broadcast_in_dim3A_28 : vector<1000x1xi1>, vector<1000x1xf32>
    %get3A_30 = arith.constant 0 : index
    %get3A_31 = arith.constant 0 : index
    %get3A_32 = vector.load %arg3[%get3A_30, %get3A_31] : memref<1000x128xf32, #tpu.memory_space<vmem>>, vector<1000x128xf32>
    %mul3A = vector.broadcast %select_n3A_29 : vector<1000x1xf32> to vector<1000x128xf32>
    %mul3A_33 = arith.mulf %get3A_32, %mul3A : vector<1000x128xf32>
    %get3A_34 = arith.constant 0 : index
    %get3A_35 = arith.constant 0 : index
    %get3A_36 = vector.load %arg4[%get3A_34, %get3A_35] : memref<16x128xf32, #tpu.memory_space<vmem>>, vector<16x128xf32>
    %dot_general3A = arith.constant dense<0.000000e+00> : vector<1000x128xf32>
    %dot_general3A_37 = tpu.matmul %slice3A, %get3A_36, %dot_general3A {dimension_numbers = #tpu.dot_dimension_numbers<[1], [0], [0], [1], [0, 0, 1, 1], [], []>, transpose_lhs_hint = false} : vector<1000x16xf32>, vector<16x128xf32>, vector<1000x128xf32> -> vector<1000x128xf32>
    %add3A_38 = arith.addf %add3A, %dot_general3A_37 : vector<1000x128xf32>
    %div3A = vector.broadcast %select_n3A : vector<1000x1xf32> to vector<1000x128xf32>
    %div3A_39 = arith.divf %add3A_38, %div3A : vector<1000x128xf32>
    %add3A_40 = arith.addf %mul3A_33, %div3A_39 : vector<1000x128xf32>
    %gt3A_41 = arith.constant 0.000000e+00 : f32
    %gt3A_42 = vector.broadcast %gt3A_41 : f32 to vector<1000x128xf32>
    %gt3A_43 = arith.cmpf ogt, %add3A_40, %gt3A_42 : vector<1000x128xf32>
    %exp3A = math.exp %add3A_40 : vector<1000x128xf32>
    %sub3A = arith.constant 1.000000e+00 : f32
    %sub3A_44 = vector.broadcast %sub3A : f32 to vector<1000x128xf32>
    %sub3A_45 = arith.subf %exp3A, %sub3A_44 : vector<1000x128xf32>
    %select_n3A_46 = arith.select %gt3A_43, %add3A_40, %sub3A_45 : vector<1000x128xi1>, vector<1000x128xf32>
    %swap3A = arith.constant 0 : index
    %swap3A_47 = arith.constant 0 : index
    %swap3A_48 = vector.load %arg5[%swap3A, %swap3A_47] : memref<1000x128xf32, #tpu.memory_space<vmem>>, vector<1000x128xf32>
    tpu.vector_store %arg5[%swap3A, %swap3A_47], %select_n3A_46 {strides = array<i32>} : memref<1000x128xf32, #tpu.memory_space<vmem>>, vector<1000x128xf32>,
    return
  }
  func.func @transform_0(%arg0: i32) -> (i32, i32, i32) {
    %c0_i32 = arith.constant 0 : i32
    %c0_i32_0 = arith.constant 0 : i32
    %c0_i32_1 = arith.constant 0 : i32
    return %c0_i32, %arg0, %c0_i32_0 : i32, i32, i32
  }
  func.func @transform_1(%arg0: i32) -> (i32, i32, i32) {
    %c0_i32 = arith.constant 0 : i32
    %c0_i32_0 = arith.constant 0 : i32
    %c0_i32_1 = arith.constant 0 : i32
    return %c0_i32, %arg0, %c0_i32_0 : i32, i32, i32
  }
  func.func @transform_2(%arg0: i32) -> (i32, i32) {
    %c0_i32 = arith.constant 0 : i32
    %c0_i32_0 = arith.constant 0 : i32
    return %arg0, %c0_i32 : i32, i32
  }
  func.func @transform_3(%arg0: i32) -> (i32, i32) {
    %c0_i32 = arith.constant 0 : i32
    %c0_i32_0 = arith.constant 0 : i32
    %c0_i32_1 = arith.constant 0 : i32
    return %c0_i32, %c0_i32_0 : i32, i32
  }
  func.func @transform_4(%arg0: i32) -> (i32, i32) {
    %c0_i32 = arith.constant 0 : i32
    %c0_i32_0 = arith.constant 0 : i32
    return %arg0, %c0_i32 : i32, i32
  }
}

</mosaic_0001>

<sc_bundles>
// kernel: kernel.5.cloned.1.call-start
scs
__scs_entry_jumppad:
0x0: {  	(pc) =	sbr.rel $0x88, $3  }
0x1: {  	(tag) =	ssettag $0x0;
	lr =	simm.s32 $0x1  }
0x2: {  	[smem:$0x3F9C] =	sst lr;
	_ =	strace $0xD0000000  }
0x3: {  	_ = 	snop  }
0x4: {  	_ = 	snop  }
0x5: {  	_ = 	snop  }
0x6: {  	_ = 	snop  }
0x7: {  	_ = 	snop  }
__scs_overlays_trampoline_lowered:
0x8: {  	[smem:$0x3FAB] =	sst s0  }
0x9: {  	[smem:$0x3FAC] =	sst s1  }
0xa: {  	[smem:$0x3FAD] =	sst s2  }
0xb: {  	[smem:$0x3FAE] =	sst s3  }
0xc: {  	[smem:$0x3FAF] =	sst s4  }
0xd: {  	[smem:$0x3FB0] =	sst s5  }
0xe: {  	[smem:$0x3FB1] =	sst s6  }
0xf: {  	[smem:$0x3FB2] =	sst s7  }
0x10: {  	[smem:$0x3FB3] =	sst s8  }
0x11: {  	[smem:$0x3FB4] =	sst s9;
	s0 =	simm.s32 @!p0 $0x0  }
0x12: {  	s1 =	sld [smem:$0x3F9A];
	s0 =	simm.s32 @p0 $0x1  }
0x13: {  	[smem:$0x3FB5] =	sst s0;
	s0 =	simm.s32 @!p1 $0x0  }
0x14: {  	s2 =	sld [smem:$0x3F99];
	s0 =	simm.s32 @p1 $0x1  }
0x15: {  	[smem:$0x3FB6] =	sst s0;
	s0 =	simm.s32 @!p2 $0x0  }
0x16: {  	s3 =	sld [smem:$0x3FDB];
	s0 =	simm.s32 @p2 $0x1  }
0x17: {  	s4 =	simm.s32 $0x1BF5;
	[smem:$0x3FB8] =	sst s0  }
0x18: {  	s0 =	sld [smem:$0x3F9B];
	_ =	swait.ge [sflag:s4], $0x0  }
0x19: {  	s7 =	sld [smem:$0x3F9C]  }
0x1a: {  	s8 =	sadd.s32 $0xFFFFE003, lr  }
0x1b: {  	s9 =	sadd.s32 $0xFFFFFEF7, lr;
	s5 =	simm.s32 $0xFFFFFFFF;
	p2 =	slt.u32 s8, $0xFFFFF086  }
0x1c: {  	p1 =	slt.u32 s9, $0xF7A;
	s5 =	simm.s32 @!p2 $0x0  }
0x1d: {  	s5 =	simm.s32 @p1 $0x1;
	p0 =	seq.s32 s7, s2  }
0x1e: {  	s7 =	smul.u32 @!p0 $0xF7A, s2;
	p2 =	seq.s32 @!p0 s5, $0x0  }
0x1f: {  	s9 =	smul.u32 $0xF7A, s1;
	s8 =	simm.s32 @!p0 $0x1BF5;
	p2 =	por !p2, p0  }
0x20: {  	[sflag:s8] =	ssyncset.s32 @!p0 $0xFFFFF086;
	s6 =	sadd.s32 @!p0 s3, s7;
	s7 =	simm.s32 @!p0 $0x108  }
0x21: {  	s3 =	sadd.s32 s3, s9;
	s6 =	sadd.s32 @!p0 $0x88, s6;
	s7 =	simm.s32 @p2 $0x1082  }
0x22: {  	[simem:s7], [sflag:s8] =	dma.local @!p0 [hbm:s6], $0xF7A  }
0x23: {  	s9 =	sor.u32 $0xD0000000, s2;
	s6 =	simm.s32 $0x108;
	_ =	swait.ge @!p0 [sflag:s8], $0x0  }
0x24: {  	s3 =	sadd.s32 $0x88, s3;
	s6 =	simm.s32 @!p1 $0x1082;
	[sflag:s4] =	ssyncset.s32 $0xFFFFF086  }
0x25: {  	[simem:s6], [sflag:s4] =	dma.local [hbm:s3], $0xF7A  }
0x26: {  	[smem:$0x3F9C] =	sst s1;
	(tag) =	ssettag s2;
	_ =	strace s9  }
0x27: {  	s1 =	sld [smem:$0x3FAC]  }
0x28: {  	s2 =	sld [smem:$0x3FAD]  }
0x29: {  	s4 =	sld [smem:$0x3FAF]  }
0x2a: {  	p0 =	seq.s32 s5, $0x0;
	s5 =	sld [smem:$0x3FB0]  }
0x2b: {  	s6 =	sld [smem:$0x3FB1]  }
0x2c: {  	s7 =	sld [smem:$0x3FB2]  }
0x2d: {  	s3 =	simm.s32 $0x108;
	s8 =	sld [smem:$0x3FB3]  }
0x2e: {  	s3 =	simm.s32 @!p0 $0x1082;
	s9 =	sld [smem:$0x3FB4]  }
0x2f: {  	lr =	sadd.s32 s0, s3;
	s0 =	sld [smem:$0x3FAB]  }
0x30: {  	s3 =	sld [smem:$0x3FAE]  }
0x31: {  	[smem:$0x3FB7] =	sst s10  }
0x32: {  	s10 =	sld [smem:$0x3FB5];
	_ =	sdelay $0x3  }
0x33: {  	p0 =	seq.s32 s10, $0x1;
	s10 =	sld [smem:$0x3FB7];
	_ =	sdelay $0x3  }
0x34: {  	[smem:$0x3FB7] =	sst s10  }
0x35: {  	s10 =	sld [smem:$0x3FB6];
	_ =	sdelay $0x3  }
0x36: {  	p1 =	seq.s32 s10, $0x1;
	s10 =	sld [smem:$0x3FB7];
	_ =	sdelay $0x3  }
0x37: {  	[smem:$0x3FB7] =	sst s10  }
0x38: {  	s10 =	sld [smem:$0x3FB8]  }
0x39: {  	_ = 	snop;
	(pc) =	sbr.ind lr, $3  }
0x3a: {  	_ = 	snop  }
0x3b: {  	_ = 	snop  }
0x3c: {  	p2 =	seq.s32 s10, $0x1;
	s10 =	sld [smem:$0x3FB7]  }
0x3d: {  	_ =	shalt  }
0x3e: {  	_ =	shalt  }
0x3f: {  	_ =	shalt  }
0x40: {  	_ =	shalt  }
0x41: {  	_ =	shalt  }
0x42: {  	_ =	shalt  }
0x43: {  	_ =	shalt  }
0x44: {  	_ =	shalt  }
0x45: {  	_ =	shalt  }
0x46: {  	_ =	shalt  }
0x47: {  	_ =	shalt  }
0x48: {  	_ =	shalt  }
0x49: {  	_ =	shalt  }
0x4a: {  	_ =	shalt  }
0x4b: {  	_ =	shalt  }
0x4c: {  	_ =	shalt  }
0x4d: {  	_ =	shalt  }
0x4e: {  	_ =	shalt  }
0x4f: {  	_ =	shalt  }
0x50: {  	_ =	shalt  }
0x51: {  	_ =	shalt  }
0x52: {  	_ =	shalt  }
0x53: {  	_ =	shalt  }
0x54: {  	_ =	shalt  }
0x55: {  	_ =	shalt  }
0x56: {  	_ =	shalt  }
0x57: {  	_ =	shalt  }
0x58: {  	_ =	shalt  }
0x59: {  	_ =	shalt  }
0x5a: {  	_ =	shalt  }
0x5b: {  	_ =	shalt  }
0x5c: {  	_ =	shalt  }
0x5d: {  	_ =	shalt  }
0x5e: {  	_ =	shalt  }
0x5f: {  	_ =	shalt  }
0x60: {  	_ =	shalt  }
0x61: {  	_ =	shalt  }
0x62: {  	_ =	shalt  }
0x63: {  	_ =	shalt  }
0x64: {  	_ =	shalt  }
0x65: {  	_ =	shalt  }
0x66: {  	_ =	shalt  }
0x67: {  	_ =	shalt  }
0x68: {  	_ =	shalt  }
0x69: {  	_ =	shalt  }
0x6a: {  	_ =	shalt  }
0x6b: {  	_ =	shalt  }
0x6c: {  	_ =	shalt  }
0x6d: {  	_ =	shalt  }
0x6e: {  	_ =	shalt  }
0x6f: {  	_ =	shalt  }
0x70: {  	_ =	shalt  }
0x71: {  	_ =	shalt  }
0x72: {  	_ =	shalt  }
0x73: {  	_ =	shalt  }
0x74: {  	_ =	shalt  }
0x75: {  	_ =	shalt  }
0x76: {  	_ =	shalt  }
0x77: {  	_ =	shalt  }
0x78: {  	_ =	shalt  }
0x79: {  	_ =	shalt  }
0x7a: {  	_ =	shalt  }
0x7b: {  	_ =	shalt  }
0x7c: {  	_ =	shalt  }
0x7d: {  	_ =	shalt  }
0x7e: {  	_ =	shalt  }
0x7f: {  	_ =	shalt  }
0x80: {  	_ =	shalt  }
0x81: {  	_ =	shalt  }
0x82: {  	_ =	shalt  }
0x83: {  	_ =	shalt  }
0x84: {  	_ =	shalt  }
0x85: {  	_ =	shalt  }
0x86: {  	_ =	shalt  }
0x87: {  	_ =	shalt  }
.Lfunc_end0:
.L_simem_size_0:
called_computation_lowered:
.L_overlay_start_0:
0x88: {  	s2 =	sld [smem:$0x3FD9]  }
0x89: {  	s3 =	sld [smem:$0x3FFE];
	_ =	sdelay $0x1  }
0x8a: {  	s1 =	srdreg.scid  }
0x8b: {  	s0 =	sand.u32 $0x1, s1  }
0x8c: {  	s17 =	sshll.u32 s0, $0xA;
	s2 =	sadd.s32 s3, s2  }
0x8d: {  	s2 =	sadd.s32 s2, s17  }
0x8e: {  	[smem:$0x3FC3] =	sst s2  }
0x8f: {  	_ = 	snop  }
0x90: {  	s2 =	sld [smem:$0x3FD0];
	(tm) =	ssettm $0x1  }
0x91: {  	s18 =	sld [smem:$0x3FFB];
	_ =	sdelay $0x3  }
0x92: {  	_ =	strace s18  }
0x93: {  	s3 =	sld [smem:$0x3FFC];
	_ =	sdelay $0x3  }
0x94: {  	_ =	strace s3  }
0x95: {  	s3 =	sld [smem:$0x3FFD];
	_ =	sdelay $0x3  }
0x96: {  	_ =	strace s3  }
0x97: {  	_ =	strace $0x8FFFFFFF  }
0x98: {  	s19 =	sld [smem:$0x3FDB];
	_ =	sdelay $0x1  }
0x99: {  	s4 =	simm.s32 $_scs_section_size  }
0x9a: {  	s5 =	simm.s32 $_size__tile_overlayer_lowered;
	s6 =	simm.s32 $_tile_overlayer_lowered  }
0x9b: {  	s22 =	simm.s32 $0x1BFF;
	s21 =	sshll.u32 s6, $0x1;
	s3 =	sadd.s32 s4, s19  }
0x9c: {  	s7 =	simm.s32 $0x0;
	s20 =	sshll.u32 s5, $0x1;
	s5 =	sadd.s32 s21, s3  }
0x9d: {  	[timem:s7], [sflag:s22] =	dma.local [hbm:s5], s20  }
0x9e: {  	_ =	swait.ge [sflag:s22], s20  }
0x9f: {  	s4 =	ssub.s32 $0x0, s20;
	[sflag:s22] =	ssyncset.done $0x0  }
0xa0: {  	[sflag:s22] =	ssyncadd.s32 s4;
	_ =	sdelay $0x1  }
0xa1: {  	s23 =	simm.s32 $0x1B8B  }
0xa2: {  	_ =	swait.ge [sflag:s23], $0x1  }
0xa3: {  	[sflag:s23] =	ssyncset.done $0x0  }
0xa4: {  	s25 =	simm.s32 $0x1B8E;
	s24 =	sld [smem:$0x3FFE];
	[sflag:s23] =	ssyncadd.s32 $0xFFFFFFFF  }
0xa5: {  	s26 =	simm.s32 $execute0_lowered;
	[smem:$0x3FD2] =	sst s25  }
0xa6: {  	s5 =	sshll.u32 s26, $0x1;
	_ =	strace $0x80000046;
	[dreg:$0x1] =	wrdreg $0xFFFFFFFF  }
0xa7: {  	s28 =	simm.s32 $_size_execute0_lowered;
	s3 =	sadd.s32 s3, s5;
	[dreg:$0x0] =	wrdreg $0x0  }
0xa8: {  	s5 =	sshll.u32 s28, $0x1;
	[dreg:$0x2] =	wrdreg s3  }
0xa9: {  	[dreg:$0x3] =	wrdreg s5  }
0xaa: {  	[dreg:$0x4] =	wrdreg $0xC0  }
0xab: {  	_ =	task [dreg:s7], $0x5FFFF  }
0xac: {  	[dreg:$0x1] =	wrdreg $0xFFFFFFFF  }
0xad: {  	[dreg:$0x0] =	wrdreg $0x60  }
0xae: {  	[dreg:$0x2] =	wrdreg s24  }
0xaf: {  	[dreg:$0x3] =	wrdreg s2  }
0xb0: {  	[dreg:$0x4] =	wrdreg $0x77100  }
0xb1: {  	[dreg:$0x5] =	wrdreg $0x1AF900  }
0xb2: {  	[dreg:$0x6] =	wrdreg $0x9  }
0xb3: {  	_ =	task.clear_ibuf [dreg:s7], $0x7FFFF;
	_ =	strace $0x90000046  }
0xb4: {  	s29 =	simm.s32 $0x9;
	_ =	strace $0x80000048  }
0xb5: {  	_ =	swait.ge [sflag:s29], $0x1  }
0xb6: {  	[sflag:s29] =	ssyncadd.s32 $0xFFFFFFFF  }
0xb7: {  	_ =	strace $0x90000048  }
0xb8: {  	_ =	sfence  }
0xb9: {  	s30 =	sld [smem:$0x0];
	_ =	sdelay $0x2  }
0xba: {  	s31 =	sshll.u32 s1, $0xD;
	s1 =	sshrl.u32 s1, $0x2  }
0xbb: {  	s3 =	sand.u32 $0x4000, s31;
	s1 =	sadd.s32 s1, s30  }
0xbc: {  	s0 =	sor.u32 s3, s0;
	s1 =	sshll.u32 s1, $0x11  }
0xbd: {  	s0 =	sor.u32 s1, s0  }
0xbe: {  	s0 =	sadd.s32 $0x8F2B, s0  }
0xbf: {  	[sflag:s0] =	ssyncadd.remote.s32 $0x1  }
0xc0: {  	_ =	sfence.sel $0xFFFF  }
0xc1: {  	[dreg:$0x0] =	wrdreg $0xFFFFFFFF;
	(pc) =	sbr.abs _section_cstart, $3  }
0xc2: {  	[dreg:$0x1] =	wrdreg $0xFFFFFFFF  }
0xc3: {  	_ =	task.clear_ibuf [dreg:s7], $0x2FFFF;
	_ =	strace $0x9FFFFFFF  }
0xc4: {  	(tm) =	ssettm $0x7FFFFFFF  }
0xc5: {  	_ =	shalt  }
tec
execute0_lowered:
.L_overlay_start_1:
0x0: {  	(tag) =	ssettag $0x1  }
0x1: {  	s0 =	srdreg.scid;
	s4 =	stileid.u32  }
0x2: {  	s22 =	stileid.u32;
	s9 =	smul.u32 $0x270, s4  }
0x3: {  	s1 =	rddreg [dreg:$0x0];
	s2 =	sand.u32 $0x1, s0;
	s29 =	smul.u32 $0x4E00, s22  }
0x4: {  	s11 =	sadd.s32 $0xC4800, s1;
	s18 =	smul.u32 $0x138800, s2  }
0x5: {  	s28 =	sadd.s32 $0xB0200, s1;
	s0 =	ssub.s32 $0x2, s2;
	s22 =	smul.u32 $0x4E200, s2  }
0x6: {  	s2 =	sshll.u32 s2, $0x4;
	s3 =	sshrl.u32 s0, $0x1;
	s13 =	sadd.s32 $0x50, s9  }
0x7: {  	s14 =	sadd.s32 $0xA0, s9;
	s15 =	sadd.s32 $0xF0, s9;
	s16 =	sadd.s32 $0x140, s9  }
0x8: {  	s17 =	sadd.s32 $0x190, s9;
	s19 =	sadd.s32 $0x1E0, s9;
	s21 =	sadd.s32 $0x230, s9  }
0x9: {  	s0 =	ssub.s32 s0, s3;
	s3 =	smul.u32 $0x13800, s4;
	s8 =	sshll.u32 s13, $0x7  }
0xa: {  	s6 =	sshll.u32 s14, $0x7;
	s4 =	sshll.u32 s15, $0x7;
	s10 =	sshll.u32 s16, $0x7  }
0xb: {  	s7 =	sshll.u32 s17, $0x7;
	s5 =	sshll.u32 s19, $0x7;
	s13 =	sshll.u32 s13, $0x5  }
0xc: {  	s14 =	sshll.u32 s14, $0x5;
	s30 =	sshll.u32 s15, $0x5;
	s16 =	sshll.u32 s16, $0x5  }
0xd: {  	s17 =	sshll.u32 s17, $0x5;
	s19 =	sshll.u32 s19, $0x5;
	[smem:$0x7F7] =	sst s0  }
0xe: {  	s20 =	sadd.s32 s18, s8;
	s25 =	sadd.s32 s18, s6;
	s26 =	sadd.s32 s18, s4  }
0xf: {  	s0 =	sadd.s32 s18, s10;
	s12 =	sadd.s32 s3, s18;
	s23 =	sshrl.u32 s20, $0x3  }
0x10: {  	s20 =	sshrl.u32 s0, $0x3;
	s12 =	sshrl.u32 s12, $0x3;
	s24 =	sadd.s32 s11, s23  }
0x11: {  	s23 =	sadd.s32 s11, s20;
	s20 =	sadd.s32 s22, s30;
	[dreg:$0x6] =	wrdreg s24  }
0x12: {  	s9 =	sadd.s32 s11, s12;
	s12 =	sshrl.u32 s26, $0x3;
	[dreg:$0x9] =	wrdreg s23  }
0x13: {  	[dreg:$0x5] =	wrdreg s9;
	s9 =	sshrl.u32 s25, $0x3;
	s25 =	sadd.s32 s18, s5  }
0x14: {  	s24 =	sadd.s32 s18, s7;
	s9 =	sadd.s32 s11, s9;
	s26 =	sshrl.u32 s25, $0x3  }
0x15: {  	s25 =	sadd.s32 s22, s13;
	[dreg:$0x7] =	wrdreg s9;
	s9 =	sadd.s32 s11, s12  }
0x16: {  	s12 =	sshll.u32 s21, $0x7;
	s21 =	sshll.u32 s21, $0x5;
	[dreg:$0x8] =	wrdreg s9  }
0x17: {  	s9 =	sshrl.u32 s24, $0x3;
	s0 =	sadd.s32 s18, s12;
	s18 =	sshrl.u32 s18, $0x3  }
0x18: {  	s24 =	sadd.s32 s29, s22;
	s9 =	sadd.s32 s11, s9;
	s23 =	sshrl.u32 s0, $0x3  }
0x19: {  	s0 =	stileid.u32;
	[dreg:$0xa] =	wrdreg s9;
	s9 =	sadd.s32 s11, s26  }
0x1a: {  	s15 =	sshrl.u32 s24, $0x3;
	[dreg:$0xb] =	wrdreg s9;
	s9 =	sadd.s32 s11, s23  }
0x1b: {  	s11 =	sadd.s32 s11, s18;
	s18 =	sshrl.u32 s25, $0x3;
	s23 =	sadd.s32 $0xB0E00, s1  }
0x1c: {  	[dreg:$0xc] =	wrdreg s9;
	s9 =	simm.s32 $0x0;
	s15 =	sadd.s32 s23, s15  }
0x1d: {  	s26 =	sadd.s32 s23, s18;
	s18 =	sadd.s32 s22, s14;
	[smem:$0x7FF] =	sst s9  }
0x1e: {  	s24 =	sadd.s32 s22, s16;
	[dreg:$0xd] =	wrdreg s15;
	s15 =	sshrl.u32 s18, $0x3  }
0x1f: {  	[dreg:$0xe] =	wrdreg s26;
	s26 =	sshrl.u32 s24, $0x3;
	s15 =	sadd.s32 s23, s15  }
0x20: {  	s25 =	sshrl.u32 s20, $0x3;
	s20 =	sadd.s32 s23, s26;
	[dreg:$0xf] =	wrdreg s15  }
0x21: {  	s24 =	sadd.s32 s22, s17;
	s15 =	sadd.s32 s23, s25;
	[dreg:$0x11] =	wrdreg s20  }
0x22: {  	s26 =	sadd.s32 s22, s19;
	s25 =	sshrl.u32 s24, $0x3;
	[dreg:$0x10] =	wrdreg s15  }
0x23: {  	s20 =	sshrl.u32 s26, $0x3;
	s15 =	rddreg [dreg:$0x1];
	s18 =	sadd.s32 s23, s25  }
0x24: {  	s24 =	sadd.s32 s22, s21;
	s22 =	sshrl.u32 s22, $0x3;
	[dreg:$0x12] =	wrdreg s18  }
0x25: {  	s26 =	sadd.s32 $0xB0800, s1;
	s20 =	sadd.s32 s23, s20;
	s18 =	rddreg [dreg:$0x2]  }
0x26: {  	s24 =	sshrl.u32 s24, $0x3;
	s31 =	sadd.s32 s23, s22;
	[dreg:$0x13] =	wrdreg s20  }
0x27: {  	s22 =	sadd.s32 $0xA000, s1;
	s20 =	rddreg [dreg:$0x3];
	s24 =	sadd.s32 s23, s24  }
0x28: {  	s25 =	sadd.s32 $0x13E00, s1;
	s23 =	sadd.s32 $0x200, s1;
	[dreg:$0x14] =	wrdreg s24  }
0x29: {  	s24 =	sadd.s32 $0x4E2200, s1;
	s1 =	sor.u32 s0, s2;
	s3 =	sadd.s32 s3, s18  }
0x2a: {  	s0 =	sadd.s32 s29, s20;
	_ =	strace $0x80000047;
	[dreg:$0x15] =	wrdreg s3  }
0x2b: {  	s13 =	sadd.s32 s13, s20;
	[dreg:$0x16] =	wrdreg s0  }
0x2c: {  	s6 =	sadd.s32 s6, s18;
	[dreg:$0x18] =	wrdreg s13  }
0x2d: {  	s10 =	sadd.s32 s10, s18;
	[dreg:$0x19] =	wrdreg s6  }
0x2e: {  	s16 =	sadd.s32 s16, s20;
	[dreg:$0x1d] =	wrdreg s10  }
0x2f: {  	s7 =	sadd.s32 s7, s18;
	[dreg:$0x1e] =	wrdreg s16  }
0x30: {  	s19 =	sadd.s32 s19, s20;
	[dreg:$0x1f] =	wrdreg s7  }
0x31: {  	s12 =	sadd.s32 s12, s18;
	[smem:$0x7FA] =	sst s19  }
0x32: {  	s21 =	sadd.s32 s21, s20;
	[smem:$0x7FB] =	sst s12  }
0x33: {  	s3 =	sadd.s32 s8, s18;
	[smem:$0x7FC] =	sst s21  }
0x34: {  	s8 =	sadd.s32 s14, s20;
	[dreg:$0x17] =	wrdreg s3  }
0x35: {  	s14 =	sadd.s32 s4, s18;
	[dreg:$0x1a] =	wrdreg s8  }
0x36: {  	s0 =	sadd.s32 s30, s20;
	[dreg:$0x1b] =	wrdreg s14  }
0x37: {  	s4 =	sadd.s32 s5, s18;
	[dreg:$0x1c] =	wrdreg s0  }
0x38: {  	s3 =	sadd.s32 s17, s20;
	s8 =	smul.u32 $0x2710, s1;
	[smem:$0x7EE] =	sst s4  }
0x39: {  	s1 =	smul.u32 $0x4E20, s1;
	s4 =	sadd.s32 $0x27000, s11;
	s11 =	sld [smem:$0x7F7]  }
0x3a: {  	[smem:$0x7ED] =	sst s3  }
0x3b: {  	[smem:$0x7F5] =	sst s4;
	s3 =	sadd.s32 s24, s1  }
0x3c: {  	s5 =	sshrl.u32 s8, $0x3;
	s1 =	sadd.s32 s25, s1;
	[smem:$0x7F3] =	sst s3  }
0x3d: {  	s29 =	simm.s32 $0x6310;
	s14 =	sadd.s32 s22, s5;
	[smem:$0x7F4] =	sst s1  }
0x3e: {  	s30 =	simm.s32 $0x50;
	s17 =	sadd.s32 s23, s5;
	[smem:$0x7EF] =	sst s14  }
0x3f: {  	s2 =	sadd.s32 $0xA, s5;
	s5 =	sadd.s32 $0x9C00, s31;
	[smem:$0x7F0] =	sst s17  }
0x40: {  	s31 =	sadd.s32 $0x138000, s18;
	s1 =	simm.s32 $0x3;
	[smem:$0x7F6] =	sst s5  }
0x41: {  	v2 =	vlaneseq.u32;
	s0 =	sadd.s32 s22, s2;
	s2 =	sadd.s32 s23, s2;
	[smem:$0x7FD] =	sst s31  }
0x42: {  	v7 =	vmul.u32 $0x20, v2;
	s14 =	stileid.u32;
	s17 =	sadd.s32 $0x4E000, s20;
	[smem:$0x7F1] =	sst s0  }
0x43: {  	v0 =	vimm.f32 $0.0e+00;
	v1 =	vshrl.u32 v2, $0x3;
	v2 =	vand.u32 $0x7, v2;
	[smem:$0x7F2] =	sst s2;
	s0 =	smax.u32 s11, $0x1;
	p0 =	sne.s32 s14, $0xF  }
0x44: {  	v1 =	vmul.u32 $0x40, v1;
	v3 =	vor.u32 $0x10, v7;
	v4 =	vor.u32 $0x210, v7;
	[smem:$0x7F9] =	sst s17;
	s14 =	simm.s32 $0x5;
	s17 =	simm.s32 $0x280  }
0x45: {  	v5 =	vor.u32 $0x410, v7;
	v6 =	vor.u32 $0x610, v7;
	v7 =	vor.u32 $0x810, v7;
	s2 =	simm.s32 $0x12C0;
	[smem:$0x7F8] =	sst s0;
	s0 =	simm.s32 $0x2  }
.LBB2_1:
0x46: {  	s3 =	simm.s32 $0x1350  }
0x47: {  	[tilespmem:s3+$0xFFFFFFF0] =	vst v0  }
0x48: {  	[tilespmem:s3+$0x0] =	vst v0  }
0x49: {  	[tilespmem:s3+$0x20] =	vst v0  }
0x4a: {  	[tilespmem:s3+$0x30] =	vst v0  }
0x4b: {  	[tilespmem:s3+$0xFFFFFFC0] =	vst v0  }
0x4c: {  	[tilespmem:s3+$0xFFFFFFD0] =	vst v0  }
0x4d: {  	[tilespmem:s3+$0xFFFFFFE0] =	vst v0  }
0x4e: {  	s5 =	simm.s32 $0x10;
	s4 =	simm.s32 $0xC0;
	[tilespmem:s3+$0x10] =	vst v0  }
.LBB2_2:
0x4f: {  	p1 =	sne.s32 s4, $0x27C0;
	[tilespmem:s5+$0x6D10] =	vst v0  }
0x50: {  	[tilespmem:s5+$0x6300] =	vst v0  }
0x51: {  	[tilespmem:s5+$0x6D00] =	vst v0  }
0x52: {  	s3 =	sadd.s32 $0x80, s3;
	[tilespmem:s5+$0x6310] =	vst v0  }
0x53: {  	[tilespmem:s3+$0xFFFFFFF0] =	vst v0  }
0x54: {  	[tilespmem:s3+$0x0] =	vst v0  }
0x55: {  	[tilespmem:s3+$0x20] =	vst v0  }
.Ltmp0:
0x56: {  	[tilespmem:s3+$0x30] =	vst v0;
	(pc) =	sbr.rel @p1 .LBB2_2-.Ltmp0, $4  }
0x57: {  	[tilespmem:s3+$0xFFFFFFC0] =	vst v0  }
0x58: {  	[tilespmem:s3+$0xFFFFFFD0] =	vst v0  }
0x59: {  	[tilespmem:s3+$0xFFFFFFE0] =	vst v0  }
0x5a: {  	s5 =	sshra.s32 s4, $0x2;
	s4 =	sadd.s32 $0x80, s4;
	[tilespmem:s3+$0x10] =	vst v0  }
0x5b: {  	[tilespmem:s5+$0x6D10] =	vst v0  }
0x5c: {  	[tilespmem:s5+$0x6300] =	vst v0  }
0x5d: {  	[tilespmem:s5+$0x6D00] =	vst v0  }
0x5e: {  	[tilespmem:s5+$0x6310] =	vst v0;
	s3 =	rddreg [dreg:$0x15];
	s11 =	simm.s32 $0x1310  }
0x5f: {  	[spmem:s3] =	stream.linear.scatter [tilespmem:s11], [sflag:$0x5], $0x2800, $0x38;
	[tilespmem:$0x1FDB0] =	vst v63  }
0x60: {  	_ =	swait.ge [sflag:s14], $0x2800  }
0x61: {  	[sflag:s14] =	ssyncset.done $0x0  }
0x62: {  	s4 =	rddreg [dreg:$0x16];
	[sflag:s14] =	ssyncadd.s32 $0xFFFFD800  }
0x63: {  	[spmem:s4] =	stream.linear.scatter [tilespmem:s29], [sflag:$0x5], $0xA00, $0x38;
	[tilespmem:$0x1FDB0] =	vst v63  }
0x64: {  	_ =	swait.ge [sflag:s14], $0xA00  }
0x65: {  	[sflag:s14] =	ssyncset.done $0x0  }
0x66: {  	s5 =	rddreg [dreg:$0x17];
	[sflag:s14] =	ssyncadd.s32 $0xFFFFF600  }
0x67: {  	[spmem:s5] =	stream.linear.scatter [tilespmem:s11], [sflag:$0x5], $0x2800, $0x38;
	[tilespmem:$0x1FDB0] =	vst v63  }
0x68: {  	_ =	swait.ge [sflag:s14], $0x2800  }
0x69: {  	[sflag:s14] =	ssyncset.done $0x0  }
0x6a: {  	[sflag:s14] =	ssyncadd.s32 $0xFFFFD800  }
0x6b: {  	[spmem:s13] =	stream.linear.scatter [tilespmem:s29], [sflag:$0x5], $0xA00, $0x38;
	[tilespmem:$0x1FDB0] =	vst v63  }
0x6c: {  	_ =	swait.ge [sflag:s14], $0xA00  }
0x6d: {  	[sflag:s14] =	ssyncset.done $0x0  }
0x6e: {  	[sflag:s14] =	ssyncadd.s32 $0xFFFFF600  }
0x6f: {  	[spmem:s6] =	stream.linear.scatter [tilespmem:s11], [sflag:$0x5], $0x2800, $0x38;
	[tilespmem:$0x1FDB0] =	vst v63  }
0x70: {  	_ =	swait.ge [sflag:s14], $0x2800  }
0x71: {  	[sflag:s14] =	ssyncset.done $0x0  }
0x72: {  	s4 =	rddreg [dreg:$0x1a];
	[sflag:s14] =	ssyncadd.s32 $0xFFFFD800  }
0x73: {  	[spmem:s4] =	stream.linear.scatter [tilespmem:s29], [sflag:$0x5], $0xA00, $0x38;
	[tilespmem:$0x1FDB0] =	vst v63  }
0x74: {  	_ =	swait.ge [sflag:s14], $0xA00  }
0x75: {  	[sflag:s14] =	ssyncset.done $0x0  }
0x76: {  	s5 =	rddreg [dreg:$0x1b];
	[sflag:s14] =	ssyncadd.s32 $0xFFFFF600  }
0x77: {  	[spmem:s5] =	stream.linear.scatter [tilespmem:s11], [sflag:$0x5], $0x2800, $0x38;
	[tilespmem:$0x1FDB0] =	vst v63  }
0x78: {  	_ =	swait.ge [sflag:s14], $0x2800  }
0x79: {  	[sflag:s14] =	ssyncset.done $0x0  }
0x7a: {  	s6 =	rddreg [dreg:$0x1c];
	[sflag:s14] =	ssyncadd.s32 $0xFFFFD800  }
0x7b: {  	[spmem:s6] =	stream.linear.scatter [tilespmem:s29], [sflag:$0x5], $0xA00, $0x38;
	[tilespmem:$0x1FDB0] =	vst v63  }
0x7c: {  	_ =	swait.ge [sflag:s14], $0xA00  }
0x7d: {  	[sflag:s14] =	ssyncset.done $0x0  }
0x7e: {  	[sflag:s14] =	ssyncadd.s32 $0xFFFFF600  }
0x7f: {  	[spmem:s10] =	stream.linear.scatter [tilespmem:s11], [sflag:$0x5], $0x2800, $0x38;
	[tilespmem:$0x1FDB0] =	vst v63  }
0x80: {  	_ =	swait.ge [sflag:s14], $0x2800  }
0x81: {  	[sflag:s14] =	ssyncset.done $0x0  }
0x82: {  	[sflag:s14] =	ssyncadd.s32 $0xFFFFD800  }
0x83: {  	[spmem:s16] =	stream.linear.scatter [tilespmem:s29], [sflag:$0x5], $0xA00, $0x38;
	[tilespmem:$0x1FDB0] =	vst v63  }
0x84: {  	_ =	swait.ge [sflag:s14], $0xA00  }
0x85: {  	[sflag:s14] =	ssyncset.done $0x0  }
0x86: {  	[sflag:s14] =	ssyncadd.s32 $0xFFFFF600  }
0x87: {  	[spmem:s7] =	stream.linear.scatter [tilespmem:s11], [sflag:$0x5], $0x2800, $0x38;
	[tilespmem:$0x1FDB0] =	vst v63  }
0x88: {  	_ =	swait.ge [sflag:s14], $0x2800  }
0x89: {  	s7 =	sld [smem:$0x7ED]  }
0x8a: {  	[sflag:s14] =	ssyncset.done $0x0  }
0x8b: {  	[sflag:s14] =	ssyncadd.s32 $0xFFFFD800  }
0x8c: {  	[spmem:s7] =	stream.linear.scatter [tilespmem:s29], [sflag:$0x5], $0xA00, $0x38;
	[tilespmem:$0x1FDB0] =	vst v63  }
0x8d: {  	_ =	swait.ge [sflag:s14], $0xA00  }
0x8e: {  	s10 =	sld [smem:$0x7EE]  }
0x8f: {  	[sflag:s14] =	ssyncset.done $0x0  }
0x90: {  	[sflag:s14] =	ssyncadd.s32 $0xFFFFF600  }
0x91: {  	[spmem:s10] =	stream.linear.scatter [tilespmem:s11], [sflag:$0x5], $0x2800, $0x38;
	[tilespmem:$0x1FDB0] =	vst v63  }
0x92: {  	_ =	swait.ge [sflag:s14], $0x2800  }
0x93: {  	[sflag:s14] =	ssyncset.done $0x0  }
0x94: {  	[sflag:s14] =	ssyncadd.s32 $0xFFFFD800  }
0x95: {  	[spmem:s19] =	stream.linear.scatter [tilespmem:s29], [sflag:$0x5], $0xA00, $0x38;
	[tilespmem:$0x1FDB0] =	vst v63  }
0x96: {  	_ =	swait.ge [sflag:s14], $0xA00  }
0x97: {  	[sflag:s14] =	ssyncset.done $0x0  }
0x98: {  	[sflag:s14] =	ssyncadd.s32 $0xFFFFF600  }
0x99: {  	[spmem:s12] =	stream.linear.scatter [tilespmem:s11], [sflag:$0x5], $0x2000, $0x38;
	[tilespmem:$0x1FDB0] =	vst v63  }
0x9a: {  	_ =	swait.ge [sflag:s14], $0x2000  }
0x9b: {  	[sflag:s14] =	ssyncset.done $0x0  }
0x9c: {  	[sflag:s14] =	ssyncadd.s32 $0xFFFFE000  }
0x9d: {  	[spmem:s21] =	stream.linear.scatter [tilespmem:s29], [sflag:$0x5], $0x800, $0x38;
	[tilespmem:$0x1FDB0] =	vst v63  }
0x9e: {  	_ =	swait.ge [sflag:s14], $0x800  }
0x9f: {  	[sflag:s14] =	ssyncset.done $0x0  }
0xa0: {  	s3 =	simm.s32 @!p0 $0x1310;
	[sflag:s14] =	ssyncadd.s32 $0xFFFFF800  }
0xa1: {  	[spmem:s31] =	stream.linear.scatter @!p0 [tilespmem:s3], [sflag:$0x5], $0x800, $0x38;
	[tilespmem:$0x1FDB0] =	vst v63  }
0xa2: {  	s3 =	simm.s32 @!p0 $0x5  }
0xa3: {  	_ =	swait.ge @!p0 [sflag:s3], $0x800  }
0xa4: {  	s5 =	sld [smem:$0x7F9]  }
0xa5: {  	[sflag:s3] =	ssyncset.done @!p0 $0x0  }
0xa6: {  	s4 =	simm.s32 @!p0 $0x6310;
	[sflag:s3] =	ssyncadd.s32 @!p0 $0xFFFFF800  }
0xa7: {  	[spmem:s5] =	stream.linear.scatter @!p0 [tilespmem:s4], [sflag:$0x5], $0x200, $0x38;
	[tilespmem:$0x1FDB0] =	vst v63  }
0xa8: {  	_ =	swait.ge @!p0 [sflag:s3], $0x200  }
0xa9: {  	[sflag:s3] =	ssyncset.done @!p0 $0x0  }
0xaa: {  	[sflag:s3] =	ssyncadd.s32 @!p0 $0xFFFFFE00  }
0xab: {  	[bflag:$0x0] =	sbarrier.arrive $0xFFFF  }
0xac: {  	s13 =	sld [smem:$0x7EF];
	_ =	sdelay $0x1  }
0xad: {  	s4 =	simm.s32 $0x0;
	s16 =	sld [smem:$0x7F0]  }
0xae: {  	[tilespmem:s4], [sflag:$0x1] =	stream.linear.gather [hbm4b:s13+s4], $0x50, $0x38;
	[tilespmem:$0x1FDB0] =	vst v63  }
0xaf: {  	s5 =	simm.s32 $0x140;
	s19 =	sld [smem:$0x7F1]  }
0xb0: {  	[tilespmem:s5], [sflag:$0x1] =	stream.linear.gather [hbm4b:s16+s4], $0x50, $0x38;
	[tilespmem:$0x1FDB0] =	vst v63  }
0xb1: {  	s21 =	sld [smem:$0x7F2]  }
0xb2: {  	[tilespmem:s30], [sflag:$0x1] =	stream.linear.gather [hbm4b:s19+s4], $0x50, $0x38;
	[tilespmem:$0x1FDB0] =	vst v63  }
0xb3: {  	s7 =	simm.s32 $0x1;
	s31 =	simm.s32 $0x190  }
0xb4: {  	[tilespmem:s31], [sflag:$0x1] =	stream.linear.gather [hbm4b:s21+s4], $0x50, $0x38;
	[tilespmem:$0x1FDB0] =	vst v63  }
0xb5: {  	_ =	swait.ge [sflag:s7], $0x50  }
0xb6: {  	[sflag:s7] =	ssyncset.done $0x0  }
0xb7: {  	[sflag:s7] =	ssyncadd.s32 $0xFFFFFFB0  }
0xb8: {  	_ =	swait.ge [sflag:s7], $0x50  }
0xb9: {  	s10 =	sld [smem:$0x7F3]  }
0xba: {  	[sflag:s7] =	ssyncset.done $0x0  }
0xbb: {  	s12 =	simm.s32 $0x780;
	s13 =	sld [smem:$0x7F4];
	[sflag:s7] =	ssyncadd.s32 $0xFFFFFFB0  }
0xbc: {  	[tilespmem:s12], [sflag:$0x2] =	stream.linear.gather [hbm4b:s10+s4], $0x500, $0x38;
	[tilespmem:$0x1FDB0] =	vst v63  }
0xbd: {  	s16 =	simm.s32 $0x40;
	s19 =	simm.s32 $0x80  }
0xbe: {  	[tilespmem:s17], [sflag:$0x2] =	stream.strided.gather [hbm4b:s13+s16], $0x280, s19, s16, $0x38;
	[tilespmem:$0x1FDB0] =	vst v63  }
0xbf: {  	_ = 	snop  }
0xc0: {  	[tilespmem:s11], [sflag:$0x3] =	stream.indirect.gather [hbm4b:s15+s30], $0x80, s5, s30, $0xb8;
	[tilespmem:$0x1FDB0] =	vst v63  }
0xc1: {  	s21 =	simm.s32 $0x1180  }
0xc2: {  	[tilespmem:s21], [sflag:$0x3] =	stream.indirect.gather [hbm4b:s26+s30], $0x1, s4, s30, $0xb8;
	[tilespmem:$0x1FDB0] =	vst v63  }
0xc3: {  	s31 =	simm.s32 $0x1220  }
0xc4: {  	[tilespmem:s31], [sflag:$0x3] =	stream.indirect.gather [hbm4b:s28+s30], $0x1, s5, s30, $0xb8;
	[tilespmem:$0x1FDB0] =	vst v63  }
0xc5: {  	p1 =	por $0x0, $0x0;
	s5 =	simm.s32 $0x0  }
.LBB2_4:
0xc6: {  	p2 =	seq.s32 s5, $0x7C  }
0xc7: {  	s3 =	simm.s32 @p2 $0x4  }
0xc8: {  	_ =	swait.ge @p2 [sflag:s3], $0x2800  }
0xc9: {  	[sflag:s3] =	ssyncset.done @p2 $0x0  }
0xca: {  	[sflag:s3] =	ssyncadd.s32 @p2 $0xFFFFD800  }
0xcb: {  	_ =	swait.ge @p2 [sflag:s3], $0xA00  }
0xcc: {  	[sflag:s3] =	ssyncset.done @p2 $0x0  }
0xcd: {  	[sflag:s3] =	ssyncadd.s32 @p2 $0xFFFFF600;
	s3 =	simm.s32 @!p2 $0x1  }
0xce: {  	_ =	swait.ge @!p2 [sflag:s3], $0x50  }
0xcf: {  	[sflag:s3] =	ssyncset.done @!p2 $0x0  }
0xd0: {  	[sflag:s3] =	ssyncadd.s32 @!p2 $0xFFFFFFB0  }
0xd1: {  	p3 =	seq.s32 @!p2 s5, $0x0;
	_ =	swait.ge @!p2 [sflag:s3], $0x50  }
0xd2: {  	p3 =	por p3, p2;
	[sflag:s3] =	ssyncset.done @!p2 $0x0  }
0xd3: {  	s6 =	sadd.s32 $0x1, s5;
	[sflag:s3] =	ssyncadd.s32 @!p2 $0xFFFFFFB0;
	s3 =	simm.s32 @!p3 $0x4  }
0xd4: {  	s10 =	smul.u32 @!p2 $0x50, s6;
	_ =	swait.ge @!p3 [sflag:s3], $0x2800  }
0xd5: {  	s7 =	sand.u32 @!p2 $0x1, s6;
	s12 =	simm.s32 @!p2 $0x0;
	[sflag:s3] =	ssyncset.done @!p3 $0x0  }
0xd6: {  	s11 =	smul.u32 @!p2 $0x1400, s7;
	s10 =	sadd.s32 @!p2 s8, s10;
	[sflag:s3] =	ssyncadd.s32 @!p3 $0xFFFFD800  }
0xd7: {  	s13 =	smul.u32 @!p2 $0xA00, s7;
	s10 =	sshll.u32 @!p2 s10, $0x1;
	_ =	swait.ge @!p3 [sflag:s3], $0xA00  }
0xd8: {  	s11 =	sshrl.u32 @!p2 s11, $0x2;
	s10 =	sand.u32 @!p2 $0x1FFFFFE0, s10;
	[sflag:s3] =	ssyncset.done @!p3 $0x0  }
0xd9: {  	[sflag:s3] =	ssyncadd.s32 @!p3 $0xFFFFF600;
	s3 =	sadd.s32 @!p2 $0x780, s11;
	s11 =	sadd.s32 @!p2 s24, s10  }
0xda: {  	[tilespmem:s3], [sflag:$0x2] =	stream.linear.gather @!p2 [hbm4b:s11+s12], $0x500, $0x38;
	[tilespmem:$0x1FDB0] =	vst v63  }
0xdb: {  	s10 =	sadd.s32 @!p2 s25, s10;
	s3 =	sshrl.u32 @!p2 s13, $0x2  }
0xdc: {  	s11 =	simm.s32 @!p2 $0x40;
	s12 =	simm.s32 @!p2 $0x80;
	s3 =	sadd.s32 @!p2 $0x280, s3  }
0xdd: {  	[tilespmem:s3], [sflag:$0x2] =	stream.strided.gather @!p2 [hbm4b:s10+s11], $0x280, s12, s11, $0x38;
	[tilespmem:$0x1FDB0] =	vst v63  }
0xde: {  	s3 =	smul.u32 @!p2 $0xA000, s7;
	s10 =	sand.u32 @!p2 $0x3, s6  }
0xdf: {  	s10 =	smul.u32 @!p2 $0x50, s10  }
0xe0: {  	s12 =	simm.s32 @!p2 $0x50;
	s3 =	sshrl.u32 @!p2 s3, $0x2  }
0xe1: {  	s7 =	smul.u32 @!p2 $0x50, s7;
	s3 =	sadd.s32 @!p2 $0x1310, s3;
	s11 =	sadd.s32 @!p2 $0x140, s10  }
0xe2: {  	[tilespmem:s3], [sflag:$0x3] =	stream.indirect.gather @!p2 [hbm4b:s15+s12], $0x80, s11, s12, $0xb8;
	[tilespmem:$0x1FDB0] =	vst v63  }
0xe3: {  	s3 =	sor.u32 @!p2 $0x1180, s7  }
0xe4: {  	[tilespmem:s3], [sflag:$0x3] =	stream.indirect.gather @!p2 [hbm4b:s26+s12], $0x1, s10, s12, $0xb8;
	[tilespmem:$0x1FDB0] =	vst v63  }
0xe5: {  	s3 =	sadd.s32 @!p2 $0x1220, s7  }
0xe6: {  	[tilespmem:s3], [sflag:$0x3] =	stream.indirect.gather @!p2 [hbm4b:s28+s12], $0x1, s11, s12, $0xb8;
	[tilespmem:$0x1FDB0] =	vst v63  }
0xe7: {  	_ =	swait.ge [sflag:s0], $0x500  }
0xe8: {  	[sflag:s0] =	ssyncset.done $0x0  }
0xe9: {  	[sflag:s0] =	ssyncadd.s32 $0xFFFFFB00  }
0xea: {  	_ =	swait.ge [sflag:s0], $0x280  }
0xeb: {  	[sflag:s0] =	ssyncset.done $0x0  }
0xec: {  	[sflag:s0] =	ssyncadd.s32 $0xFFFFFD80  }
0xed: {  	_ =	swait.ge [sflag:s1], $0x2800  }
0xee: {  	s7 =	sand.u32 $0x1, s5;
	[sflag:s1] =	ssyncset.done $0x0  }
0xef: {  	s12 =	smul.u32 $0xA, s7;
	[sflag:s1] =	ssyncadd.s32 $0xFFFFD800  }
0xf0: {  	_ =	swait.ge [sflag:s1], $0x50  }
0xf1: {  	v8 =	vmov s12;
	[sflag:s1] =	ssyncset.done $0x0  }
0xf2: {  	v8 =	vshll.u32 v8, $0x6;
	[sflag:s1] =	ssyncadd.s32 $0xFFFFFFB0  }
0xf3: {  	v8 =	vor.u32 v1, v8;
	_ =	swait.ge [sflag:s1], $0x50  }
0xf4: {  	s13 =	smul.u32 $0x50, s7;
	v8 =	vor.u32 v2, v8;
	[sflag:s1] =	ssyncset.done $0x0  }
0xf5: {  	[sflag:s1] =	ssyncadd.s32 $0xFFFFFFB0  }
0xf6: {  	v9 =	vld [tilespmem:s13+$0x1180]  }
0xf7: {  	v10 =	vld [tilespmem:s13+$0x1220];
	_ =	sdelay $0x1  }
0xf8: {  	v8 =	vld.idx.msk [tilespmem:v8+s17+$0x0], $0xffff;
	_ =	sdelay $0x2  }
0xf9: {  	v9 =	vadd.f32 v10, v9;
	_ =	sdelay $0x1  }
0xfa: {  	v8 =	vadd.f32 v9, v8;
	_ =	sdelay $0x1  }
0xfb: {  	v9 =	vsub.f32 $0.0e+00, v8;
	v8 =	vmul.f32 $-2.000000030e-01, v8;
	_ =	sdelay $0x1  }
0xfc: {  	v8 =	vmin.f32 v9, v8  }
0xfd: {  	v8 =	vmul.f32 $1.442695020e+00, v8;
	_ =	sdelay $0x1  }
0xfe: {  	(erf) = vpow2.f32 v8  }
0xff: {  	v8 =	vmov s7  }
0x100: {  	v8 =	vmul.u32 $0xA00, v8;
	_ =	sdelay $0x1  }
0x101: {  	v8 =	vbroadcast v8, $0x0;
	_ =	sdelay $0x1  }
0x102: {  	s16 =	sadd.s32 $0x2, s12;
	v9 =	vor.u32 v3, v8  }
0x103: {  	v10 =	vmov s16  }
0x104: {  	v10 =	vshll.u32 v10, $0x6  }
0x105: {  	v10 =	vor.u32 v1, v10;
	v11 =	vpop (erf)  }
0x106: {  	v10 =	vor.u32 v2, v10;
	[tilespmem:$0x12C0] =	vst v11  }
0x107: {  	[tilespmem:v9+s29+$0x0] =	vst.idx.msk $0xffff, v11  }
0x108: {  	v9 =	vld [tilespmem:s13+$0x1190]  }
0x109: {  	v11 =	vld [tilespmem:s13+$0x1230];
	_ =	sdelay $0x1  }
0x10a: {  	v10 =	vld.idx.msk [tilespmem:v10+s17+$0x0], $0xffff;
	_ =	sdelay $0x2  }
0x10b: {  	v9 =	vadd.f32 v11, v9;
	_ =	sdelay $0x1  }
0x10c: {  	v9 =	vadd.f32 v9, v10;
	_ =	sdelay $0x1  }
0x10d: {  	v10 =	vsub.f32 $0.0e+00, v9;
	v9 =	vmul.f32 $-2.000000030e-01, v9;
	_ =	sdelay $0x1  }
0x10e: {  	v9 =	vmin.f32 v10, v9  }
0x10f: {  	v9 =	vmul.f32 $1.442695020e+00, v9;
	_ =	sdelay $0x1  }
0x110: {  	(erf) = vpow2.f32 v9;
	_ =	sdelay $0x5  }
0x111: {  	s19 =	sadd.s32 $0x4, s12;
	v9 =	vadd.s32 v4, v8  }
0x112: {  	v10 =	vmov s19  }
0x113: {  	v10 =	vshll.u32 v10, $0x6  }
0x114: {  	v10 =	vor.u32 v1, v10;
	v11 =	vpop (erf)  }
0x115: {  	v10 =	vor.u32 v2, v10;
	[tilespmem:$0x12D0] =	vst v11  }
0x116: {  	[tilespmem:v9+s29+$0x0] =	vst.idx.msk $0xffff, v11  }
0x117: {  	v9 =	vld [tilespmem:s13+$0x11A0]  }
0x118: {  	v11 =	vld [tilespmem:s13+$0x1240];
	_ =	sdelay $0x1  }
0x119: {  	v10 =	vld.idx.msk [tilespmem:v10+s17+$0x0], $0xffff;
	_ =	sdelay $0x2  }
0x11a: {  	v9 =	vadd.f32 v11, v9;
	_ =	sdelay $0x1  }
0x11b: {  	v9 =	vadd.f32 v9, v10;
	_ =	sdelay $0x1  }
0x11c: {  	v10 =	vsub.f32 $0.0e+00, v9;
	v9 =	vmul.f32 $-2.000000030e-01, v9;
	_ =	sdelay $0x1  }
0x11d: {  	v9 =	vmin.f32 v10, v9  }
0x11e: {  	v9 =	vmul.f32 $1.442695020e+00, v9;
	_ =	sdelay $0x1  }
0x11f: {  	(erf) = vpow2.f32 v9;
	_ =	sdelay $0x5  }
0x120: {  	s21 =	sadd.s32 $0x6, s12;
	v9 =	vadd.s32 v5, v8  }
0x121: {  	v10 =	vmov s21  }
0x122: {  	v10 =	vshll.u32 v10, $0x6  }
0x123: {  	v10 =	vor.u32 v1, v10;
	v11 =	vpop (erf)  }
0x124: {  	v10 =	vor.u32 v2, v10;
	[tilespmem:$0x12E0] =	vst v11  }
0x125: {  	[tilespmem:v9+s29+$0x0] =	vst.idx.msk $0xffff, v11  }
0x126: {  	v9 =	vld [tilespmem:s13+$0x11B0]  }
0x127: {  	v11 =	vld [tilespmem:s13+$0x1250];
	_ =	sdelay $0x1  }
0x128: {  	v10 =	vld.idx.msk [tilespmem:v10+s17+$0x0], $0xffff;
	_ =	sdelay $0x2  }
0x129: {  	v9 =	vadd.f32 v11, v9;
	_ =	sdelay $0x1  }
0x12a: {  	v9 =	vadd.f32 v9, v10;
	_ =	sdelay $0x1  }
0x12b: {  	v10 =	vsub.f32 $0.0e+00, v9;
	v9 =	vmul.f32 $-2.000000030e-01, v9;
	_ =	sdelay $0x1  }
0x12c: {  	v9 =	vmin.f32 v10, v9  }
0x12d: {  	v9 =	vmul.f32 $1.442695020e+00, v9;
	_ =	sdelay $0x1  }
0x12e: {  	(erf) = vpow2.f32 v9;
	_ =	sdelay $0x5  }
0x12f: {  	s12 =	sadd.s32 $0x8, s12;
	v9 =	vadd.s32 v6, v8  }
0x130: {  	v10 =	vmov s12  }
0x131: {  	v10 =	vshll.u32 v10, $0x6  }
0x132: {  	v10 =	vor.u32 v1, v10;
	v11 =	vpop (erf)  }
0x133: {  	v10 =	vor.u32 v2, v10;
	[tilespmem:$0x12F0] =	vst v11  }
0x134: {  	[tilespmem:v9+s29+$0x0] =	vst.idx.msk $0xffff, v11  }
0x135: {  	v9 =	vld [tilespmem:s13+$0x11C0]  }
0x136: {  	v11 =	vld [tilespmem:s13+$0x1260];
	_ =	sdelay $0x1  }
0x137: {  	v10 =	vld.idx.msk [tilespmem:v10+s17+$0x0], $0xffff;
	_ =	sdelay $0x2  }
0x138: {  	v9 =	vadd.f32 v11, v9;
	_ =	sdelay $0x1  }
0x139: {  	v9 =	vadd.f32 v9, v10;
	_ =	sdelay $0x1  }
0x13a: {  	v10 =	vsub.f32 $0.0e+00, v9;
	v9 =	vmul.f32 $-2.000000030e-01, v9;
	_ =	sdelay $0x1  }
0x13b: {  	v9 =	vmin.f32 v10, v9  }
0x13c: {  	v9 =	vmul.f32 $1.442695020e+00, v9;
	_ =	sdelay $0x1  }
0x13d: {  	(erf) = vpow2.f32 v9;
	_ =	sdelay $0x5  }
0x13e: {  	s3 =	simm.s32 $0x1;
	v8 =	vadd.s32 v7, v8  }
0x13f: {  	s3 =	simm.s32 @!p1 $0x0  }
0x140: {  	s13 =	smul.u32 $0xA000, s3  }
0x141: {  	v9 =	vpop (erf)  }
0x142: {  	v13 =	vmov s4;
	s10 =	sshrl.u32 s13, $0x2;
	[tilespmem:$0x1300] =	vst v9  }
0x143: {  	s12 =	sadd.s32 $0x1350, s10;
	[tilespmem:v8+s29+$0x0] =	vst.idx.msk $0xffff, v9  }
0x144: {  	v10 =	vld [tilespmem:s12+$0x20]  }
0x145: {  	s16 =	smul.u32 $0x1400, s3;
	v12 =	vld [tilespmem:s12+$0xFFFFFFD0]  }
0x146: {  	s3 =	smul.u32 $0x2800, s3;
	v11 =	vld [tilespmem:s12+$0xFFFFFFC0]  }
0x147: {  	s19 =	smul.u32 $0x2800, s7;
	v8 =	vld.idx.msk [tilespmem:v13+s2+$0x0], $0xffff  }
0x148: {  	s3 =	sshrl.u32 s3, $0x2;
	v13 =	vld [tilespmem:s12+$0x10]  }
0x149: {  	s21 =	sshrl.u32 s19, $0x2;
	s10 =	sshrl.u32 s16, $0x2;
	s11 =	sadd.s32 $0x6310, s3;
	v9 =	vld [tilespmem:s12+$0xFFFFFFF0]  }
0x14a: {  	s3 =	simm.s32 $0x1;
	s16 =	sadd.s32 $0x780, s10;
	s10 =	sadd.s32 $0x6310, s21;
	v14 =	vld [tilespmem:s12+$0x0]  }
0x14b: {  	s13 =	smov.u32 s12;
	s31 =	smov.u32 s11;
	s19 =	smov.u32 s16;
	v15 =	vld [tilespmem:s12+$0xFFFFFFE0]  }
.LBB2_5:
0x14c: {  	v12 =	vmul.f32 v12, v8;
	v10 =	vmul.f32 v10, v8;
	s16 =	sadd.s32 $0x10, s16;
	s11 =	sadd.s32 $0x20, s11;
	s12 =	sadd.s32 $0x80, s12  }
0x14d: {  	p2 =	sne.s32 s3, $0x4F;
	v11 =	vmul.f32 v11, v8;
	s21 =	smov.u32 s3;
	s3 =	sadd.s32 $0x1, s3;
	v13 =	vmul.f32 v13, v8;
	v16 =	vld [tilespmem:s13+$0x30]  }
0x14e: {  	[tilespmem:s13+$0xFFFFFFD0] =	vst v12  }
0x14f: {  	[tilespmem:s13+$0xFFFFFFC0] =	vst v11;
	v11 =	vmul.f32 v14, v8  }
0x150: {  	v9 =	vmul.f32 v9, v8;
	v12 =	vmul.f32 v15, v8;
	[tilespmem:s13+$0x20] =	vst v10  }
0x151: {  	[tilespmem:s13+$0x0] =	vst v11  }
0x152: {  	v14 =	vmov s21;
	[tilespmem:s13+$0x10] =	vst v13;
	v10 =	vmul.f32 v16, v8  }
0x153: {  	[tilespmem:s13+$0xFFFFFFE0] =	vst v12  }
0x154: {  	[tilespmem:s13+$0x30] =	vst v10  }
0x155: {  	[tilespmem:s13+$0xFFFFFFF0] =	vst v9;
	s13 =	smov.u32 s12  }
0x156: {  	v9 =	vld [tilespmem:s19+$0x0];
	s19 =	smov.u32 s16;
	_ =	sdelay $0x4  }
0x157: {  	v8 =	vmul.f32 v9, v8;
	_ =	sdelay $0x1  }
0x158: {  	[tilespmem:s31+$0x0] =	vst v8;
	s31 =	smov.u32 s11  }
0x159: {  	v10 =	vld [tilespmem:s12+$0x20]  }
0x15a: {  	v12 =	vld [tilespmem:s12+$0xFFFFFFD0]  }
0x15b: {  	v11 =	vld [tilespmem:s12+$0xFFFFFFC0]  }
0x15c: {  	v8 =	vld.idx.msk [tilespmem:v14+s2+$0x0], $0xffff  }
.Ltmp1:
0x15d: {  	v9 =	vld [tilespmem:s12+$0xFFFFFFF0];
	(pc) =	sbr.rel @p2 .LBB2_5-.Ltmp1, $3  }
0x15e: {  	v13 =	vld [tilespmem:s12+$0x10];
	_ =	sdelay $0x1  }
0x15f: {  	v14 =	vld [tilespmem:s12+$0x0]  }
0x160: {  	v15 =	vld [tilespmem:s12+$0xFFFFFFE0]  }
0x161: {  	v12 =	vmul.f32 v12, v8  }
0x162: {  	v11 =	vmul.f32 v11, v8  }
0x163: {  	v16 =	vld [tilespmem:s13+$0x30];
	v10 =	vmul.f32 v10, v8;
	[tilespmem:s13+$0xFFFFFFD0] =	vst v12  }
0x164: {  	v9 =	vmul.f32 v9, v8;
	[tilespmem:s13+$0xFFFFFFC0] =	vst v11  }
0x165: {  	v61 =	vmul.f32 v13, v8;
	[tilespmem:s13+$0x20] =	vst v10  }
0x166: {  	[tilespmem:s13+$0xFFFFFFF0] =	vst v9;
	v60 =	vmul.f32 v14, v8  }
0x167: {  	[tilespmem:s13+$0x10] =	vst v61;
	v62 =	vmul.f32 v15, v8  }
0x168: {  	[tilespmem:s13+$0x0] =	vst v60;
	v63 =	vmul.f32 v16, v8  }
0x169: {  	[tilespmem:s13+$0xFFFFFFE0] =	vst v62  }
0x16a: {  	[tilespmem:s13+$0x30] =	vst v63  }
0x16b: {  	v9 =	vld [tilespmem:s19+$0x0];
	_ =	sdelay $0x3  }
0x16c: {  	s3 =	sand.u32 $0x3, s5;
	s7 =	smul.u32 $0xA000, s7  }
0x16d: {  	s3 =	smul.u32 $0x140, s3;
	v8 =	vmul.f32 v9, v8  }
0x16e: {  	p2 =	sgt.u32 s5, $0x7A;
	s7 =	sshrl.u32 s7, $0x2  }
0x16f: {  	s5 =	sadd.s32 @!p2 $0x2, s5;
	s7 =	sadd.s32 $0x1310, s7;
	s3 =	sshrl.u32 s3, $0x2;
	[tilespmem:s31+$0x0] =	vst v8  }
0x170: {  	[spmem:s18] =	stream.indirect.scatter.add.f32 [tilespmem:s7], [sflag:$0x4], $0x80, s3, s30, $0xb8;
	[tilespmem:$0x1FDB0] =	vst v63  }
0x171: {  	s7 =	smul.u32 @!p2 $0x50, s5  }
0x172: {  	[spmem:s20] =	stream.indirect.scatter.add.f32 [tilespmem:s10], [sflag:$0x4], $0x20, s3, s30, $0xb8;
	[tilespmem:$0x1FDB0] =	vst v63  }
0x173: {  	s5 =	sand.u32 @!p2 $0x3, s5;
	s3 =	sadd.s32 @!p2 s8, s7  }
0x174: {  	s5 =	smul.u32 @!p2 $0x50, s5;
	s3 =	sshrl.u32 @!p2 s3, $0x3  }
0x175: {  	s10 =	simm.s32 @!p2 $0x0;
	s7 =	sadd.s32 @!p2 s22, s3  }
0x176: {  	[tilespmem:s5], [sflag:$0x1] =	stream.linear.gather @!p2 [hbm4b:s7+s10], $0x50, $0x38;
	[tilespmem:$0x1FDB0] =	vst v63  }
0x177: {  	s3 =	sadd.s32 @!p2 s23, s3;
	s5 =	sadd.s32 @!p2 $0x140, s5  }
0x178: {  	[tilespmem:s5], [sflag:$0x1] =	stream.linear.gather @!p2 [hbm4b:s3+s10], $0x50, $0x38;
	[tilespmem:$0x1FDB0] =	vst v63  }
0x179: {  	p2 =	sne.s32 s6, $0x7D  }
.Ltmp2:
0x17a: {  	_ = 	snop;
	(pc) =	sbr.rel @p2 .LBB2_4-.Ltmp2, $2  }
0x17b: {  	_ =	sdelay $0x2  }
0x17c: {  	p1 =	por !p1, !p1;
	s5 =	smov.u32 s6  }
0x17d: {  	s3 =	simm.s32 $0x4  }
0x17e: {  	_ =	swait.ge [sflag:s3], $0x2800  }
0x17f: {  	[sflag:s3] =	ssyncset.done $0x0  }
0x180: {  	[sflag:s3] =	ssyncadd.s32 $0xFFFFD800  }
0x181: {  	_ =	swait.ge [sflag:s3], $0xA00  }
0x182: {  	[sflag:s3] =	ssyncset.done $0x0  }
0x183: {  	[sflag:s3] =	ssyncadd.s32 $0xFFFFF600  }
0x184: {  	s4 =	stileid.u32;
	[bflag:$0x0] =	sbarrier.arrive $0xFFFF  }
0x185: {  	s3 =	sshll.u32 s4, $0x6;
	s5 =	rddreg [dreg:$0x15]  }
0x186: {  	s4 =	sor.u32 $0x1C05, s3;
	s3 =	sshrl.u32 s5, $0x3;
	s5 =	rddreg [dreg:$0x5]  }
0x187: {  	[hbm:s5], [sflag:s4] =	dma.local [spmem:s3], $0x500  }
0x188: {  	_ =	swait.ge [sflag:s14], $0x500  }
0x189: {  	[sflag:s14] =	ssyncset.done $0x0;
	s6 =	rddreg [dreg:$0x16]  }
0x18a: {  	s7 =	rddreg [dreg:$0xd];
	[sflag:s14] =	ssyncadd.s32 $0xFFFFFB00;
	s3 =	sshrl.u32 s6, $0x3  }
0x18b: {  	[hbm:s7], [sflag:s4] =	dma.local [spmem:s3], $0x140  }
0x18c: {  	_ =	swait.ge [sflag:s14], $0x140  }
0x18d: {  	[sflag:s14] =	ssyncset.done $0x0;
	s10 =	rddreg [dreg:$0x17]  }
0x18e: {  	s11 =	rddreg [dreg:$0x6];
	[sflag:s14] =	ssyncadd.s32 $0xFFFFFEC0;
	s3 =	sshrl.u32 s10, $0x3  }
0x18f: {  	[hbm:s11], [sflag:s4] =	dma.local [spmem:s3], $0x500  }
0x190: {  	_ =	swait.ge [sflag:s14], $0x500  }
0x191: {  	[sflag:s14] =	ssyncset.done $0x0;
	s13 =	rddreg [dreg:$0x18]  }
0x192: {  	s16 =	rddreg [dreg:$0xe];
	[sflag:s14] =	ssyncadd.s32 $0xFFFFFB00;
	s12 =	sshrl.u32 s13, $0x3  }
0x193: {  	[hbm:s16], [sflag:s4] =	dma.local [spmem:s12], $0x140  }
0x194: {  	_ =	swait.ge [sflag:s14], $0x140  }
0x195: {  	[sflag:s14] =	ssyncset.done $0x0;
	s6 =	rddreg [dreg:$0x19]  }
0x196: {  	s21 =	rddreg [dreg:$0x7];
	[sflag:s14] =	ssyncadd.s32 $0xFFFFFEC0;
	s19 =	sshrl.u32 s6, $0x3  }
0x197: {  	[hbm:s21], [sflag:s4] =	dma.local [spmem:s19], $0x500  }
0x198: {  	_ =	swait.ge [sflag:s14], $0x500  }
0x199: {  	[sflag:s14] =	ssyncset.done $0x0;
	s5 =	rddreg [dreg:$0x1a]  }
0x19a: {  	s7 =	rddreg [dreg:$0xf];
	[sflag:s14] =	ssyncadd.s32 $0xFFFFFB00;
	s3 =	sshrl.u32 s5, $0x3  }
0x19b: {  	[hbm:s7], [sflag:s4] =	dma.local [spmem:s3], $0x140  }
0x19c: {  	_ =	swait.ge [sflag:s14], $0x140  }
0x19d: {  	[sflag:s14] =	ssyncset.done $0x0;
	s10 =	rddreg [dreg:$0x1b]  }
0x19e: {  	s11 =	rddreg [dreg:$0x8];
	[sflag:s14] =	ssyncadd.s32 $0xFFFFFEC0;
	s3 =	sshrl.u32 s10, $0x3  }
0x19f: {  	[hbm:s11], [sflag:s4] =	dma.local [spmem:s3], $0x500  }
0x1a0: {  	_ =	swait.ge [sflag:s14], $0x500  }
0x1a1: {  	[sflag:s14] =	ssyncset.done $0x0;
	s12 =	rddreg [dreg:$0x1c]  }
0x1a2: {  	s16 =	rddreg [dreg:$0x10];
	[sflag:s14] =	ssyncadd.s32 $0xFFFFFB00;
	s3 =	sshrl.u32 s12, $0x3  }
0x1a3: {  	[hbm:s16], [sflag:s4] =	dma.local [spmem:s3], $0x140  }
0x1a4: {  	_ =	swait.ge [sflag:s14], $0x140  }
0x1a5: {  	[sflag:s14] =	ssyncset.done $0x0;
	s10 =	rddreg [dreg:$0x1d]  }
0x1a6: {  	s21 =	rddreg [dreg:$0x9];
	[sflag:s14] =	ssyncadd.s32 $0xFFFFFEC0;
	s19 =	sshrl.u32 s10, $0x3  }
0x1a7: {  	[hbm:s21], [sflag:s4] =	dma.local [spmem:s19], $0x500  }
0x1a8: {  	_ =	swait.ge [sflag:s14], $0x500  }
0x1a9: {  	[sflag:s14] =	ssyncset.done $0x0;
	s16 =	rddreg [dreg:$0x1e]  }
0x1aa: {  	s7 =	rddreg [dreg:$0x11];
	[sflag:s14] =	ssyncadd.s32 $0xFFFFFB00;
	s5 =	sshrl.u32 s16, $0x3  }
0x1ab: {  	[hbm:s7], [sflag:s4] =	dma.local [spmem:s5], $0x140  }
0x1ac: {  	_ =	swait.ge [sflag:s14], $0x140  }
0x1ad: {  	[sflag:s14] =	ssyncset.done $0x0;
	s7 =	rddreg [dreg:$0x1f]  }
0x1ae: {  	s12 =	rddreg [dreg:$0xa];
	[sflag:s14] =	ssyncadd.s32 $0xFFFFFEC0;
	s11 =	sshrl.u32 s7, $0x3  }
0x1af: {  	[hbm:s12], [sflag:s4] =	dma.local [spmem:s11], $0x500  }
0x1b0: {  	_ =	swait.ge [sflag:s14], $0x500  }
0x1b1: {  	s19 =	sld [smem:$0x7ED];
	_ =	sdelay $0x1  }
0x1b2: {  	[sflag:s14] =	ssyncset.done $0x0  }
0x1b3: {  	s21 =	rddreg [dreg:$0x12];
	[sflag:s14] =	ssyncadd.s32 $0xFFFFFB00;
	s3 =	sshrl.u32 s19, $0x3  }
0x1b4: {  	[hbm:s21], [sflag:s4] =	dma.local [spmem:s3], $0x140  }
0x1b5: {  	_ =	swait.ge [sflag:s14], $0x140  }
0x1b6: {  	s5 =	sld [smem:$0x7EE];
	_ =	sdelay $0x1  }
0x1b7: {  	[sflag:s14] =	ssyncset.done $0x0  }
0x1b8: {  	s11 =	rddreg [dreg:$0xb];
	[sflag:s14] =	ssyncadd.s32 $0xFFFFFEC0;
	s3 =	sshrl.u32 s5, $0x3  }
0x1b9: {  	[hbm:s11], [sflag:s4] =	dma.local [spmem:s3], $0x500  }
0x1ba: {  	_ =	swait.ge [sflag:s14], $0x500  }
0x1bb: {  	s19 =	sld [smem:$0x7FA];
	_ =	sdelay $0x1  }
0x1bc: {  	[sflag:s14] =	ssyncset.done $0x0  }
0x1bd: {  	s21 =	rddreg [dreg:$0x13];
	[sflag:s14] =	ssyncadd.s32 $0xFFFFFB00;
	s12 =	sshrl.u32 s19, $0x3  }
0x1be: {  	[hbm:s21], [sflag:s4] =	dma.local [spmem:s12], $0x140  }
0x1bf: {  	_ =	swait.ge [sflag:s14], $0x140  }
0x1c0: {  	s12 =	sld [smem:$0x7FB];
	_ =	sdelay $0x1  }
0x1c1: {  	[sflag:s14] =	ssyncset.done $0x0  }
0x1c2: {  	s21 =	rddreg [dreg:$0xc];
	[sflag:s14] =	ssyncadd.s32 $0xFFFFFEC0;
	s11 =	sshrl.u32 s12, $0x3  }
0x1c3: {  	[hbm:s21], [sflag:s4] =	dma.local [spmem:s11], $0x400  }
0x1c4: {  	_ =	swait.ge [sflag:s14], $0x400  }
0x1c5: {  	s21 =	sld [smem:$0x7FC];
	_ =	sdelay $0x1  }
0x1c6: {  	[sflag:s14] =	ssyncset.done $0x0  }
0x1c7: {  	s11 =	rddreg [dreg:$0x14];
	[sflag:s14] =	ssyncadd.s32 $0xFFFFFC00;
	s5 =	sshrl.u32 s21, $0x3  }
0x1c8: {  	[hbm:s11], [sflag:s4] =	dma.local [spmem:s5], $0x100  }
0x1c9: {  	_ =	swait.ge [sflag:s14], $0x100  }
0x1ca: {  	s31 =	sld [smem:$0x7FD]  }
0x1cb: {  	s5 =	sld [smem:$0x7F5]  }
0x1cc: {  	[sflag:s14] =	ssyncset.done $0x0  }
0x1cd: {  	[sflag:s14] =	ssyncadd.s32 $0xFFFFFF00;
	s3 =	sshrl.u32 @!p0 s31, $0x3  }
0x1ce: {  	[hbm:s5], [sflag:s4] =	dma.local @!p0 [spmem:s3], $0x100  }
0x1cf: {  	s3 =	simm.s32 @!p0 $0x5  }
0x1d0: {  	_ =	swait.ge @!p0 [sflag:s3], $0x100  }
0x1d1: {  	s5 =	sld [smem:$0x7F9]  }
0x1d2: {  	s11 =	sld [smem:$0x7F6]  }
0x1d3: {  	[sflag:s3] =	ssyncset.done @!p0 $0x0  }
0x1d4: {  	[sflag:s3] =	ssyncadd.s32 @!p0 $0xFFFFFF00;
	s5 =	sshrl.u32 @!p0 s5, $0x3  }
0x1d5: {  	[hbm:s11], [sflag:s4] =	dma.local @!p0 [spmem:s5], $0x40  }
0x1d6: {  	_ =	swait.ge @!p0 [sflag:s3], $0x40  }
0x1d7: {  	s11 =	sld [smem:$0x7F8];
	_ =	sdelay $0x1  }
0x1d8: {  	s9 =	sadd.s32 $0x1, s9  }
0x1d9: {  	p1 =	sne.s32 s9, s11  }
.Ltmp3:
0x1da: {  	_ = 	snop;
	(pc) =	sbr.rel @p1 .LBB2_1-.Ltmp3, $3  }
0x1db: {  	_ =	sdelay $0x1  }
0x1dc: {  	[sflag:s3] =	ssyncset.done @!p0 $0x0  }
0x1dd: {  	[sflag:s3] =	ssyncadd.s32 @!p0 $0xFFFFFFC0  }
0x1de: {  	_ =	sfence.sel $0x180000  }
0x1df: {  	[bflag:$0x0] =	sbarrier.arrive $0xFFFF  }
0x1e0: {  	_ =	strace $0x90000047  }
0x1e1: {  	s0 =	stileid.u32;
	[bflag:$0x2] =	sbarrier.arrive $0xFFFF  }
0x1e2: {  	p0 =	sne.s32 s0, $0x0;
	s0 =	rddreg [dreg:$0x4]  }
0x1e3: {  	s0 =	sadd.s32 @!p0 $0x100000, s0  }
0x1e4: {  	[sflag:s0] =	ssyncadd.tile.s32 @!p0 $0x1;
	_ =	shalt  }
.Lfunc_end2:
_tile_overlayer_lowered:
.L_overlay_start_2:
0x1e5: {  	(tag) =	ssettag $0x2  }
0x1e6: {  	s0 =	rddreg [dreg:$0x0];
	s2 =	stileid.u32  }
0x1e7: {  	s1 =	rddreg [dreg:$0x1];
	p0 =	sne.s32 s2, $0x0  }
0x1e8: {  	s3 =	rddreg [dreg:$0x2];
	[bflag:$0x3] =	sbarrier.arrive $0xFFFF;
	s2 =	simm.s32 @!p0 $0x1C05  }
0x1e9: {  	[timem:s3], [sflag:s2] =	dma.local @!p0 [hbm:s0], s1  }
0x1ea: {  	s0 =	simm.s32 @!p0 $0x5  }
0x1eb: {  	_ =	swait.ge @!p0 [sflag:s0], s1  }
0x1ec: {  	s1 =	ssub.s32 @!p0 $0x0, s1;
	[sflag:s0] =	ssyncset.done @!p0 $0x0  }
0x1ed: {  	[sflag:s0] =	ssyncadd.s32 @!p0 s1  }
0x1ee: {  	[bflag:$0x3] =	sbarrier.arrive $0xFFFF  }
0x1ef: {  	_ =	shalt  }

</sc_bundles>
